<compile_context>
chip_gen: v7x
topology: tpu7x:2x2x1
jax: 0.10.2.dev20260603
libtpu: 0.0.44.dev20260713+nightly
codegen_flags: <defaults>
</compile_context>

<pallas_src>
import functools
import math

import jax
import jax.numpy as jnp
from jax import lax
from jax.experimental import pallas as pl
from jax.experimental.pallas import tpu as pltpu
from jax.experimental.pallas import tpu_sc as plsc

_SIZE = 32000
_PAD = 0
_SMOOTH = 0.1
_CONF = 1.0 - _SMOOTH
_FILL = _SMOOTH / (_SIZE - 2)
_C0 = _CONF * math.log(_CONF) + _SMOOTH * math.log(_FILL)
_K = _CONF / _FILL

_ROWS = 128

_NC, _NS, _L = 2, 16, 16
_NW = _NC * _NS
_N = 2048
_BPW = _N // _NW


def _tc_body(t_ref, x_ref, out_ref):
    j = pl.program_id(0)
    x = x_ref[...]
    r, size = x.shape
    t = t_ref[:, 0]

    p = jnp.zeros((r, 128), jnp.float32)
    for k in range(size // 128):
        xs = x[:, k * 128:(k + 1) * 128]
        cid = k * 128 + jax.lax.broadcasted_iota(jnp.int32, (r, 128), 1)
        z = jnp.where(cid == t[:, None], _K * xs, xs)
        if k == 0:
            z = jnp.where(cid == 0, 0.0, z)
        p = p + z

    ones = jnp.ones((128, 1), jnp.float32)
    rowz = jax.lax.dot(p, ones, preferred_element_type=jnp.float32)[:, 0]
    validf = (t != _PAD).astype(jnp.float32)
    partial = jnp.sum(validf * rowz)

    @pl.when(j == 0)
    def _():
        out_ref[...] = partial.reshape(1, 1)

    @pl.when(j > 0)
    def _():
        out_ref[...] += partial.reshape(1, 1)


_sc_mesh = plsc.VectorSubcoreMesh(
    core_axis_name="c", subcore_axis_name="s",
    num_cores=_NC, num_subcores=_NS)


@functools.partial(
    pl.kernel,
    out_type=jax.ShapeDtypeStruct((_NW, _L), jnp.float32),
    mesh=_sc_mesh,
    scratch_types=[
        pltpu.VMEM((_BPW,), jnp.int32),
        pltpu.VMEM((_L,), jnp.float32),
    ],
)
def _sc_count(tgt_hbm, out_n, tgt_v, an_v):
    wid = lax.axis_index("s") * _NC + lax.axis_index("c")
    base = wid * _BPW
    pltpu.sync_copy(tgt_hbm.at[pl.ds(base, _BPW)], tgt_v)
    acc_n = jnp.zeros((_L,), jnp.float32)
    for g in range(_BPW // _L):
        tv = tgt_v[pl.ds(g * _L, _L)]
        acc_n += jnp.where(tv != _PAD, 1.0, 0.0)
    an_v[...] = acc_n
    pltpu.sync_copy(an_v, out_n.at[wid])


@jax.jit
def kernel(x, target):
    n, size = x.shape
    t2 = target.reshape(n, 1)
    grid = n // _ROWS
    s = pl.pallas_call(
        _tc_body,
        grid=(grid,),
        in_specs=[
            pl.BlockSpec((_ROWS, 1), lambda j: (j, 0)),
            pl.BlockSpec((_ROWS, size), lambda j: (j, 0)),
        ],
        out_specs=pl.BlockSpec((1, 1), lambda j: (0, 0)),
        out_shape=jax.ShapeDtypeStruct((1, 1), jnp.float32),
    )(t2, x)[0, 0]

    nv = jnp.sum(_sc_count(target))
    return nv * _C0 - _FILL * s

# --- scband reference (transcript-rebuilt; emitter-appended) ---
"""Pipeline reference for scband-label-smoothing-58488864637072 (READ-ONLY COPY).

The authoritative reference and input builder live on the scoring server;
editing this copy changes nothing except your own understanding.
"""

import jax, jax.numpy as jnp
import numpy as np

SIZE = 32000
PADDING_IDX = 0
SMOOTHING = 0.1
CONFIDENCE = 1.0 - SMOOTHING


def setup_inputs(seed: int = 0) -> dict:
    key = jax.random.key(seed)
    k1, k2 = jax.random.split(key)
    x = jax.random.normal(k1, (2048, SIZE), dtype=jnp.float32)
    target = jax.random.randint(k2, (2048,), 0, SIZE, dtype=jnp.int32)
    return {"x": x, "target": target}


def reference(x, target):
    # Faithful port of LabelSmoothing.forward with nn.KLDivLoss(reduction='sum')
    n = x.shape[0]
    fill_val = SMOOTHING / (SIZE - 2)
    true_dist = jnp.full((n, SIZE), fill_val, dtype=x.dtype)
    # scatter_(1, target.unsqueeze(1), confidence)
    true_dist = true_dist.at[jnp.arange(n), target].set(CONFIDENCE)
    # true_dist[:, padding_idx] = 0
    true_dist = true_dist.at[:, PADDING_IDX].set(0.0)
    # true_dist[target == padding_idx] = 0
    mask = (target == PADDING_IDX)
    true_dist = jnp.where(mask[:, None], 0.0, true_dist)
    # KLDivLoss(reduction='sum'): sum over target * (log(target) - input),
    # with entries where target == 0 contributing exactly 0 (torch semantics)
    pointwise = jnp.where(true_dist > 0, true_dist * (jnp.log(jnp.where(true_dist > 0, true_dist, 1.0)) - x), 0.0)
    return jnp.sum(pointwise)

if __name__ == "__main__":
    import jax
    _d = setup_inputs()
    print(jax.jit(kernel)(*tuple(_d.values())))

</pallas_src>

<mosaic_0001>
#map = affine_map<(d0, d1) -> (0)>
#map1 = affine_map<(d0, d1) -> (0, 0)>
module attributes {stable_mosaic.version = 14 : i64} {
  func.func @_sc_count(%arg0: i32, %arg1: i32, %arg2: memref<2048xi32, #tpu.memory_space<hbm>>, %arg3: memref<32x16xf32, #tpu.memory_space<hbm>>, %arg4: memref<64xi32, #tpu.memory_space<vmem>>, %arg5: memref<16xf32, #tpu.memory_space<vmem>>) attributes {dimension_semantics = [#tpu.dimension_semantics<core_parallel>, #tpu.dimension_semantics<subcore_parallel>], iteration_bounds = array<i64: 2, 16>, scalar_prefetch = 0 : i64, scratch_operands = 2 : i64, tpu.core_type = #tpu.core_type<sc_vector_subcore>, window_params = [{transform_indices = #map}, {transform_indices = #map1}]} {
    %mul3A = arith.constant 2 : i32
    %mul3A_0 = arith.muli %arg1, %mul3A : i32
    %add3A = arith.addi %mul3A_0, %arg0 : i32
    %mul3A_1 = arith.constant 64 : i32
    %mul3A_2 = arith.muli %add3A, %mul3A_1 : i32
    "tpu.region"() ({
      %run_scoped3A = tpu.sem_alloc : memref<!tpu.dma_semaphore, #tpu.memory_space<semaphore_mem>>
      %dma_start3A = tpu.memref_slice %arg2[%mul3A_2] : memref<2048xi32, #tpu.memory_space<hbm>> -> memref<64xi32, #tpu.memory_space<hbm>>
      %dma_start3A_51 = tpu.memref_slice %arg2[%mul3A_2] : memref<2048xi32, #tpu.memory_space<hbm>> -> memref<64xi32, #tpu.memory_space<hbm>>
      tpu.enqueue_dma source(%dma_start3A_51 : memref<64xi32, #tpu.memory_space<hbm>>) target(%arg4 : memref<64xi32, #tpu.memory_space<vmem>>) target_semaphore(%run_scoped3A : memref<!tpu.dma_semaphore, #tpu.memory_space<semaphore_mem>>)
      %dma_wait3A = tpu.memref_slice %arg2[%mul3A_2] : memref<2048xi32, #tpu.memory_space<hbm>> -> memref<64xi32, #tpu.memory_space<hbm>>
      %dma_wait3A_52 = tpu.memref_slice %arg2[%mul3A_2] : memref<2048xi32, #tpu.memory_space<hbm>> -> memref<64xi32, #tpu.memory_space<hbm>>
      tpu.wait_dma2 semaphore(%run_scoped3A : memref<!tpu.dma_semaphore, #tpu.memory_space<semaphore_mem>>) src(%dma_wait3A_52 : memref<64xi32, #tpu.memory_space<hbm>>) dst(%arg4 : memref<64xi32, #tpu.memory_space<vmem>>)
      tpu.yield
    }) : () -> ()
    %broadcast_in_dim3A = arith.constant 0.000000e+00 : f32
    %broadcast_in_dim3A_3 = vector.broadcast %broadcast_in_dim3A : f32 to vector<16xf32>
    %get3A = arith.constant 0 : index
    %get3A_4 = tpu.vector_load %arg4[%get3A] {strides = array<i32>} : memref<64xi32, #tpu.memory_space<vmem>>, vector<16xi32>,
    %get3A_5 = vector.shape_cast %get3A_4 : vector<16xi32> to vector<16xi32>
    %ne3A = arith.constant 0 : i32
    %ne3A_6 = vector.broadcast %ne3A : i32 to vector<16xi32>
    %ne3A_7 = arith.cmpi ne, %get3A_5, %ne3A_6 : vector<16xi32>
    %jit3A = arith.constant 1.000000e+00 : f32
    %jit3A_8 = arith.constant 0.000000e+00 : f32
    %broadcast_in_dim3A_9 = vector.broadcast %jit3A : f32 to vector<16xf32>
    %broadcast_in_dim3A_10 = vector.broadcast %jit3A_8 : f32 to vector<16xf32>
    %select_n3A = arith.select %ne3A_7, %broadcast_in_dim3A_9, %broadcast_in_dim3A_10 : vector<16xi1>, vector<16xf32>
    %add3A_11 = arith.addf %broadcast_in_dim3A_3, %select_n3A : vector<16xf32>
    %get3A_12 = arith.constant 16 : index
    %get3A_13 = tpu.vector_load %arg4[%get3A_12] {strides = array<i32>} : memref<64xi32, #tpu.memory_space<vmem>>, vector<16xi32>,
    %get3A_14 = vector.shape_cast %get3A_13 : vector<16xi32> to vector<16xi32>
    %ne3A_15 = arith.constant 0 : i32
    %ne3A_16 = vector.broadcast %ne3A_15 : i32 to vector<16xi32>
    %ne3A_17 = arith.cmpi ne, %get3A_14, %ne3A_16 : vector<16xi32>
    %jit3A_18 = arith.constant 1.000000e+00 : f32
    %jit3A_19 = arith.constant 0.000000e+00 : f32
    %broadcast_in_dim3A_20 = vector.broadcast %jit3A_18 : f32 to vector<16xf32>
    %broadcast_in_dim3A_21 = vector.broadcast %jit3A_19 : f32 to vector<16xf32>
    %select_n3A_22 = arith.select %ne3A_17, %broadcast_in_dim3A_20, %broadcast_in_dim3A_21 : vector<16xi1>, vector<16xf32>
    %add3A_23 = arith.addf %add3A_11, %select_n3A_22 : vector<16xf32>
    %get3A_24 = arith.constant 32 : index
    %get3A_25 = tpu.vector_load %arg4[%get3A_24] {strides = array<i32>} : memref<64xi32, #tpu.memory_space<vmem>>, vector<16xi32>,
    %get3A_26 = vector.shape_cast %get3A_25 : vector<16xi32> to vector<16xi32>
    %ne3A_27 = arith.constant 0 : i32
    %ne3A_28 = vector.broadcast %ne3A_27 : i32 to vector<16xi32>
    %ne3A_29 = arith.cmpi ne, %get3A_26, %ne3A_28 : vector<16xi32>
    %jit3A_30 = arith.constant 1.000000e+00 : f32
    %jit3A_31 = arith.constant 0.000000e+00 : f32
    %broadcast_in_dim3A_32 = vector.broadcast %jit3A_30 : f32 to vector<16xf32>
    %broadcast_in_dim3A_33 = vector.broadcast %jit3A_31 : f32 to vector<16xf32>
    %select_n3A_34 = arith.select %ne3A_29, %broadcast_in_dim3A_32, %broadcast_in_dim3A_33 : vector<16xi1>, vector<16xf32>
    %add3A_35 = arith.addf %add3A_23, %select_n3A_34 : vector<16xf32>
    %get3A_36 = arith.constant 48 : index
    %get3A_37 = tpu.vector_load %arg4[%get3A_36] {strides = array<i32>} : memref<64xi32, #tpu.memory_space<vmem>>, vector<16xi32>,
    %get3A_38 = vector.shape_cast %get3A_37 : vector<16xi32> to vector<16xi32>
    %ne3A_39 = arith.constant 0 : i32
    %ne3A_40 = vector.broadcast %ne3A_39 : i32 to vector<16xi32>
    %ne3A_41 = arith.cmpi ne, %get3A_38, %ne3A_40 : vector<16xi32>
    %jit3A_42 = arith.constant 1.000000e+00 : f32
    %jit3A_43 = arith.constant 0.000000e+00 : f32
    %broadcast_in_dim3A_44 = vector.broadcast %jit3A_42 : f32 to vector<16xf32>
    %broadcast_in_dim3A_45 = vector.broadcast %jit3A_43 : f32 to vector<16xf32>
    %select_n3A_46 = arith.select %ne3A_41, %broadcast_in_dim3A_44, %broadcast_in_dim3A_45 : vector<16xi1>, vector<16xf32>
    %add3A_47 = arith.addf %add3A_35, %select_n3A_46 : vector<16xf32>
    %swap3A = arith.constant 0 : index
    %swap3A_48 = tpu.vector_load %arg5[%swap3A] {strides = array<i32>} : memref<16xf32, #tpu.memory_space<vmem>>, vector<16xf32>,
    %swap3A_49 = vector.shape_cast %swap3A_48 : vector<16xf32> to vector<16xf32>
    %swap3A_50 = vector.shape_cast %add3A_47 : vector<16xf32> to vector<16xf32>
    tpu.vector_store %arg5[%swap3A], %swap3A_50 {strides = array<i32>} : memref<16xf32, #tpu.memory_space<vmem>>, vector<16xf32>,
    "tpu.region"() ({
      %run_scoped3A = tpu.sem_alloc : memref<!tpu.dma_semaphore, #tpu.memory_space<semaphore_mem>>
      %dma_start3A = arith.constant 0 : i32
      %dma_start3A_51 = tpu.memref_slice %arg3[%add3A, %dma_start3A] : memref<32x16xf32, #tpu.memory_space<hbm>> -> memref<1x16xf32, #tpu.memory_space<hbm>>
      %dma_start3A_52 = tpu.memref_squeeze %dma_start3A_51 : memref<1x16xf32, #tpu.memory_space<hbm>> -> memref<16xf32, #tpu.memory_space<hbm>>
      %dma_start3A_53 = arith.constant 0 : i32
      %dma_start3A_54 = tpu.memref_slice %arg3[%add3A, %dma_start3A_53] : memref<32x16xf32, #tpu.memory_space<hbm>> -> memref<1x16xf32, #tpu.memory_space<hbm>>
      %dma_start3A_55 = tpu.memref_squeeze %dma_start3A_54 : memref<1x16xf32, #tpu.memory_space<hbm>> -> memref<16xf32, #tpu.memory_space<hbm>>
      tpu.enqueue_dma source(%arg5 : memref<16xf32, #tpu.memory_space<vmem>>) target(%dma_start3A_55 : memref<16xf32, #tpu.memory_space<hbm>>) target_semaphore(%run_scoped3A : memref<!tpu.dma_semaphore, #tpu.memory_space<semaphore_mem>>)
      %dma_wait3A = arith.constant 0 : i32
      %dma_wait3A_56 = tpu.memref_slice %arg3[%add3A, %dma_wait3A] : memref<32x16xf32, #tpu.memory_space<hbm>> -> memref<1x16xf32, #tpu.memory_space<hbm>>
      %dma_wait3A_57 = tpu.memref_squeeze %dma_wait3A_56 : memref<1x16xf32, #tpu.memory_space<hbm>> -> memref<16xf32, #tpu.memory_space<hbm>>
      %dma_wait3A_58 = arith.constant 0 : i32
      %dma_wait3A_59 = tpu.memref_slice %arg3[%add3A, %dma_wait3A_58] : memref<32x16xf32, #tpu.memory_space<hbm>> -> memref<1x16xf32, #tpu.memory_space<hbm>>
      %dma_wait3A_60 = tpu.memref_squeeze %dma_wait3A_59 : memref<1x16xf32, #tpu.memory_space<hbm>> -> memref<16xf32, #tpu.memory_space<hbm>>
      tpu.wait_dma2 semaphore(%run_scoped3A : memref<!tpu.dma_semaphore, #tpu.memory_space<semaphore_mem>>) src(%arg5 : memref<16xf32, #tpu.memory_space<vmem>>) dst(%dma_wait3A_60 : memref<16xf32, #tpu.memory_space<hbm>>)
      tpu.yield
    }) : () -> ()
    return
  }
}

module attributes {stable_mosaic.version = 14 : i64} {
  func.func @_tc_body(%arg0: i32, %arg1: memref<128x1xi32, #tpu.memory_space<vmem>>, %arg2: memref<128x32000xf32, #tpu.memory_space<vmem>>, %arg3: memref<1x1xf32, #tpu.memory_space<vmem>>) attributes {dimension_semantics = [#tpu.dimension_semantics<arbitrary>], iteration_bounds = array<i64: 16>, scalar_prefetch = 0 : i64, scratch_operands = 0 : i64, tpu.core_type = #tpu.core_type<tc>, window_params = [{transform_indices = @transform_0, window_bounds = array<i64: 128, 1>}, {transform_indices = @transform_1, window_bounds = array<i64: 128, 32000>}, {pipeline_mode = #tpu.pipeline_mode<synchronous>, transform_indices = @transform_2, window_bounds = array<i64: 1, 1>}]} {
    %get3A = arith.constant 0 : index
    %get3A_0 = arith.constant 0 : index
    %get3A_1 = vector.load %arg2[%get3A, %get3A_0] : memref<128x32000xf32, #tpu.memory_space<vmem>>, vector<128x32000xf32>
    %get3A_2 = arith.constant 0 : index
    %get3A_3 = arith.constant 0 : index
    %get3A_4 = vector.load %arg1[%get3A_2, %get3A_3] : memref<128x1xi32, #tpu.memory_space<vmem>>, vector<128x1xi32>
    %get3A_5 = vector.shape_cast %get3A_4 : vector<128x1xi32> to vector<128xi32>
    %broadcast_in_dim3A = arith.constant 0.000000e+00 : f32
    %broadcast_in_dim3A_6 = vector.broadcast %broadcast_in_dim3A : f32 to vector<128x128xf32>
    %slice3A = vector.extract_strided_slice %get3A_1 {offsets = [0, 0], sizes = [128, 128], strides = [1, 1]} : vector<128x32000xf32> to vector<128x128xf32>
    %iota3A = tpu.iota {dimensions = array<i32: 1>} : vector<128x128xi32>
    %add3A = arith.constant 0 : i32
    %add3A_7 = vector.broadcast %add3A : i32 to vector<128x128xi32>
    %add3A_8 = arith.addi %add3A_7, %iota3A : vector<128x128xi32>
    %broadcast_in_dim3A_9 = vector.shape_cast %get3A_5 : vector<128xi32> to vector<128x1xi32>
    %eq3A = vector.broadcast %broadcast_in_dim3A_9 : vector<128x1xi32> to vector<128x128xi32>
    %eq3A_10 = arith.cmpi eq, %add3A_8, %eq3A : vector<128x128xi32>
    %mul3A = arith.constant 2.879820e+05 : f32
    %mul3A_11 = vector.broadcast %mul3A : f32 to vector<128x128xf32>
    %mul3A_12 = arith.mulf %mul3A_11, %slice3A : vector<128x128xf32>
    %select_n3A = arith.select %eq3A_10, %mul3A_12, %slice3A : vector<128x128xi1>, vector<128x128xf32>
    %eq3A_13 = arith.constant 0 : i32
    %eq3A_14 = vector.broadcast %eq3A_13 : i32 to vector<128x128xi32>
    %eq3A_15 = arith.cmpi eq, %add3A_8, %eq3A_14 : vector<128x128xi32>
    %jit3A = arith.constant 0.000000e+00 : f32
    %broadcast_in_dim3A_16 = vector.broadcast %jit3A : f32 to vector<128x128xf32>
    %select_n3A_17 = arith.select %eq3A_15, %broadcast_in_dim3A_16, %select_n3A : vector<128x128xi1>, vector<128x128xf32>
    %add3A_18 = arith.addf %broadcast_in_dim3A_6, %select_n3A_17 : vector<128x128xf32>
    %slice3A_19 = vector.extract_strided_slice %get3A_1 {offsets = [0, 128], sizes = [128, 128], strides = [1, 1]} : vector<128x32000xf32> to vector<128x128xf32>
    %iota3A_20 = tpu.iota {dimensions = array<i32: 1>} : vector<128x128xi32>
    %add3A_21 = arith.constant 128 : i32
    %add3A_22 = vector.broadcast %add3A_21 : i32 to vector<128x128xi32>
    %add3A_23 = arith.addi %add3A_22, %iota3A_20 : vector<128x128xi32>
    %broadcast_in_dim3A_24 = vector.shape_cast %get3A_5 : vector<128xi32> to vector<128x1xi32>
    %eq3A_25 = vector.broadcast %broadcast_in_dim3A_24 : vector<128x1xi32> to vector<128x128xi32>
    %eq3A_26 = arith.cmpi eq, %add3A_23, %eq3A_25 : vector<128x128xi32>
    %mul3A_27 = arith.constant 2.879820e+05 : f32
    %mul3A_28 = vector.broadcast %mul3A_27 : f32 to vector<128x128xf32>
    %mul3A_29 = arith.mulf %mul3A_28, %slice3A_19 : vector<128x128xf32>
    %select_n3A_30 = arith.select %eq3A_26, %mul3A_29, %slice3A_19 : vector<128x128xi1>, vector<128x128xf32>
    %add3A_31 = arith.addf %add3A_18, %select_n3A_30 : vector<128x128xf32>
    %slice3A_32 = vector.extract_strided_slice %get3A_1 {offsets = [0, 256], sizes = [128, 128], strides = [1, 1]} : vector<128x32000xf32> to vector<128x128xf32>
    %iota3A_33 = tpu.iota {dimensions = array<i32: 1>} : vector<128x128xi32>
    %add3A_34 = arith.constant 256 : i32
    %add3A_35 = vector.broadcast %add3A_34 : i32 to vector<128x128xi32>
    %add3A_36 = arith.addi %add3A_35, %iota3A_33 : vector<128x128xi32>
    %broadcast_in_dim3A_37 = vector.shape_cast %get3A_5 : vector<128xi32> to vector<128x1xi32>
    %eq3A_38 = vector.broadcast %broadcast_in_dim3A_37 : vector<128x1xi32> to vector<128x128xi32>
    %eq3A_39 = arith.cmpi eq, %add3A_36, %eq3A_38 : vector<128x128xi32>
    %mul3A_40 = arith.constant 2.879820e+05 : f32
    %mul3A_41 = vector.broadcast %mul3A_40 : f32 to vector<128x128xf32>
    %mul3A_42 = arith.mulf %mul3A_41, %slice3A_32 : vector<128x128xf32>
    %select_n3A_43 = arith.select %eq3A_39, %mul3A_42, %slice3A_32 : vector<128x128xi1>, vector<128x128xf32>
    %add3A_44 = arith.addf %add3A_31, %select_n3A_43 : vector<128x128xf32>
    %slice3A_45 = vector.extract_strided_slice %get3A_1 {offsets = [0, 384], sizes = [128, 128], strides = [1, 1]} : vector<128x32000xf32> to vector<128x128xf32>
    %iota3A_46 = tpu.iota {dimensions = array<i32: 1>} : vector<128x128xi32>
    %add3A_47 = arith.constant 384 : i32
    %add3A_48 = vector.broadcast %add3A_47 : i32 to vector<128x128xi32>
    %add3A_49 = arith.addi %add3A_48, %iota3A_46 : vector<128x128xi32>
    %broadcast_in_dim3A_50 = vector.shape_cast %get3A_5 : vector<128xi32> to vector<128x1xi32>
    %eq3A_51 = vector.broadcast %broadcast_in_dim3A_50 : vector<128x1xi32> to vector<128x128xi32>
    %eq3A_52 = arith.cmpi eq, %add3A_49, %eq3A_51 : vector<128x128xi32>
    %mul3A_53 = arith.constant 2.879820e+05 : f32
    %mul3A_54 = vector.broadcast %mul3A_53 : f32 to vector<128x128xf32>
    %mul3A_55 = arith.mulf %mul3A_54, %slice3A_45 : vector<128x128xf32>
    %select_n3A_56 = arith.select %eq3A_52, %mul3A_55, %slice3A_45 : vector<128x128xi1>, vector<128x128xf32>
    %add3A_57 = arith.addf %add3A_44, %select_n3A_56 : vector<128x128xf32>
    %slice3A_58 = vector.extract_strided_slice %get3A_1 {offsets = [0, 512], sizes = [128, 128], strides = [1, 1]} : vector<128x32000xf32> to vector<128x128xf32>
    %iota3A_59 = tpu.iota {dimensions = array<i32: 1>} : vector<128x128xi32>
    %add3A_60 = arith.constant 512 : i32
    %add3A_61 = vector.broadcast %add3A_60 : i32 to vector<128x128xi32>
    %add3A_62 = arith.addi %add3A_61, %iota3A_59 : vector<128x128xi32>
    %broadcast_in_dim3A_63 = vector.shape_cast %get3A_5 : vector<128xi32> to vector<128x1xi32>
    %eq3A_64 = vector.broadcast %broadcast_in_dim3A_63 : vector<128x1xi32> to vector<128x128xi32>
    %eq3A_65 = arith.cmpi eq, %add3A_62, %eq3A_64 : vector<128x128xi32>
    %mul3A_66 = arith.constant 2.879820e+05 : f32
    %mul3A_67 = vector.broadcast %mul3A_66 : f32 to vector<128x128xf32>
    %mul3A_68 = arith.mulf %mul3A_67, %slice3A_58 : vector<128x128xf32>
    %select_n3A_69 = arith.select %eq3A_65, %mul3A_68, %slice3A_58 : vector<128x128xi1>, vector<128x128xf32>
    %add3A_70 = arith.addf %add3A_57, %select_n3A_69 : vector<128x128xf32>
    %slice3A_71 = vector.extract_strided_slice %get3A_1 {offsets = [0, 640], sizes = [128, 128], strides = [1, 1]} : vector<128x32000xf32> to vector<128x128xf32>
    %iota3A_72 = tpu.iota {dimensions = array<i32: 1>} : vector<128x128xi32>
    %add3A_73 = arith.constant 640 : i32
    %add3A_74 = vector.broadcast %add3A_73 : i32 to vector<128x128xi32>
    %add3A_75 = arith.addi %add3A_74, %iota3A_72 : vector<128x128xi32>
    %broadcast_in_dim3A_76 = vector.shape_cast %get3A_5 : vector<128xi32> to vector<128x1xi32>
    %eq3A_77 = vector.broadcast %broadcast_in_dim3A_76 : vector<128x1xi32> to vector<128x128xi32>
    %eq3A_78 = arith.cmpi eq, %add3A_75, %eq3A_77 : vector<128x128xi32>
    %mul3A_79 = arith.constant 2.879820e+05 : f32
    %mul3A_80 = vector.broadcast %mul3A_79 : f32 to vector<128x128xf32>
    %mul3A_81 = arith.mulf %mul3A_80, %slice3A_71 : vector<128x128xf32>
    %select_n3A_82 = arith.select %eq3A_78, %mul3A_81, %slice3A_71 : vector<128x128xi1>, vector<128x128xf32>
    %add3A_83 = arith.addf %add3A_70, %select_n3A_82 : vector<128x128xf32>
    %slice3A_84 = vector.extract_strided_slice %get3A_1 {offsets = [0, 768], sizes = [128, 128], strides = [1, 1]} : vector<128x32000xf32> to vector<128x128xf32>
    %iota3A_85 = tpu.iota {dimensions = array<i32: 1>} : vector<128x128xi32>
    %add3A_86 = arith.constant 768 : i32
    %add3A_87 = vector.broadcast %add3A_86 : i32 to vector<128x128xi32>
    %add3A_88 = arith.addi %add3A_87, %iota3A_85 : vector<128x128xi32>
    %broadcast_in_dim3A_89 = vector.shape_cast %get3A_5 : vector<128xi32> to vector<128x1xi32>
    %eq3A_90 = vector.broadcast %broadcast_in_dim3A_89 : vector<128x1xi32> to vector<128x128xi32>
    %eq3A_91 = arith.cmpi eq, %add3A_88, %eq3A_90 : vector<128x128xi32>
    %mul3A_92 = arith.constant 2.879820e+05 : f32
    %mul3A_93 = vector.broadcast %mul3A_92 : f32 to vector<128x128xf32>
    %mul3A_94 = arith.mulf %mul3A_93, %slice3A_84 : vector<128x128xf32>
    %select_n3A_95 = arith.select %eq3A_91, %mul3A_94, %slice3A_84 : vector<128x128xi1>, vector<128x128xf32>
    %add3A_96 = arith.addf %add3A_83, %select_n3A_95 : vector<128x128xf32>
    %slice3A_97 = vector.extract_strided_slice %get3A_1 {offsets = [0, 896], sizes = [128, 128], strides = [1, 1]} : vector<128x32000xf32> to vector<128x128xf32>
    %iota3A_98 = tpu.iota {dimensions = array<i32: 1>} : vector<128x128xi32>
    %add3A_99 = arith.constant 896 : i32
    %add3A_100 = vector.broadcast %add3A_99 : i32 to vector<128x128xi32>
    %add3A_101 = arith.addi %add3A_100, %iota3A_98 : vector<128x128xi32>
    %broadcast_in_dim3A_102 = vector.shape_cast %get3A_5 : vector<128xi32> to vector<128x1xi32>
    %eq3A_103 = vector.broadcast %broadcast_in_dim3A_102 : vector<128x1xi32> to vector<128x128xi32>
    %eq3A_104 = arith.cmpi eq, %add3A_101, %eq3A_103 : vector<128x128xi32>
    %mul3A_105 = arith.constant 2.879820e+05 : f32
    %mul3A_106 = vector.broadcast %mul3A_105 : f32 to vector<128x128xf32>
    %mul3A_107 = arith.mulf %mul3A_106, %slice3A_97 : vector<128x128xf32>
    %select_n3A_108 = arith.select %eq3A_104, %mul3A_107, %slice3A_97 : vector<128x128xi1>, vector<128x128xf32>
    %add3A_109 = arith.addf %add3A_96, %select_n3A_108 : vector<128x128xf32>
    %slice3A_110 = vector.extract_strided_slice %get3A_1 {offsets = [0, 1024], sizes = [128, 128], strides = [1, 1]} : vector<128x32000xf32> to vector<128x128xf32>
    %iota3A_111 = tpu.iota {dimensions = array<i32: 1>} : vector<128x128xi32>
    %add3A_112 = arith.constant 1024 : i32
    %add3A_113 = vector.broadcast %add3A_112 : i32 to vector<128x128xi32>
    %add3A_114 = arith.addi %add3A_113, %iota3A_111 : vector<128x128xi32>
    %broadcast_in_dim3A_115 = vector.shape_cast %get3A_5 : vector<128xi32> to vector<128x1xi32>
    %eq3A_116 = vector.broadcast %broadcast_in_dim3A_115 : vector<128x1xi32> to vector<128x128xi32>
    %eq3A_117 = arith.cmpi eq, %add3A_114, %eq3A_116 : vector<128x128xi32>
    %mul3A_118 = arith.constant 2.879820e+05 : f32
    %mul3A_119 = vector.broadcast %mul3A_118 : f32 to vector<128x128xf32>
    %mul3A_120 = arith.mulf %mul3A_119, %slice3A_110 : vector<128x128xf32>
    %select_n3A_121 = arith.select %eq3A_117, %mul3A_120, %slice3A_110 : vector<128x128xi1>, vector<128x128xf32>
    %add3A_122 = arith.addf %add3A_109, %select_n3A_121 : vector<128x128xf32>
    %slice3A_123 = vector.extract_strided_slice %get3A_1 {offsets = [0, 1152], sizes = [128, 128], strides = [1, 1]} : vector<128x32000xf32> to vector<128x128xf32>
    %iota3A_124 = tpu.iota {dimensions = array<i32: 1>} : vector<128x128xi32>
    %add3A_125 = arith.constant 1152 : i32
    %add3A_126 = vector.broadcast %add3A_125 : i32 to vector<128x128xi32>
    %add3A_127 = arith.addi %add3A_126, %iota3A_124 : vector<128x128xi32>
    %broadcast_in_dim3A_128 = vector.shape_cast %get3A_5 : vector<128xi32> to vector<128x1xi32>
    %eq3A_129 = vector.broadcast %broadcast_in_dim3A_128 : vector<128x1xi32> to vector<128x128xi32>
    %eq3A_130 = arith.cmpi eq, %add3A_127, %eq3A_129 : vector<128x128xi32>
    %mul3A_131 = arith.constant 2.879820e+05 : f32
    %mul3A_132 = vector.broadcast %mul3A_131 : f32 to vector<128x128xf32>
    %mul3A_133 = arith.mulf %mul3A_132, %slice3A_123 : vector<128x128xf32>
    %select_n3A_134 = arith.select %eq3A_130, %mul3A_133, %slice3A_123 : vector<128x128xi1>, vector<128x128xf32>
    %add3A_135 = arith.addf %add3A_122, %select_n3A_134 : vector<128x128xf32>
    %slice3A_136 = vector.extract_strided_slice %get3A_1 {offsets = [0, 1280], sizes = [128, 128], strides = [1, 1]} : vector<128x32000xf32> to vector<128x128xf32>
    %iota3A_137 = tpu.iota {dimensions = array<i32: 1>} : vector<128x128xi32>
    %add3A_138 = arith.constant 1280 : i32
    %add3A_139 = vector.broadcast %add3A_138 : i32 to vector<128x128xi32>
    %add3A_140 = arith.addi %add3A_139, %iota3A_137 : vector<128x128xi32>
    %broadcast_in_dim3A_141 = vector.shape_cast %get3A_5 : vector<128xi32> to vector<128x1xi32>
    %eq3A_142 = vector.broadcast %broadcast_in_dim3A_141 : vector<128x1xi32> to vector<128x128xi32>
    %eq3A_143 = arith.cmpi eq, %add3A_140, %eq3A_142 : vector<128x128xi32>
    %mul3A_144 = arith.constant 2.879820e+05 : f32
    %mul3A_145 = vector.broadcast %mul3A_144 : f32 to vector<128x128xf32>
    %mul3A_146 = arith.mulf %mul3A_145, %slice3A_136 : vector<128x128xf32>
    %select_n3A_147 = arith.select %eq3A_143, %mul3A_146, %slice3A_136 : vector<128x128xi1>, vector<128x128xf32>
    %add3A_148 = arith.addf %add3A_135, %select_n3A_147 : vector<128x128xf32>
    %slice3A_149 = vector.extract_strided_slice %get3A_1 {offsets = [0, 1408], sizes = [128, 128], strides = [1, 1]} : vector<128x32000xf32> to vector<128x128xf32>
    %iota3A_150 = tpu.iota {dimensions = array<i32: 1>} : vector<128x128xi32>
    %add3A_151 = arith.constant 1408 : i32
    %add3A_152 = vector.broadcast %add3A_151 : i32 to vector<128x128xi32>
    %add3A_153 = arith.addi %add3A_152, %iota3A_150 : vector<128x128xi32>
    %broadcast_in_dim3A_154 = vector.shape_cast %get3A_5 : vector<128xi32> to vector<128x1xi32>
    %eq3A_155 = vector.broadcast %broadcast_in_dim3A_154 : vector<128x1xi32> to vector<128x128xi32>
    %eq3A_156 = arith.cmpi eq, %add3A_153, %eq3A_155 : vector<128x128xi32>
    %mul3A_157 = arith.constant 2.879820e+05 : f32
    %mul3A_158 = vector.broadcast %mul3A_157 : f32 to vector<128x128xf32>
    %mul3A_159 = arith.mulf %mul3A_158, %slice3A_149 : vector<128x128xf32>
    %select_n3A_160 = arith.select %eq3A_156, %mul3A_159, %slice3A_149 : vector<128x128xi1>, vector<128x128xf32>
    %add3A_161 = arith.addf %add3A_148, %select_n3A_160 : vector<128x128xf32>
    %slice3A_162 = vector.extract_strided_slice %get3A_1 {offsets = [0, 1536], sizes = [128, 128], strides = [1, 1]} : vector<128x32000xf32> to vector<128x128xf32>
    %iota3A_163 = tpu.iota {dimensions = array<i32: 1>} : vector<128x128xi32>
    %add3A_164 = arith.constant 1536 : i32
    %add3A_165 = vector.broadcast %add3A_164 : i32 to vector<128x128xi32>
    %add3A_166 = arith.addi %add3A_165, %iota3A_163 : vector<128x128xi32>
    %broadcast_in_dim3A_167 = vector.shape_cast %get3A_5 : vector<128xi32> to vector<128x1xi32>
    %eq3A_168 = vector.broadcast %broadcast_in_dim3A_167 : vector<128x1xi32> to vector<128x128xi32>
    %eq3A_169 = arith.cmpi eq, %add3A_166, %eq3A_168 : vector<128x128xi32>
    %mul3A_170 = arith.constant 2.879820e+05 : f32
    %mul3A_171 = vector.broadcast %mul3A_170 : f32 to vector<128x128xf32>
    %mul3A_172 = arith.mulf %mul3A_171, %slice3A_162 : vector<128x128xf32>
    %select_n3A_173 = arith.select %eq3A_169, %mul3A_172, %slice3A_162 : vector<128x128xi1>, vector<128x128xf32>
    %add3A_174 = arith.addf %add3A_161, %select_n3A_173 : vector<128x128xf32>
    %slice3A_175 = vector.extract_strided_slice %get3A_1 {offsets = [0, 1664], sizes = [128, 128], strides = [1, 1]} : vector<128x32000xf32> to vector<128x128xf32>
    %iota3A_176 = tpu.iota {dimensions = array<i32: 1>} : vector<128x128xi32>
    %add3A_177 = arith.constant 1664 : i32
    %add3A_178 = vector.broadcast %add3A_177 : i32 to vector<128x128xi32>
    %add3A_179 = arith.addi %add3A_178, %iota3A_176 : vector<128x128xi32>
    %broadcast_in_dim3A_180 = vector.shape_cast %get3A_5 : vector<128xi32> to vector<128x1xi32>
    %eq3A_181 = vector.broadcast %broadcast_in_dim3A_180 : vector<128x1xi32> to vector<128x128xi32>
    %eq3A_182 = arith.cmpi eq, %add3A_179, %eq3A_181 : vector<128x128xi32>
    %mul3A_183 = arith.constant 2.879820e+05 : f32
    %mul3A_184 = vector.broadcast %mul3A_183 : f32 to vector<128x128xf32>
    %mul3A_185 = arith.mulf %mul3A_184, %slice3A_175 : vector<128x128xf32>
    %select_n3A_186 = arith.select %eq3A_182, %mul3A_185, %slice3A_175 : vector<128x128xi1>, vector<128x128xf32>
    %add3A_187 = arith.addf %add3A_174, %select_n3A_186 : vector<128x128xf32>
    %slice3A_188 = vector.extract_strided_slice %get3A_1 {offsets = [0, 1792], sizes = [128, 128], strides = [1, 1]} : vector<128x32000xf32> to vector<128x128xf32>
    %iota3A_189 = tpu.iota {dimensions = array<i32: 1>} : vector<128x128xi32>
    %add3A_190 = arith.constant 1792 : i32
    %add3A_191 = vector.broadcast %add3A_190 : i32 to vector<128x128xi32>
    %add3A_192 = arith.addi %add3A_191, %iota3A_189 : vector<128x128xi32>
    %broadcast_in_dim3A_193 = vector.shape_cast %get3A_5 : vector<128xi32> to vector<128x1xi32>
    %eq3A_194 = vector.broadcast %broadcast_in_dim3A_193 : vector<128x1xi32> to vector<128x128xi32>
    %eq3A_195 = arith.cmpi eq, %add3A_192, %eq3A_194 : vector<128x128xi32>
    %mul3A_196 = arith.constant 2.879820e+05 : f32
    %mul3A_197 = vector.broadcast %mul3A_196 : f32 to vector<128x128xf32>
    %mul3A_198 = arith.mulf %mul3A_197, %slice3A_188 : vector<128x128xf32>
    %select_n3A_199 = arith.select %eq3A_195, %mul3A_198, %slice3A_188 : vector<128x128xi1>, vector<128x128xf32>
    %add3A_200 = arith.addf %add3A_187, %select_n3A_199 : vector<128x128xf32>
    %slice3A_201 = vector.extract_strided_slice %get3A_1 {offsets = [0, 1920], sizes = [128, 128], strides = [1, 1]} : vector<128x32000xf32> to vector<128x128xf32>
    %iota3A_202 = tpu.iota {dimensions = array<i32: 1>} : vector<128x128xi32>
    %add3A_203 = arith.constant 1920 : i32
    %add3A_204 = vector.broadcast %add3A_203 : i32 to vector<128x128xi32>
    %add3A_205 = arith.addi %add3A_204, %iota3A_202 : vector<128x128xi32>
    %broadcast_in_dim3A_206 = vector.shape_cast %get3A_5 : vector<128xi32> to vector<128x1xi32>
    %eq3A_207 = vector.broadcast %broadcast_in_dim3A_206 : vector<128x1xi32> to vector<128x128xi32>
    %eq3A_208 = arith.cmpi eq, %add3A_205, %eq3A_207 : vector<128x128xi32>
    %mul3A_209 = arith.constant 2.879820e+05 : f32
    %mul3A_210 = vector.broadcast %mul3A_209 : f32 to vector<128x128xf32>
    %mul3A_211 = arith.mulf %mul3A_210, %slice3A_201 : vector<128x128xf32>
    %select_n3A_212 = arith.select %eq3A_208, %mul3A_211, %slice3A_201 : vector<128x128xi1>, vector<128x128xf32>
    %add3A_213 = arith.addf %add3A_200, %select_n3A_212 : vector<128x128xf32>
    %slice3A_214 = vector.extract_strided_slice %get3A_1 {offsets = [0, 2048], sizes = [128, 128], strides = [1, 1]} : vector<128x32000xf32> to vector<128x128xf32>
    %iota3A_215 = tpu.iota {dimensions = array<i32: 1>} : vector<128x128xi32>
    %add3A_216 = arith.constant 2048 : i32
    %add3A_217 = vector.broadcast %add3A_216 : i32 to vector<128x128xi32>
    %add3A_218 = arith.addi %add3A_217, %iota3A_215 : vector<128x128xi32>
    %broadcast_in_dim3A_219 = vector.shape_cast %get3A_5 : vector<128xi32> to vector<128x1xi32>
    %eq3A_220 = vector.broadcast %broadcast_in_dim3A_219 : vector<128x1xi32> to vector<128x128xi32>
    %eq3A_221 = arith.cmpi eq, %add3A_218, %eq3A_220 : vector<128x128xi32>
    %mul3A_222 = arith.constant 2.879820e+05 : f32
    %mul3A_223 = vector.broadcast %mul3A_222 : f32 to vector<128x128xf32>
    %mul3A_224 = arith.mulf %mul3A_223, %slice3A_214 : vector<128x128xf32>
    %select_n3A_225 = arith.select %eq3A_221, %mul3A_224, %slice3A_214 : vector<128x128xi1>, vector<128x128xf32>
    %add3A_226 = arith.addf %add3A_213, %select_n3A_225 : vector<128x128xf32>
    %slice3A_227 = vector.extract_strided_slice %get3A_1 {offsets = [0, 2176], sizes = [128, 128], strides = [1, 1]} : vector<128x32000xf32> to vector<128x128xf32>
    %iota3A_228 = tpu.iota {dimensions = array<i32: 1>} : vector<128x128xi32>
    %add3A_229 = arith.constant 2176 : i32
    %add3A_230 = vector.broadcast %add3A_229 : i32 to vector<128x128xi32>
    %add3A_231 = arith.addi %add3A_230, %iota3A_228 : vector<128x128xi32>
    %broadcast_in_dim3A_232 = vector.shape_cast %get3A_5 : vector<128xi32> to vector<128x1xi32>
    %eq3A_233 = vector.broadcast %broadcast_in_dim3A_232 : vector<128x1xi32> to vector<128x128xi32>
    %eq3A_234 = arith.cmpi eq, %add3A_231, %eq3A_233 : vector<128x128xi32>
    %mul3A_235 = arith.constant 2.879820e+05 : f32
    %mul3A_236 = vector.broadcast %mul3A_235 : f32 to vector<128x128xf32>
    %mul3A_237 = arith.mulf %mul3A_236, %slice3A_227 : vector<128x128xf32>
    %select_n3A_238 = arith.select %eq3A_234, %mul3A_237, %slice3A_227 : vector<128x128xi1>, vector<128x128xf32>
    %add3A_239 = arith.addf %add3A_226, %select_n3A_238 : vector<128x128xf32>
    %slice3A_240 = vector.extract_strided_slice %get3A_1 {offsets = [0, 2304], sizes = [128, 128], strides = [1, 1]} : vector<128x32000xf32> to vector<128x128xf32>
    %iota3A_241 = tpu.iota {dimensions = array<i32: 1>} : vector<128x128xi32>
    %add3A_242 = arith.constant 2304 : i32
    %add3A_243 = vector.broadcast %add3A_242 : i32 to vector<128x128xi32>
    %add3A_244 = arith.addi %add3A_243, %iota3A_241 : vector<128x128xi32>
    %broadcast_in_dim3A_245 = vector.shape_cast %get3A_5 : vector<128xi32> to vector<128x1xi32>
    %eq3A_246 = vector.broadcast %broadcast_in_dim3A_245 : vector<128x1xi32> to vector<128x128xi32>
    %eq3A_247 = arith.cmpi eq, %add3A_244, %eq3A_246 : vector<128x128xi32>
    %mul3A_248 = arith.constant 2.879820e+05 : f32
    %mul3A_249 = vector.broadcast %mul3A_248 : f32 to vector<128x128xf32>
    %mul3A_250 = arith.mulf %mul3A_249, %slice3A_240 : vector<128x128xf32>
    %select_n3A_251 = arith.select %eq3A_247, %mul3A_250, %slice3A_240 : vector<128x128xi1>, vector<128x128xf32>
    %add3A_252 = arith.addf %add3A_239, %select_n3A_251 : vector<128x128xf32>
    %slice3A_253 = vector.extract_strided_slice %get3A_1 {offsets = [0, 2432], sizes = [128, 128], strides = [1, 1]} : vector<128x32000xf32> to vector<128x128xf32>
    %iota3A_254 = tpu.iota {dimensions = array<i32: 1>} : vector<128x128xi32>
    %add3A_255 = arith.constant 2432 : i32
    %add3A_256 = vector.broadcast %add3A_255 : i32 to vector<128x128xi32>
    %add3A_257 = arith.addi %add3A_256, %iota3A_254 : vector<128x128xi32>
    %broadcast_in_dim3A_258 = vector.shape_cast %get3A_5 : vector<128xi32> to vector<128x1xi32>
    %eq3A_259 = vector.broadcast %broadcast_in_dim3A_258 : vector<128x1xi32> to vector<128x128xi32>
    %eq3A_260 = arith.cmpi eq, %add3A_257, %eq3A_259 : vector<128x128xi32>
    %mul3A_261 = arith.constant 2.879820e+05 : f32
    %mul3A_262 = vector.broadcast %mul3A_261 : f32 to vector<128x128xf32>
    %mul3A_263 = arith.mulf %mul3A_262, %slice3A_253 : vector<128x128xf32>
    %select_n3A_264 = arith.select %eq3A_260, %mul3A_263, %slice3A_253 : vector<128x128xi1>, vector<128x128xf32>
    %add3A_265 = arith.addf %add3A_252, %select_n3A_264 : vector<128x128xf32>
    %slice3A_266 = vector.extract_strided_slice %get3A_1 {offsets = [0, 2560], sizes = [128, 128], strides = [1, 1]} : vector<128x32000xf32> to vector<128x128xf32>
    %iota3A_267 = tpu.iota {dimensions = array<i32: 1>} : vector<128x128xi32>
    %add3A_268 = arith.constant 2560 : i32
    %add3A_269 = vector.broadcast %add3A_268 : i32 to vector<128x128xi32>
    %add3A_270 = arith.addi %add3A_269, %iota3A_267 : vector<128x128xi32>
    %broadcast_in_dim3A_271 = vector.shape_cast %get3A_5 : vector<128xi32> to vector<128x1xi32>
    %eq3A_272 = vector.broadcast %broadcast_in_dim3A_271 : vector<128x1xi32> to vector<128x128xi32>
    %eq3A_273 = arith.cmpi eq, %add3A_270, %eq3A_272 : vector<128x128xi32>
    %mul3A_274 = arith.constant 2.879820e+05 : f32
    %mul3A_275 = vector.broadcast %mul3A_274 : f32 to vector<128x128xf32>
    %mul3A_276 = arith.mulf %mul3A_275, %slice3A_266 : vector<128x128xf32>
    %select_n3A_277 = arith.select %eq3A_273, %mul3A_276, %slice3A_266 : vector<128x128xi1>, vector<128x128xf32>
    %add3A_278 = arith.addf %add3A_265, %select_n3A_277 : vector<128x128xf32>
    %slice3A_279 = vector.extract_strided_slice %get3A_1 {offsets = [0, 2688], sizes = [128, 128], strides = [1, 1]} : vector<128x32000xf32> to vector<128x128xf32>
    %iota3A_280 = tpu.iota {dimensions = array<i32: 1>} : vector<128x128xi32>
    %add3A_281 = arith.constant 2688 : i32
    %add3A_282 = vector.broadcast %add3A_281 : i32 to vector<128x128xi32>
    %add3A_283 = arith.addi %add3A_282, %iota3A_280 : vector<128x128xi32>
    %broadcast_in_dim3A_284 = vector.shape_cast %get3A_5 : vector<128xi32> to vector<128x1xi32>
    %eq3A_285 = vector.broadcast %broadcast_in_dim3A_284 : vector<128x1xi32> to vector<128x128xi32>
    %eq3A_286 = arith.cmpi eq, %add3A_283, %eq3A_285 : vector<128x128xi32>
    %mul3A_287 = arith.constant 2.879820e+05 : f32
    %mul3A_288 = vector.broadcast %mul3A_287 : f32 to vector<128x128xf32>
    %mul3A_289 = arith.mulf %mul3A_288, %slice3A_279 : vector<128x128xf32>
    %select_n3A_290 = arith.select %eq3A_286, %mul3A_289, %slice3A_279 : vector<128x128xi1>, vector<128x128xf32>
    %add3A_291 = arith.addf %add3A_278, %select_n3A_290 : vector<128x128xf32>
    %slice3A_292 = vector.extract_strided_slice %get3A_1 {offsets = [0, 2816], sizes = [128, 128], strides = [1, 1]} : vector<128x32000xf32> to vector<128x128xf32>
    %iota3A_293 = tpu.iota {dimensions = array<i32: 1>} : vector<128x128xi32>
    %add3A_294 = arith.constant 2816 : i32
    %add3A_295 = vector.broadcast %add3A_294 : i32 to vector<128x128xi32>
    %add3A_296 = arith.addi %add3A_295, %iota3A_293 : vector<128x128xi32>
    %broadcast_in_dim3A_297 = vector.shape_cast %get3A_5 : vector<128xi32> to vector<128x1xi32>
    %eq3A_298 = vector.broadcast %broadcast_in_dim3A_297 : vector<128x1xi32> to vector<128x128xi32>
    %eq3A_299 = arith.cmpi eq, %add3A_296, %eq3A_298 : vector<128x128xi32>
    %mul3A_300 = arith.constant 2.879820e+05 : f32
    %mul3A_301 = vector.broadcast %mul3A_300 : f32 to vector<128x128xf32>
    %mul3A_302 = arith.mulf %mul3A_301, %slice3A_292 : vector<128x128xf32>
    %select_n3A_303 = arith.select %eq3A_299, %mul3A_302, %slice3A_292 : vector<128x128xi1>, vector<128x128xf32>
    %add3A_304 = arith.addf %add3A_291, %select_n3A_303 : vector<128x128xf32>
    %slice3A_305 = vector.extract_strided_slice %get3A_1 {offsets = [0, 2944], sizes = [128, 128], strides = [1, 1]} : vector<128x32000xf32> to vector<128x128xf32>
    %iota3A_306 = tpu.iota {dimensions = array<i32: 1>} : vector<128x128xi32>
    %add3A_307 = arith.constant 2944 : i32
    %add3A_308 = vector.broadcast %add3A_307 : i32 to vector<128x128xi32>
    %add3A_309 = arith.addi %add3A_308, %iota3A_306 : vector<128x128xi32>
    %broadcast_in_dim3A_310 = vector.shape_cast %get3A_5 : vector<128xi32> to vector<128x1xi32>
    %eq3A_311 = vector.broadcast %broadcast_in_dim3A_310 : vector<128x1xi32> to vector<128x128xi32>
    %eq3A_312 = arith.cmpi eq, %add3A_309, %eq3A_311 : vector<128x128xi32>
    %mul3A_313 = arith.constant 2.879820e+05 : f32
    %mul3A_314 = vector.broadcast %mul3A_313 : f32 to vector<128x128xf32>
    %mul3A_315 = arith.mulf %mul3A_314, %slice3A_305 : vector<128x128xf32>
    %select_n3A_316 = arith.select %eq3A_312, %mul3A_315, %slice3A_305 : vector<128x128xi1>, vector<128x128xf32>
    %add3A_317 = arith.addf %add3A_304, %select_n3A_316 : vector<128x128xf32>
    %slice3A_318 = vector.extract_strided_slice %get3A_1 {offsets = [0, 3072], sizes = [128, 128], strides = [1, 1]} : vector<128x32000xf32> to vector<128x128xf32>
    %iota3A_319 = tpu.iota {dimensions = array<i32: 1>} : vector<128x128xi32>
    %add3A_320 = arith.constant 3072 : i32
    %add3A_321 = vector.broadcast %add3A_320 : i32 to vector<128x128xi32>
    %add3A_322 = arith.addi %add3A_321, %iota3A_319 : vector<128x128xi32>
    %broadcast_in_dim3A_323 = vector.shape_cast %get3A_5 : vector<128xi32> to vector<128x1xi32>
    %eq3A_324 = vector.broadcast %broadcast_in_dim3A_323 : vector<128x1xi32> to vector<128x128xi32>
    %eq3A_325 = arith.cmpi eq, %add3A_322, %eq3A_324 : vector<128x128xi32>
    %mul3A_326 = arith.constant 2.879820e+05 : f32
    %mul3A_327 = vector.broadcast %mul3A_326 : f32 to vector<128x128xf32>
    %mul3A_328 = arith.mulf %mul3A_327, %slice3A_318 : vector<128x128xf32>
    %select_n3A_329 = arith.select %eq3A_325, %mul3A_328, %slice3A_318 : vector<128x128xi1>, vector<128x128xf32>
    %add3A_330 = arith.addf %add3A_317, %select_n3A_329 : vector<128x128xf32>
    %slice3A_331 = vector.extract_strided_slice %get3A_1 {offsets = [0, 3200], sizes = [128, 128], strides = [1, 1]} : vector<128x32000xf32> to vector<128x128xf32>
    %iota3A_332 = tpu.iota {dimensions = array<i32: 1>} : vector<128x128xi32>
    %add3A_333 = arith.constant 3200 : i32
    %add3A_334 = vector.broadcast %add3A_333 : i32 to vector<128x128xi32>
    %add3A_335 = arith.addi %add3A_334, %iota3A_332 : vector<128x128xi32>
    %broadcast_in_dim3A_336 = vector.shape_cast %get3A_5 : vector<128xi32> to vector<128x1xi32>
    %eq3A_337 = vector.broadcast %broadcast_in_dim3A_336 : vector<128x1xi32> to vector<128x128xi32>
    %eq3A_338 = arith.cmpi eq, %add3A_335, %eq3A_337 : vector<128x128xi32>
    %mul3A_339 = arith.constant 2.879820e+05 : f32
    %mul3A_340 = vector.broadcast %mul3A_339 : f32 to vector<128x128xf32>
    %mul3A_341 = arith.mulf %mul3A_340, %slice3A_331 : vector<128x128xf32>
    %select_n3A_342 = arith.select %eq3A_338, %mul3A_341, %slice3A_331 : vector<128x128xi1>, vector<128x128xf32>
    %add3A_343 = arith.addf %add3A_330, %select_n3A_342 : vector<128x128xf32>
    %slice3A_344 = vector.extract_strided_slice %get3A_1 {offsets = [0, 3328], sizes = [128, 128], strides = [1, 1]} : vector<128x32000xf32> to vector<128x128xf32>
    %iota3A_345 = tpu.iota {dimensions = array<i32: 1>} : vector<128x128xi32>
    %add3A_346 = arith.constant 3328 : i32
    %add3A_347 = vector.broadcast %add3A_346 : i32 to vector<128x128xi32>
    %add3A_348 = arith.addi %add3A_347, %iota3A_345 : vector<128x128xi32>
    %broadcast_in_dim3A_349 = vector.shape_cast %get3A_5 : vector<128xi32> to vector<128x1xi32>
    %eq3A_350 = vector.broadcast %broadcast_in_dim3A_349 : vector<128x1xi32> to vector<128x128xi32>
    %eq3A_351 = arith.cmpi eq, %add3A_348, %eq3A_350 : vector<128x128xi32>
    %mul3A_352 = arith.constant 2.879820e+05 : f32
    %mul3A_353 = vector.broadcast %mul3A_352 : f32 to vector<128x128xf32>
    %mul3A_354 = arith.mulf %mul3A_353, %slice3A_344 : vector<128x128xf32>
    %select_n3A_355 = arith.select %eq3A_351, %mul3A_354, %slice3A_344 : vector<128x128xi1>, vector<128x128xf32>
    %add3A_356 = arith.addf %add3A_343, %select_n3A_355 : vector<128x128xf32>
    %slice3A_357 = vector.extract_strided_slice %get3A_1 {offsets = [0, 3456], sizes = [128, 128], strides = [1, 1]} : vector<128x32000xf32> to vector<128x128xf32>
    %iota3A_358 = tpu.iota {dimensions = array<i32: 1>} : vector<128x128xi32>
    %add3A_359 = arith.constant 3456 : i32
    %add3A_360 = vector.broadcast %add3A_359 : i32 to vector<128x128xi32>
    %add3A_361 = arith.addi %add3A_360, %iota3A_358 : vector<128x128xi32>
    %broadcast_in_dim3A_362 = vector.shape_cast %get3A_5 : vector<128xi32> to vector<128x1xi32>
    %eq3A_363 = vector.broadcast %broadcast_in_dim3A_362 : vector<128x1xi32> to vector<128x128xi32>
    %eq3A_364 = arith.cmpi eq, %add3A_361, %eq3A_363 : vector<128x128xi32>
    %mul3A_365 = arith.constant 2.879820e+05 : f32
    %mul3A_366 = vector.broadcast %mul3A_365 : f32 to vector<128x128xf32>
    %mul3A_367 = arith.mulf %mul3A_366, %slice3A_357 : vector<128x128xf32>
    %select_n3A_368 = arith.select %eq3A_364, %mul3A_367, %slice3A_357 : vector<128x128xi1>, vector<128x128xf32>
    %add3A_369 = arith.addf %add3A_356, %select_n3A_368 : vector<128x128xf32>
    %slice3A_370 = vector.extract_strided_slice %get3A_1 {offsets = [0, 3584], sizes = [128, 128], strides = [1, 1]} : vector<128x32000xf32> to vector<128x128xf32>
    %iota3A_371 = tpu.iota {dimensions = array<i32: 1>} : vector<128x128xi32>
    %add3A_372 = arith.constant 3584 : i32
    %add3A_373 = vector.broadcast %add3A_372 : i32 to vector<128x128xi32>
    %add3A_374 = arith.addi %add3A_373, %iota3A_371 : vector<128x128xi32>
    %broadcast_in_dim3A_375 = vector.shape_cast %get3A_5 : vector<128xi32> to vector<128x1xi32>
    %eq3A_376 = vector.broadcast %broadcast_in_dim3A_375 : vector<128x1xi32> to vector<128x128xi32>
    %eq3A_377 = arith.cmpi eq, %add3A_374, %eq3A_376 : vector<128x128xi32>
    %mul3A_378 = arith.constant 2.879820e+05 : f32
    %mul3A_379 = vector.broadcast %mul3A_378 : f32 to vector<128x128xf32>
    %mul3A_380 = arith.mulf %mul3A_379, %slice3A_370 : vector<128x128xf32>
    %select_n3A_381 = arith.select %eq3A_377, %mul3A_380, %slice3A_370 : vector<128x128xi1>, vector<128x128xf32>
    %add3A_382 = arith.addf %add3A_369, %select_n3A_381 : vector<128x128xf32>
    %slice3A_383 = vector.extract_strided_slice %get3A_1 {offsets = [0, 3712], sizes = [128, 128], strides = [1, 1]} : vector<128x32000xf32> to vector<128x128xf32>
    %iota3A_384 = tpu.iota {dimensions = array<i32: 1>} : vector<128x128xi32>
    %add3A_385 = arith.constant 3712 : i32
    %add3A_386 = vector.broadcast %add3A_385 : i32 to vector<128x128xi32>
    %add3A_387 = arith.addi %add3A_386, %iota3A_384 : vector<128x128xi32>
    %broadcast_in_dim3A_388 = vector.shape_cast %get3A_5 : vector<128xi32> to vector<128x1xi32>
    %eq3A_389 = vector.broadcast %broadcast_in_dim3A_388 : vector<128x1xi32> to vector<128x128xi32>
    %eq3A_390 = arith.cmpi eq, %add3A_387, %eq3A_389 : vector<128x128xi32>
    %mul3A_391 = arith.constant 2.879820e+05 : f32
    %mul3A_392 = vector.broadcast %mul3A_391 : f32 to vector<128x128xf32>
    %mul3A_393 = arith.mulf %mul3A_392, %slice3A_383 : vector<128x128xf32>
    %select_n3A_394 = arith.select %eq3A_390, %mul3A_393, %slice3A_383 : vector<128x128xi1>, vector<128x128xf32>
    %add3A_395 = arith.addf %add3A_382, %select_n3A_394 : vector<128x128xf32>
    %slice3A_396 = vector.extract_strided_slice %get3A_1 {offsets = [0, 3840], sizes = [128, 128], strides = [1, 1]} : vector<128x32000xf32> to vector<128x128xf32>
    %iota3A_397 = tpu.iota {dimensions = array<i32: 1>} : vector<128x128xi32>
    %add3A_398 = arith.constant 3840 : i32
    %add3A_399 = vector.broadcast %add3A_398 : i32 to vector<128x128xi32>
    %add3A_400 = arith.addi %add3A_399, %iota3A_397 : vector<128x128xi32>
    %broadcast_in_dim3A_401 = vector.shape_cast %get3A_5 : vector<128xi32> to vector<128x1xi32>
    %eq3A_402 = vector.broadcast %broadcast_in_dim3A_401 : vector<128x1xi32> to vector<128x128xi32>
    %eq3A_403 = arith.cmpi eq, %add3A_400, %eq3A_402 : vector<128x128xi32>
    %mul3A_404 = arith.constant 2.879820e+05 : f32
    %mul3A_405 = vector.broadcast %mul3A_404 : f32 to vector<128x128xf32>
    %mul3A_406 = arith.mulf %mul3A_405, %slice3A_396 : vector<128x128xf32>
    %select_n3A_407 = arith.select %eq3A_403, %mul3A_406, %slice3A_396 : vector<128x128xi1>, vector<128x128xf32>
    %add3A_408 = arith.addf %add3A_395, %select_n3A_407 : vector<128x128xf32>
    %slice3A_409 = vector.extract_strided_slice %get3A_1 {offsets = [0, 3968], sizes = [128, 128], strides = [1, 1]} : vector<128x32000xf32> to vector<128x128xf32>
    %iota3A_410 = tpu.iota {dimensions = array<i32: 1>} : vector<128x128xi32>
    %add3A_411 = arith.constant 3968 : i32
    %add3A_412 = vector.broadcast %add3A_411 : i32 to vector<128x128xi32>
    %add3A_413 = arith.addi %add3A_412, %iota3A_410 : vector<128x128xi32>
    %broadcast_in_dim3A_414 = vector.shape_cast %get3A_5 : vector<128xi32> to vector<128x1xi32>
    %eq3A_415 = vector.broadcast %broadcast_in_dim3A_414 : vector<128x1xi32> to vector<128x128xi32>
    %eq3A_416 = arith.cmpi eq, %add3A_413, %eq3A_415 : vector<128x128xi32>
    %mul3A_417 = arith.constant 2.879820e+05 : f32
    %mul3A_418 = vector.broadcast %mul3A_417 : f32 to vector<128x128xf32>
    %mul3A_419 = arith.mulf %mul3A_418, %slice3A_409 : vector<128x128xf32>
    %select_n3A_420 = arith.select %eq3A_416, %mul3A_419, %slice3A_409 : vector<128x128xi1>, vector<128x128xf32>
    %add3A_421 = arith.addf %add3A_408, %select_n3A_420 : vector<128x128xf32>
    %slice3A_422 = vector.extract_strided_slice %get3A_1 {offsets = [0, 4096], sizes = [128, 128], strides = [1, 1]} : vector<128x32000xf32> to vector<128x128xf32>
    %iota3A_423 = tpu.iota {dimensions = array<i32: 1>} : vector<128x128xi32>
    %add3A_424 = arith.constant 4096 : i32
    %add3A_425 = vector.broadcast %add3A_424 : i32 to vector<128x128xi32>
    %add3A_426 = arith.addi %add3A_425, %iota3A_423 : vector<128x128xi32>
    %broadcast_in_dim3A_427 = vector.shape_cast %get3A_5 : vector<128xi32> to vector<128x1xi32>
    %eq3A_428 = vector.broadcast %broadcast_in_dim3A_427 : vector<128x1xi32> to vector<128x128xi32>
    %eq3A_429 = arith.cmpi eq, %add3A_426, %eq3A_428 : vector<128x128xi32>
    %mul3A_430 = arith.constant 2.879820e+05 : f32
    %mul3A_431 = vector.broadcast %mul3A_430 : f32 to vector<128x128xf32>
    %mul3A_432 = arith.mulf %mul3A_431, %slice3A_422 : vector<128x128xf32>
    %select_n3A_433 = arith.select %eq3A_429, %mul3A_432, %slice3A_422 : vector<128x128xi1>, vector<128x128xf32>
    %add3A_434 = arith.addf %add3A_421, %select_n3A_433 : vector<128x128xf32>
    %slice3A_435 = vector.extract_strided_slice %get3A_1 {offsets = [0, 4224], sizes = [128, 128], strides = [1, 1]} : vector<128x32000xf32> to vector<128x128xf32>
    %iota3A_436 = tpu.iota {dimensions = array<i32: 1>} : vector<128x128xi32>
    %add3A_437 = arith.constant 4224 : i32
    %add3A_438 = vector.broadcast %add3A_437 : i32 to vector<128x128xi32>
    %add3A_439 = arith.addi %add3A_438, %iota3A_436 : vector<128x128xi32>
    %broadcast_in_dim3A_440 = vector.shape_cast %get3A_5 : vector<128xi32> to vector<128x1xi32>
    %eq3A_441 = vector.broadcast %broadcast_in_dim3A_440 : vector<128x1xi32> to vector<128x128xi32>
    %eq3A_442 = arith.cmpi eq, %add3A_439, %eq3A_441 : vector<128x128xi32>
    %mul3A_443 = arith.constant 2.879820e+05 : f32
    %mul3A_444 = vector.broadcast %mul3A_443 : f32 to vector<128x128xf32>
    %mul3A_445 = arith.mulf %mul3A_444, %slice3A_435 : vector<128x128xf32>
    %select_n3A_446 = arith.select %eq3A_442, %mul3A_445, %slice3A_435 : vector<128x128xi1>, vector<128x128xf32>
    %add3A_447 = arith.addf %add3A_434, %select_n3A_446 : vector<128x128xf32>
    %slice3A_448 = vector.extract_strided_slice %get3A_1 {offsets = [0, 4352], sizes = [128, 128], strides = [1, 1]} : vector<128x32000xf32> to vector<128x128xf32>
    %iota3A_449 = tpu.iota {dimensions = array<i32: 1>} : vector<128x128xi32>
    %add3A_450 = arith.constant 4352 : i32
    %add3A_451 = vector.broadcast %add3A_450 : i32 to vector<128x128xi32>
    %add3A_452 = arith.addi %add3A_451, %iota3A_449 : vector<128x128xi32>
    %broadcast_in_dim3A_453 = vector.shape_cast %get3A_5 : vector<128xi32> to vector<128x1xi32>
    %eq3A_454 = vector.broadcast %broadcast_in_dim3A_453 : vector<128x1xi32> to vector<128x128xi32>
    %eq3A_455 = arith.cmpi eq, %add3A_452, %eq3A_454 : vector<128x128xi32>
    %mul3A_456 = arith.constant 2.879820e+05 : f32
    %mul3A_457 = vector.broadcast %mul3A_456 : f32 to vector<128x128xf32>
    %mul3A_458 = arith.mulf %mul3A_457, %slice3A_448 : vector<128x128xf32>
    %select_n3A_459 = arith.select %eq3A_455, %mul3A_458, %slice3A_448 : vector<128x128xi1>, vector<128x128xf32>
    %add3A_460 = arith.addf %add3A_447, %select_n3A_459 : vector<128x128xf32>
    %slice3A_461 = vector.extract_strided_slice %get3A_1 {offsets = [0, 4480], sizes = [128, 128], strides = [1, 1]} : vector<128x32000xf32> to vector<128x128xf32>
    %iota3A_462 = tpu.iota {dimensions = array<i32: 1>} : vector<128x128xi32>
    %add3A_463 = arith.constant 4480 : i32
    %add3A_464 = vector.broadcast %add3A_463 : i32 to vector<128x128xi32>
    %add3A_465 = arith.addi %add3A_464, %iota3A_462 : vector<128x128xi32>
    %broadcast_in_dim3A_466 = vector.shape_cast %get3A_5 : vector<128xi32> to vector<128x1xi32>
    %eq3A_467 = vector.broadcast %broadcast_in_dim3A_466 : vector<128x1xi32> to vector<128x128xi32>
    %eq3A_468 = arith.cmpi eq, %add3A_465, %eq3A_467 : vector<128x128xi32>
    %mul3A_469 = arith.constant 2.879820e+05 : f32
    %mul3A_470 = vector.broadcast %mul3A_469 : f32 to vector<128x128xf32>
    %mul3A_471 = arith.mulf %mul3A_470, %slice3A_461 : vector<128x128xf32>
    %select_n3A_472 = arith.select %eq3A_468, %mul3A_471, %slice3A_461 : vector<128x128xi1>, vector<128x128xf32>
    %add3A_473 = arith.addf %add3A_460, %select_n3A_472 : vector<128x128xf32>
    %slice3A_474 = vector.extract_strided_slice %get3A_1 {offsets = [0, 4608], sizes = [128, 128], strides = [1, 1]} : vector<128x32000xf32> to vector<128x128xf32>
    %iota3A_475 = tpu.iota {dimensions = array<i32: 1>} : vector<128x128xi32>
    %add3A_476 = arith.constant 4608 : i32
    %add3A_477 = vector.broadcast %add3A_476 : i32 to vector<128x128xi32>
    %add3A_478 = arith.addi %add3A_477, %iota3A_475 : vector<128x128xi32>
    %broadcast_in_dim3A_479 = vector.shape_cast %get3A_5 : vector<128xi32> to vector<128x1xi32>
    %eq3A_480 = vector.broadcast %broadcast_in_dim3A_479 : vector<128x1xi32> to vector<128x128xi32>
    %eq3A_481 = arith.cmpi eq, %add3A_478, %eq3A_480 : vector<128x128xi32>
    %mul3A_482 = arith.constant 2.879820e+05 : f32
    %mul3A_483 = vector.broadcast %mul3A_482 : f32 to vector<128x128xf32>
    %mul3A_484 = arith.mulf %mul3A_483, %slice3A_474 : vector<128x128xf32>
    %select_n3A_485 = arith.select %eq3A_481, %mul3A_484, %slice3A_474 : vector<128x128xi1>, vector<128x128xf32>
    %add3A_486 = arith.addf %add3A_473, %select_n3A_485 : vector<128x128xf32>
    %slice3A_487 = vector.extract_strided_slice %get3A_1 {offsets = [0, 4736], sizes = [128, 128], strides = [1, 1]} : vector<128x32000xf32> to vector<128x128xf32>
    %iota3A_488 = tpu.iota {dimensions = array<i32: 1>} : vector<128x128xi32>
    %add3A_489 = arith.constant 4736 : i32
    %add3A_490 = vector.broadcast %add3A_489 : i32 to vector<128x128xi32>
    %add3A_491 = arith.addi %add3A_490, %iota3A_488 : vector<128x128xi32>
    %broadcast_in_dim3A_492 = vector.shape_cast %get3A_5 : vector<128xi32> to vector<128x1xi32>
    %eq3A_493 = vector.broadcast %broadcast_in_dim3A_492 : vector<128x1xi32> to vector<128x128xi32>
    %eq3A_494 = arith.cmpi eq, %add3A_491, %eq3A_493 : vector<128x128xi32>
    %mul3A_495 = arith.constant 2.879820e+05 : f32
    %mul3A_496 = vector.broadcast %mul3A_495 : f32 to vector<128x128xf32>
    %mul3A_497 = arith.mulf %mul3A_496, %slice3A_487 : vector<128x128xf32>
    %select_n3A_498 = arith.select %eq3A_494, %mul3A_497, %slice3A_487 : vector<128x128xi1>, vector<128x128xf32>
    %add3A_499 = arith.addf %add3A_486, %select_n3A_498 : vector<128x128xf32>
    %slice3A_500 = vector.extract_strided_slice %get3A_1 {offsets = [0, 4864], sizes = [128, 128], strides = [1, 1]} : vector<128x32000xf32> to vector<128x128xf32>
    %iota3A_501 = tpu.iota {dimensions = array<i32: 1>} : vector<128x128xi32>
    %add3A_502 = arith.constant 4864 : i32
    %add3A_503 = vector.broadcast %add3A_502 : i32 to vector<128x128xi32>
    %add3A_504 = arith.addi %add3A_503, %iota3A_501 : vector<128x128xi32>
    %broadcast_in_dim3A_505 = vector.shape_cast %get3A_5 : vector<128xi32> to vector<128x1xi32>
    %eq3A_506 = vector.broadcast %broadcast_in_dim3A_505 : vector<128x1xi32> to vector<128x128xi32>
    %eq3A_507 = arith.cmpi eq, %add3A_504, %eq3A_506 : vector<128x128xi32>
    %mul3A_508 = arith.constant 2.879820e+05 : f32
    %mul3A_509 = vector.broadcast %mul3A_508 : f32 to vector<128x128xf32>
    %mul3A_510 = arith.mulf %mul3A_509, %slice3A_500 : vector<128x128xf32>
    %select_n3A_511 = arith.select %eq3A_507, %mul3A_510, %slice3A_500 : vector<128x128xi1>, vector<128x128xf32>
    %add3A_512 = arith.addf %add3A_499, %select_n3A_511 : vector<128x128xf32>
    %slice3A_513 = vector.extract_strided_slice %get3A_1 {offsets = [0, 4992], sizes = [128, 128], strides = [1, 1]} : vector<128x32000xf32> to vector<128x128xf32>
    %iota3A_514 = tpu.iota {dimensions = array<i32: 1>} : vector<128x128xi32>
    %add3A_515 = arith.constant 4992 : i32
    %add3A_516 = vector.broadcast %add3A_515 : i32 to vector<128x128xi32>
    %add3A_517 = arith.addi %add3A_516, %iota3A_514 : vector<128x128xi32>
    %broadcast_in_dim3A_518 = vector.shape_cast %get3A_5 : vector<128xi32> to vector<128x1xi32>
    %eq3A_519 = vector.broadcast %broadcast_in_dim3A_518 : vector<128x1xi32> to vector<128x128xi32>
    %eq3A_520 = arith.cmpi eq, %add3A_517, %eq3A_519 : vector<128x128xi32>
    %mul3A_521 = arith.constant 2.879820e+05 : f32
    %mul3A_522 = vector.broadcast %mul3A_521 : f32 to vector<128x128xf32>
    %mul3A_523 = arith.mulf %mul3A_522, %slice3A_513 : vector<128x128xf32>
    %select_n3A_524 = arith.select %eq3A_520, %mul3A_523, %slice3A_513 : vector<128x128xi1>, vector<128x128xf32>
    %add3A_525 = arith.addf %add3A_512, %select_n3A_524 : vector<128x128xf32>
    %slice3A_526 = vector.extract_strided_slice %get3A_1 {offsets = [0, 5120], sizes = [128, 128], strides = [1, 1]} : vector<128x32000xf32> to vector<128x128xf32>
    %iota3A_527 = tpu.iota {dimensions = array<i32: 1>} : vector<128x128xi32>
    %add3A_528 = arith.constant 5120 : i32
    %add3A_529 = vector.broadcast %add3A_528 : i32 to vector<128x128xi32>
    %add3A_530 = arith.addi %add3A_529, %iota3A_527 : vector<128x128xi32>
    %broadcast_in_dim3A_531 = vector.shape_cast %get3A_5 : vector<128xi32> to vector<128x1xi32>
    %eq3A_532 = vector.broadcast %broadcast_in_dim3A_531 : vector<128x1xi32> to vector<128x128xi32>
    %eq3A_533 = arith.cmpi eq, %add3A_530, %eq3A_532 : vector<128x128xi32>
    %mul3A_534 = arith.constant 2.879820e+05 : f32
    %mul3A_535 = vector.broadcast %mul3A_534 : f32 to vector<128x128xf32>
    %mul3A_536 = arith.mulf %mul3A_535, %slice3A_526 : vector<128x128xf32>
    %select_n3A_537 = arith.select %eq3A_533, %mul3A_536, %slice3A_526 : vector<128x128xi1>, vector<128x128xf32>
    %add3A_538 = arith.addf %add3A_525, %select_n3A_537 : vector<128x128xf32>
    %slice3A_539 = vector.extract_strided_slice %get3A_1 {offsets = [0, 5248], sizes = [128, 128], strides = [1, 1]} : vector<128x32000xf32> to vector<128x128xf32>
    %iota3A_540 = tpu.iota {dimensions = array<i32: 1>} : vector<128x128xi32>
    %add3A_541 = arith.constant 5248 : i32
    %add3A_542 = vector.broadcast %add3A_541 : i32 to vector<128x128xi32>
    %add3A_543 = arith.addi %add3A_542, %iota3A_540 : vector<128x128xi32>
    %broadcast_in_dim3A_544 = vector.shape_cast %get3A_5 : vector<128xi32> to vector<128x1xi32>
    %eq3A_545 = vector.broadcast %broadcast_in_dim3A_544 : vector<128x1xi32> to vector<128x128xi32>
    %eq3A_546 = arith.cmpi eq, %add3A_543, %eq3A_545 : vector<128x128xi32>
    %mul3A_547 = arith.constant 2.879820e+05 : f32
    %mul3A_548 = vector.broadcast %mul3A_547 : f32 to vector<128x128xf32>
    %mul3A_549 = arith.mulf %mul3A_548, %slice3A_539 : vector<128x128xf32>
    %select_n3A_550 = arith.select %eq3A_546, %mul3A_549, %slice3A_539 : vector<128x128xi1>, vector<128x128xf32>
    %add3A_551 = arith.addf %add3A_538, %select_n3A_550 : vector<128x128xf32>
    %slice3A_552 = vector.extract_strided_slice %get3A_1 {offsets = [0, 5376], sizes = [128, 128], strides = [1, 1]} : vector<128x32000xf32> to vector<128x128xf32>
    %iota3A_553 = tpu.iota {dimensions = array<i32: 1>} : vector<128x128xi32>
    %add3A_554 = arith.constant 5376 : i32
    %add3A_555 = vector.broadcast %add3A_554 : i32 to vector<128x128xi32>
    %add3A_556 = arith.addi %add3A_555, %iota3A_553 : vector<128x128xi32>
    %broadcast_in_dim3A_557 = vector.shape_cast %get3A_5 : vector<128xi32> to vector<128x1xi32>
    %eq3A_558 = vector.broadcast %broadcast_in_dim3A_557 : vector<128x1xi32> to vector<128x128xi32>
    %eq3A_559 = arith.cmpi eq, %add3A_556, %eq3A_558 : vector<128x128xi32>
    %mul3A_560 = arith.constant 2.879820e+05 : f32
    %mul3A_561 = vector.broadcast %mul3A_560 : f32 to vector<128x128xf32>
    %mul3A_562 = arith.mulf %mul3A_561, %slice3A_552 : vector<128x128xf32>
    %select_n3A_563 = arith.select %eq3A_559, %mul3A_562, %slice3A_552 : vector<128x128xi1>, vector<128x128xf32>
    %add3A_564 = arith.addf %add3A_551, %select_n3A_563 : vector<128x128xf32>
    %slice3A_565 = vector.extract_strided_slice %get3A_1 {offsets = [0, 5504], sizes = [128, 128], strides = [1, 1]} : vector<128x32000xf32> to vector<128x128xf32>
    %iota3A_566 = tpu.iota {dimensions = array<i32: 1>} : vector<128x128xi32>
    %add3A_567 = arith.constant 5504 : i32
    %add3A_568 = vector.broadcast %add3A_567 : i32 to vector<128x128xi32>
    %add3A_569 = arith.addi %add3A_568, %iota3A_566 : vector<128x128xi32>
    %broadcast_in_dim3A_570 = vector.shape_cast %get3A_5 : vector<128xi32> to vector<128x1xi32>
    %eq3A_571 = vector.broadcast %broadcast_in_dim3A_570 : vector<128x1xi32> to vector<128x128xi32>
    %eq3A_572 = arith.cmpi eq, %add3A_569, %eq3A_571 : vector<128x128xi32>
    %mul3A_573 = arith.constant 2.879820e+05 : f32
    %mul3A_574 = vector.broadcast %mul3A_573 : f32 to vector<128x128xf32>
    %mul3A_575 = arith.mulf %mul3A_574, %slice3A_565 : vector<128x128xf32>
    %select_n3A_576 = arith.select %eq3A_572, %mul3A_575, %slice3A_565 : vector<128x128xi1>, vector<128x128xf32>
    %add3A_577 = arith.addf %add3A_564, %select_n3A_576 : vector<128x128xf32>
    %slice3A_578 = vector.extract_strided_slice %get3A_1 {offsets = [0, 5632], sizes = [128, 128], strides = [1, 1]} : vector<128x32000xf32> to vector<128x128xf32>
    %iota3A_579 = tpu.iota {dimensions = array<i32: 1>} : vector<128x128xi32>
    %add3A_580 = arith.constant 5632 : i32
    %add3A_581 = vector.broadcast %add3A_580 : i32 to vector<128x128xi32>
    %add3A_582 = arith.addi %add3A_581, %iota3A_579 : vector<128x128xi32>
    %broadcast_in_dim3A_583 = vector.shape_cast %get3A_5 : vector<128xi32> to vector<128x1xi32>
    %eq3A_584 = vector.broadcast %broadcast_in_dim3A_583 : vector<128x1xi32> to vector<128x128xi32>
    %eq3A_585 = arith.cmpi eq, %add3A_582, %eq3A_584 : vector<128x128xi32>
    %mul3A_586 = arith.constant 2.879820e+05 : f32
    %mul3A_587 = vector.broadcast %mul3A_586 : f32 to vector<128x128xf32>
    %mul3A_588 = arith.mulf %mul3A_587, %slice3A_578 : vector<128x128xf32>
    %select_n3A_589 = arith.select %eq3A_585, %mul3A_588, %slice3A_578 : vector<128x128xi1>, vector<128x128xf32>
    %add3A_590 = arith.addf %add3A_577, %select_n3A_589 : vector<128x128xf32>
    %slice3A_591 = vector.extract_strided_slice %get3A_1 {offsets = [0, 5760], sizes = [128, 128], strides = [1, 1]} : vector<128x32000xf32> to vector<128x128xf32>
    %iota3A_592 = tpu.iota {dimensions = array<i32: 1>} : vector<128x128xi32>
    %add3A_593 = arith.constant 5760 : i32
    %add3A_594 = vector.broadcast %add3A_593 : i32 to vector<128x128xi32>
    %add3A_595 = arith.addi %add3A_594, %iota3A_592 : vector<128x128xi32>
    %broadcast_in_dim3A_596 = vector.shape_cast %get3A_5 : vector<128xi32> to vector<128x1xi32>
    %eq3A_597 = vector.broadcast %broadcast_in_dim3A_596 : vector<128x1xi32> to vector<128x128xi32>
    %eq3A_598 = arith.cmpi eq, %add3A_595, %eq3A_597 : vector<128x128xi32>
    %mul3A_599 = arith.constant 2.879820e+05 : f32
    %mul3A_600 = vector.broadcast %mul3A_599 : f32 to vector<128x128xf32>
    %mul3A_601 = arith.mulf %mul3A_600, %slice3A_591 : vector<128x128xf32>
    %select_n3A_602 = arith.select %eq3A_598, %mul3A_601, %slice3A_591 : vector<128x128xi1>, vector<128x128xf32>
    %add3A_603 = arith.addf %add3A_590, %select_n3A_602 : vector<128x128xf32>
    %slice3A_604 = vector.extract_strided_slice %get3A_1 {offsets = [0, 5888], sizes = [128, 128], strides = [1, 1]} : vector<128x32000xf32> to vector<128x128xf32>
    %iota3A_605 = tpu.iota {dimensions = array<i32: 1>} : vector<128x128xi32>
    %add3A_606 = arith.constant 5888 : i32
    %add3A_607 = vector.broadcast %add3A_606 : i32 to vector<128x128xi32>
    %add3A_608 = arith.addi %add3A_607, %iota3A_605 : vector<128x128xi32>
    %broadcast_in_dim3A_609 = vector.shape_cast %get3A_5 : vector<128xi32> to vector<128x1xi32>
    %eq3A_610 = vector.broadcast %broadcast_in_dim3A_609 : vector<128x1xi32> to vector<128x128xi32>
    %eq3A_611 = arith.cmpi eq, %add3A_608, %eq3A_610 : vector<128x128xi32>
    %mul3A_612 = arith.constant 2.879820e+05 : f32
    %mul3A_613 = vector.broadcast %mul3A_612 : f32 to vector<128x128xf32>
    %mul3A_614 = arith.mulf %mul3A_613, %slice3A_604 : vector<128x128xf32>
    %select_n3A_615 = arith.select %eq3A_611, %mul3A_614, %slice3A_604 : vector<128x128xi1>, vector<128x128xf32>
    %add3A_616 = arith.addf %add3A_603, %select_n3A_615 : vector<128x128xf32>
    %slice3A_617 = vector.extract_strided_slice %get3A_1 {offsets = [0, 6016], sizes = [128, 128], strides = [1, 1]} : vector<128x32000xf32> to vector<128x128xf32>
    %iota3A_618 = tpu.iota {dimensions = array<i32: 1>} : vector<128x128xi32>
    %add3A_619 = arith.constant 6016 : i32
    %add3A_620 = vector.broadcast %add3A_619 : i32 to vector<128x128xi32>
    %add3A_621 = arith.addi %add3A_620, %iota3A_618 : vector<128x128xi32>
    %broadcast_in_dim3A_622 = vector.shape_cast %get3A_5 : vector<128xi32> to vector<128x1xi32>
    %eq3A_623 = vector.broadcast %broadcast_in_dim3A_622 : vector<128x1xi32> to vector<128x128xi32>
    %eq3A_624 = arith.cmpi eq, %add3A_621, %eq3A_623 : vector<128x128xi32>
    %mul3A_625 = arith.constant 2.879820e+05 : f32
    %mul3A_626 = vector.broadcast %mul3A_625 : f32 to vector<128x128xf32>
    %mul3A_627 = arith.mulf %mul3A_626, %slice3A_617 : vector<128x128xf32>
    %select_n3A_628 = arith.select %eq3A_624, %mul3A_627, %slice3A_617 : vector<128x128xi1>, vector<128x128xf32>
    %add3A_629 = arith.addf %add3A_616, %select_n3A_628 : vector<128x128xf32>
    %slice3A_630 = vector.extract_strided_slice %get3A_1 {offsets = [0, 6144], sizes = [128, 128], strides = [1, 1]} : vector<128x32000xf32> to vector<128x128xf32>
    %iota3A_631 = tpu.iota {dimensions = array<i32: 1>} : vector<128x128xi32>
    %add3A_632 = arith.constant 6144 : i32
    %add3A_633 = vector.broadcast %add3A_632 : i32 to vector<128x128xi32>
    %add3A_634 = arith.addi %add3A_633, %iota3A_631 : vector<128x128xi32>
    %broadcast_in_dim3A_635 = vector.shape_cast %get3A_5 : vector<128xi32> to vector<128x1xi32>
    %eq3A_636 = vector.broadcast %broadcast_in_dim3A_635 : vector<128x1xi32> to vector<128x128xi32>
    %eq3A_637 = arith.cmpi eq, %add3A_634, %eq3A_636 : vector<128x128xi32>
    %mul3A_638 = arith.constant 2.879820e+05 : f32
    %mul3A_639 = vector.broadcast %mul3A_638 : f32 to vector<128x128xf32>
    %mul3A_640 = arith.mulf %mul3A_639, %slice3A_630 : vector<128x128xf32>
    %select_n3A_641 = arith.select %eq3A_637, %mul3A_640, %slice3A_630 : vector<128x128xi1>, vector<128x128xf32>
    %add3A_642 = arith.addf %add3A_629, %select_n3A_641 : vector<128x128xf32>
    %slice3A_643 = vector.extract_strided_slice %get3A_1 {offsets = [0, 6272], sizes = [128, 128], strides = [1, 1]} : vector<128x32000xf32> to vector<128x128xf32>
    %iota3A_644 = tpu.iota {dimensions = array<i32: 1>} : vector<128x128xi32>
    %add3A_645 = arith.constant 6272 : i32
    %add3A_646 = vector.broadcast %add3A_645 : i32 to vector<128x128xi32>
    %add3A_647 = arith.addi %add3A_646, %iota3A_644 : vector<128x128xi32>
    %broadcast_in_dim3A_648 = vector.shape_cast %get3A_5 : vector<128xi32> to vector<128x1xi32>
    %eq3A_649 = vector.broadcast %broadcast_in_dim3A_648 : vector<128x1xi32> to vector<128x128xi32>
    %eq3A_650 = arith.cmpi eq, %add3A_647, %eq3A_649 : vector<128x128xi32>
    %mul3A_651 = arith.constant 2.879820e+05 : f32
    %mul3A_652 = vector.broadcast %mul3A_651 : f32 to vector<128x128xf32>
    %mul3A_653 = arith.mulf %mul3A_652, %slice3A_643 : vector<128x128xf32>
    %select_n3A_654 = arith.select %eq3A_650, %mul3A_653, %slice3A_643 : vector<128x128xi1>, vector<128x128xf32>
    %add3A_655 = arith.addf %add3A_642, %select_n3A_654 : vector<128x128xf32>
    %slice3A_656 = vector.extract_strided_slice %get3A_1 {offsets = [0, 6400], sizes = [128, 128], strides = [1, 1]} : vector<128x32000xf32> to vector<128x128xf32>
    %iota3A_657 = tpu.iota {dimensions = array<i32: 1>} : vector<128x128xi32>
    %add3A_658 = arith.constant 6400 : i32
    %add3A_659 = vector.broadcast %add3A_658 : i32 to vector<128x128xi32>
    %add3A_660 = arith.addi %add3A_659, %iota3A_657 : vector<128x128xi32>
    %broadcast_in_dim3A_661 = vector.shape_cast %get3A_5 : vector<128xi32> to vector<128x1xi32>
    %eq3A_662 = vector.broadcast %broadcast_in_dim3A_661 : vector<128x1xi32> to vector<128x128xi32>
    %eq3A_663 = arith.cmpi eq, %add3A_660, %eq3A_662 : vector<128x128xi32>
    %mul3A_664 = arith.constant 2.879820e+05 : f32
    %mul3A_665 = vector.broadcast %mul3A_664 : f32 to vector<128x128xf32>
    %mul3A_666 = arith.mulf %mul3A_665, %slice3A_656 : vector<128x128xf32>
    %select_n3A_667 = arith.select %eq3A_663, %mul3A_666, %slice3A_656 : vector<128x128xi1>, vector<128x128xf32>
    %add3A_668 = arith.addf %add3A_655, %select_n3A_667 : vector<128x128xf32>
    %slice3A_669 = vector.extract_strided_slice %get3A_1 {offsets = [0, 6528], sizes = [128, 128], strides = [1, 1]} : vector<128x32000xf32> to vector<128x128xf32>
    %iota3A_670 = tpu.iota {dimensions = array<i32: 1>} : vector<128x128xi32>
    %add3A_671 = arith.constant 6528 : i32
    %add3A_672 = vector.broadcast %add3A_671 : i32 to vector<128x128xi32>
    %add3A_673 = arith.addi %add3A_672, %iota3A_670 : vector<128x128xi32>
    %broadcast_in_dim3A_674 = vector.shape_cast %get3A_5 : vector<128xi32> to vector<128x1xi32>
    %eq3A_675 = vector.broadcast %broadcast_in_dim3A_674 : vector<128x1xi32> to vector<128x128xi32>
    %eq3A_676 = arith.cmpi eq, %add3A_673, %eq3A_675 : vector<128x128xi32>
    %mul3A_677 = arith.constant 2.879820e+05 : f32
    %mul3A_678 = vector.broadcast %mul3A_677 : f32 to vector<128x128xf32>
    %mul3A_679 = arith.mulf %mul3A_678, %slice3A_669 : vector<128x128xf32>
    %select_n3A_680 = arith.select %eq3A_676, %mul3A_679, %slice3A_669 : vector<128x128xi1>, vector<128x128xf32>
    %add3A_681 = arith.addf %add3A_668, %select_n3A_680 : vector<128x128xf32>
    %slice3A_682 = vector.extract_strided_slice %get3A_1 {offsets = [0, 6656], sizes = [128, 128], strides = [1, 1]} : vector<128x32000xf32> to vector<128x128xf32>
    %iota3A_683 = tpu.iota {dimensions = array<i32: 1>} : vector<128x128xi32>
    %add3A_684 = arith.constant 6656 : i32
    %add3A_685 = vector.broadcast %add3A_684 : i32 to vector<128x128xi32>
    %add3A_686 = arith.addi %add3A_685, %iota3A_683 : vector<128x128xi32>
    %broadcast_in_dim3A_687 = vector.shape_cast %get3A_5 : vector<128xi32> to vector<128x1xi32>
    %eq3A_688 = vector.broadcast %broadcast_in_dim3A_687 : vector<128x1xi32> to vector<128x128xi32>
    %eq3A_689 = arith.cmpi eq, %add3A_686, %eq3A_688 : vector<128x128xi32>
    %mul3A_690 = arith.constant 2.879820e+05 : f32
    %mul3A_691 = vector.broadcast %mul3A_690 : f32 to vector<128x128xf32>
    %mul3A_692 = arith.mulf %mul3A_691, %slice3A_682 : vector<128x128xf32>
    %select_n3A_693 = arith.select %eq3A_689, %mul3A_692, %slice3A_682 : vector<128x128xi1>, vector<128x128xf32>
    %add3A_694 = arith.addf %add3A_681, %select_n3A_693 : vector<128x128xf32>
    %slice3A_695 = vector.extract_strided_slice %get3A_1 {offsets = [0, 6784], sizes = [128, 128], strides = [1, 1]} : vector<128x32000xf32> to vector<128x128xf32>
    %iota3A_696 = tpu.iota {dimensions = array<i32: 1>} : vector<128x128xi32>
    %add3A_697 = arith.constant 6784 : i32
    %add3A_698 = vector.broadcast %add3A_697 : i32 to vector<128x128xi32>
    %add3A_699 = arith.addi %add3A_698, %iota3A_696 : vector<128x128xi32>
    %broadcast_in_dim3A_700 = vector.shape_cast %get3A_5 : vector<128xi32> to vector<128x1xi32>
    %eq3A_701 = vector.broadcast %broadcast_in_dim3A_700 : vector<128x1xi32> to vector<128x128xi32>
    %eq3A_702 = arith.cmpi eq, %add3A_699, %eq3A_701 : vector<128x128xi32>
    %mul3A_703 = arith.constant 2.879820e+05 : f32
    %mul3A_704 = vector.broadcast %mul3A_703 : f32 to vector<128x128xf32>
    %mul3A_705 = arith.mulf %mul3A_704, %slice3A_695 : vector<128x128xf32>
    %select_n3A_706 = arith.select %eq3A_702, %mul3A_705, %slice3A_695 : vector<128x128xi1>, vector<128x128xf32>
    %add3A_707 = arith.addf %add3A_694, %select_n3A_706 : vector<128x128xf32>
    %slice3A_708 = vector.extract_strided_slice %get3A_1 {offsets = [0, 6912], sizes = [128, 128], strides = [1, 1]} : vector<128x32000xf32> to vector<128x128xf32>
    %iota3A_709 = tpu.iota {dimensions = array<i32: 1>} : vector<128x128xi32>
    %add3A_710 = arith.constant 6912 : i32
    %add3A_711 = vector.broadcast %add3A_710 : i32 to vector<128x128xi32>
    %add3A_712 = arith.addi %add3A_711, %iota3A_709 : vector<128x128xi32>
    %broadcast_in_dim3A_713 = vector.shape_cast %get3A_5 : vector<128xi32> to vector<128x1xi32>
    %eq3A_714 = vector.broadcast %broadcast_in_dim3A_713 : vector<128x1xi32> to vector<128x128xi32>
    %eq3A_715 = arith.cmpi eq, %add3A_712, %eq3A_714 : vector<128x128xi32>
    %mul3A_716 = arith.constant 2.879820e+05 : f32
    %mul3A_717 = vector.broadcast %mul3A_716 : f32 to vector<128x128xf32>
    %mul3A_718 = arith.mulf %mul3A_717, %slice3A_708 : vector<128x128xf32>
    %select_n3A_719 = arith.select %eq3A_715, %mul3A_718, %slice3A_708 : vector<128x128xi1>, vector<128x128xf32>
    %add3A_720 = arith.addf %add3A_707, %select_n3A_719 : vector<128x128xf32>
    %slice3A_721 = vector.extract_strided_slice %get3A_1 {offsets = [0, 7040], sizes = [128, 128], strides = [1, 1]} : vector<128x32000xf32> to vector<128x128xf32>
    %iota3A_722 = tpu.iota {dimensions = array<i32: 1>} : vector<128x128xi32>
    %add3A_723 = arith.constant 7040 : i32
    %add3A_724 = vector.broadcast %add3A_723 : i32 to vector<128x128xi32>
    %add3A_725 = arith.addi %add3A_724, %iota3A_722 : vector<128x128xi32>
    %broadcast_in_dim3A_726 = vector.shape_cast %get3A_5 : vector<128xi32> to vector<128x1xi32>
    %eq3A_727 = vector.broadcast %broadcast_in_dim3A_726 : vector<128x1xi32> to vector<128x128xi32>
    %eq3A_728 = arith.cmpi eq, %add3A_725, %eq3A_727 : vector<128x128xi32>
    %mul3A_729 = arith.constant 2.879820e+05 : f32
    %mul3A_730 = vector.broadcast %mul3A_729 : f32 to vector<128x128xf32>
    %mul3A_731 = arith.mulf %mul3A_730, %slice3A_721 : vector<128x128xf32>
    %select_n3A_732 = arith.select %eq3A_728, %mul3A_731, %slice3A_721 : vector<128x128xi1>, vector<128x128xf32>
    %add3A_733 = arith.addf %add3A_720, %select_n3A_732 : vector<128x128xf32>
    %slice3A_734 = vector.extract_strided_slice %get3A_1 {offsets = [0, 7168], sizes = [128, 128], strides = [1, 1]} : vector<128x32000xf32> to vector<128x128xf32>
    %iota3A_735 = tpu.iota {dimensions = array<i32: 1>} : vector<128x128xi32>
    %add3A_736 = arith.constant 7168 : i32
    %add3A_737 = vector.broadcast %add3A_736 : i32 to vector<128x128xi32>
    %add3A_738 = arith.addi %add3A_737, %iota3A_735 : vector<128x128xi32>
    %broadcast_in_dim3A_739 = vector.shape_cast %get3A_5 : vector<128xi32> to vector<128x1xi32>
    %eq3A_740 = vector.broadcast %broadcast_in_dim3A_739 : vector<128x1xi32> to vector<128x128xi32>
    %eq3A_741 = arith.cmpi eq, %add3A_738, %eq3A_740 : vector<128x128xi32>
    %mul3A_742 = arith.constant 2.879820e+05 : f32
    %mul3A_743 = vector.broadcast %mul3A_742 : f32 to vector<128x128xf32>
    %mul3A_744 = arith.mulf %mul3A_743, %slice3A_734 : vector<128x128xf32>
    %select_n3A_745 = arith.select %eq3A_741, %mul3A_744, %slice3A_734 : vector<128x128xi1>, vector<128x128xf32>
    %add3A_746 = arith.addf %add3A_733, %select_n3A_745 : vector<128x128xf32>
    %slice3A_747 = vector.extract_strided_slice %get3A_1 {offsets = [0, 7296], sizes = [128, 128], strides = [1, 1]} : vector<128x32000xf32> to vector<128x128xf32>
    %iota3A_748 = tpu.iota {dimensions = array<i32: 1>} : vector<128x128xi32>
    %add3A_749 = arith.constant 7296 : i32
    %add3A_750 = vector.broadcast %add3A_749 : i32 to vector<128x128xi32>
    %add3A_751 = arith.addi %add3A_750, %iota3A_748 : vector<128x128xi32>
    %broadcast_in_dim3A_752 = vector.shape_cast %get3A_5 : vector<128xi32> to vector<128x1xi32>
    %eq3A_753 = vector.broadcast %broadcast_in_dim3A_752 : vector<128x1xi32> to vector<128x128xi32>
    %eq3A_754 = arith.cmpi eq, %add3A_751, %eq3A_753 : vector<128x128xi32>
    %mul3A_755 = arith.constant 2.879820e+05 : f32
    %mul3A_756 = vector.broadcast %mul3A_755 : f32 to vector<128x128xf32>
    %mul3A_757 = arith.mulf %mul3A_756, %slice3A_747 : vector<128x128xf32>
    %select_n3A_758 = arith.select %eq3A_754, %mul3A_757, %slice3A_747 : vector<128x128xi1>, vector<128x128xf32>
    %add3A_759 = arith.addf %add3A_746, %select_n3A_758 : vector<128x128xf32>
    %slice3A_760 = vector.extract_strided_slice %get3A_1 {offsets = [0, 7424], sizes = [128, 128], strides = [1, 1]} : vector<128x32000xf32> to vector<128x128xf32>
    %iota3A_761 = tpu.iota {dimensions = array<i32: 1>} : vector<128x128xi32>
    %add3A_762 = arith.constant 7424 : i32
    %add3A_763 = vector.broadcast %add3A_762 : i32 to vector<128x128xi32>
    %add3A_764 = arith.addi %add3A_763, %iota3A_761 : vector<128x128xi32>
    %broadcast_in_dim3A_765 = vector.shape_cast %get3A_5 : vector<128xi32> to vector<128x1xi32>
    %eq3A_766 = vector.broadcast %broadcast_in_dim3A_765 : vector<128x1xi32> to vector<128x128xi32>
    %eq3A_767 = arith.cmpi eq, %add3A_764, %eq3A_766 : vector<128x128xi32>
    %mul3A_768 = arith.constant 2.879820e+05 : f32
    %mul3A_769 = vector.broadcast %mul3A_768 : f32 to vector<128x128xf32>
    %mul3A_770 = arith.mulf %mul3A_769, %slice3A_760 : vector<128x128xf32>
    %select_n3A_771 = arith.select %eq3A_767, %mul3A_770, %slice3A_760 : vector<128x128xi1>, vector<128x128xf32>
    %add3A_772 = arith.addf %add3A_759, %select_n3A_771 : vector<128x128xf32>
    %slice3A_773 = vector.extract_strided_slice %get3A_1 {offsets = [0, 7552], sizes = [128, 128], strides = [1, 1]} : vector<128x32000xf32> to vector<128x128xf32>
    %iota3A_774 = tpu.iota {dimensions = array<i32: 1>} : vector<128x128xi32>
    %add3A_775 = arith.constant 7552 : i32
    %add3A_776 = vector.broadcast %add3A_775 : i32 to vector<128x128xi32>
    %add3A_777 = arith.addi %add3A_776, %iota3A_774 : vector<128x128xi32>
    %broadcast_in_dim3A_778 = vector.shape_cast %get3A_5 : vector<128xi32> to vector<128x1xi32>
    %eq3A_779 = vector.broadcast %broadcast_in_dim3A_778 : vector<128x1xi32> to vector<128x128xi32>
    %eq3A_780 = arith.cmpi eq, %add3A_777, %eq3A_779 : vector<128x128xi32>
    %mul3A_781 = arith.constant 2.879820e+05 : f32
    %mul3A_782 = vector.broadcast %mul3A_781 : f32 to vector<128x128xf32>
    %mul3A_783 = arith.mulf %mul3A_782, %slice3A_773 : vector<128x128xf32>
    %select_n3A_784 = arith.select %eq3A_780, %mul3A_783, %slice3A_773 : vector<128x128xi1>, vector<128x128xf32>
    %add3A_785 = arith.addf %add3A_772, %select_n3A_784 : vector<128x128xf32>
    %slice3A_786 = vector.extract_strided_slice %get3A_1 {offsets = [0, 7680], sizes = [128, 128], strides = [1, 1]} : vector<128x32000xf32> to vector<128x128xf32>
    %iota3A_787 = tpu.iota {dimensions = array<i32: 1>} : vector<128x128xi32>
    %add3A_788 = arith.constant 7680 : i32
    %add3A_789 = vector.broadcast %add3A_788 : i32 to vector<128x128xi32>
    %add3A_790 = arith.addi %add3A_789, %iota3A_787 : vector<128x128xi32>
    %broadcast_in_dim3A_791 = vector.shape_cast %get3A_5 : vector<128xi32> to vector<128x1xi32>
    %eq3A_792 = vector.broadcast %broadcast_in_dim3A_791 : vector<128x1xi32> to vector<128x128xi32>
    %eq3A_793 = arith.cmpi eq, %add3A_790, %eq3A_792 : vector<128x128xi32>
    %mul3A_794 = arith.constant 2.879820e+05 : f32
    %mul3A_795 = vector.broadcast %mul3A_794 : f32 to vector<128x128xf32>
    %mul3A_796 = arith.mulf %mul3A_795, %slice3A_786 : vector<128x128xf32>
    %select_n3A_797 = arith.select %eq3A_793, %mul3A_796, %slice3A_786 : vector<128x128xi1>, vector<128x128xf32>
    %add3A_798 = arith.addf %add3A_785, %select_n3A_797 : vector<128x128xf32>
    %slice3A_799 = vector.extract_strided_slice %get3A_1 {offsets = [0, 7808], sizes = [128, 128], strides = [1, 1]} : vector<128x32000xf32> to vector<128x128xf32>
    %iota3A_800 = tpu.iota {dimensions = array<i32: 1>} : vector<128x128xi32>
    %add3A_801 = arith.constant 7808 : i32
    %add3A_802 = vector.broadcast %add3A_801 : i32 to vector<128x128xi32>
    %add3A_803 = arith.addi %add3A_802, %iota3A_800 : vector<128x128xi32>
    %broadcast_in_dim3A_804 = vector.shape_cast %get3A_5 : vector<128xi32> to vector<128x1xi32>
    %eq3A_805 = vector.broadcast %broadcast_in_dim3A_804 : vector<128x1xi32> to vector<128x128xi32>
    %eq3A_806 = arith.cmpi eq, %add3A_803, %eq3A_805 : vector<128x128xi32>
    %mul3A_807 = arith.constant 2.879820e+05 : f32
    %mul3A_808 = vector.broadcast %mul3A_807 : f32 to vector<128x128xf32>
    %mul3A_809 = arith.mulf %mul3A_808, %slice3A_799 : vector<128x128xf32>
    %select_n3A_810 = arith.select %eq3A_806, %mul3A_809, %slice3A_799 : vector<128x128xi1>, vector<128x128xf32>
    %add3A_811 = arith.addf %add3A_798, %select_n3A_810 : vector<128x128xf32>
    %slice3A_812 = vector.extract_strided_slice %get3A_1 {offsets = [0, 7936], sizes = [128, 128], strides = [1, 1]} : vector<128x32000xf32> to vector<128x128xf32>
    %iota3A_813 = tpu.iota {dimensions = array<i32: 1>} : vector<128x128xi32>
    %add3A_814 = arith.constant 7936 : i32
    %add3A_815 = vector.broadcast %add3A_814 : i32 to vector<128x128xi32>
    %add3A_816 = arith.addi %add3A_815, %iota3A_813 : vector<128x128xi32>
    %broadcast_in_dim3A_817 = vector.shape_cast %get3A_5 : vector<128xi32> to vector<128x1xi32>
    %eq3A_818 = vector.broadcast %broadcast_in_dim3A_817 : vector<128x1xi32> to vector<128x128xi32>
    %eq3A_819 = arith.cmpi eq, %add3A_816, %eq3A_818 : vector<128x128xi32>
    %mul3A_820 = arith.constant 2.879820e+05 : f32
    %mul3A_821 = vector.broadcast %mul3A_820 : f32 to vector<128x128xf32>
    %mul3A_822 = arith.mulf %mul3A_821, %slice3A_812 : vector<128x128xf32>
    %select_n3A_823 = arith.select %eq3A_819, %mul3A_822, %slice3A_812 : vector<128x128xi1>, vector<128x128xf32>
    %add3A_824 = arith.addf %add3A_811, %select_n3A_823 : vector<128x128xf32>
    %slice3A_825 = vector.extract_strided_slice %get3A_1 {offsets = [0, 8064], sizes = [128, 128], strides = [1, 1]} : vector<128x32000xf32> to vector<128x128xf32>
    %iota3A_826 = tpu.iota {dimensions = array<i32: 1>} : vector<128x128xi32>
    %add3A_827 = arith.constant 8064 : i32
    %add3A_828 = vector.broadcast %add3A_827 : i32 to vector<128x128xi32>
    %add3A_829 = arith.addi %add3A_828, %iota3A_826 : vector<128x128xi32>
    %broadcast_in_dim3A_830 = vector.shape_cast %get3A_5 : vector<128xi32> to vector<128x1xi32>
    %eq3A_831 = vector.broadcast %broadcast_in_dim3A_830 : vector<128x1xi32> to vector<128x128xi32>
    %eq3A_832 = arith.cmpi eq, %add3A_829, %eq3A_831 : vector<128x128xi32>
    %mul3A_833 = arith.constant 2.879820e+05 : f32
    %mul3A_834 = vector.broadcast %mul3A_833 : f32 to vector<128x128xf32>
    %mul3A_835 = arith.mulf %mul3A_834, %slice3A_825 : vector<128x128xf32>
    %select_n3A_836 = arith.select %eq3A_832, %mul3A_835, %slice3A_825 : vector<128x128xi1>, vector<128x128xf32>
    %add3A_837 = arith.addf %add3A_824, %select_n3A_836 : vector<128x128xf32>
    %slice3A_838 = vector.extract_strided_slice %get3A_1 {offsets = [0, 8192], sizes = [128, 128], strides = [1, 1]} : vector<128x32000xf32> to vector<128x128xf32>
    %iota3A_839 = tpu.iota {dimensions = array<i32: 1>} : vector<128x128xi32>
    %add3A_840 = arith.constant 8192 : i32
    %add3A_841 = vector.broadcast %add3A_840 : i32 to vector<128x128xi32>
    %add3A_842 = arith.addi %add3A_841, %iota3A_839 : vector<128x128xi32>
    %broadcast_in_dim3A_843 = vector.shape_cast %get3A_5 : vector<128xi32> to vector<128x1xi32>
    %eq3A_844 = vector.broadcast %broadcast_in_dim3A_843 : vector<128x1xi32> to vector<128x128xi32>
    %eq3A_845 = arith.cmpi eq, %add3A_842, %eq3A_844 : vector<128x128xi32>
    %mul3A_846 = arith.constant 2.879820e+05 : f32
    %mul3A_847 = vector.broadcast %mul3A_846 : f32 to vector<128x128xf32>
    %mul3A_848 = arith.mulf %mul3A_847, %slice3A_838 : vector<128x128xf32>
    %select_n3A_849 = arith.select %eq3A_845, %mul3A_848, %slice3A_838 : vector<128x128xi1>, vector<128x128xf32>
    %add3A_850 = arith.addf %add3A_837, %select_n3A_849 : vector<128x128xf32>
    %slice3A_851 = vector.extract_strided_slice %get3A_1 {offsets = [0, 8320], sizes = [128, 128], strides = [1, 1]} : vector<128x32000xf32> to vector<128x128xf32>
    %iota3A_852 = tpu.iota {dimensions = array<i32: 1>} : vector<128x128xi32>
    %add3A_853 = arith.constant 8320 : i32
    %add3A_854 = vector.broadcast %add3A_853 : i32 to vector<128x128xi32>
    %add3A_855 = arith.addi %add3A_854, %iota3A_852 : vector<128x128xi32>
    %broadcast_in_dim3A_856 = vector.shape_cast %get3A_5 : vector<128xi32> to vector<128x1xi32>
    %eq3A_857 = vector.broadcast %broadcast_in_dim3A_856 : vector<128x1xi32> to vector<128x128xi32>
    %eq3A_858 = arith.cmpi eq, %add3A_855, %eq3A_857 : vector<128x128xi32>
    %mul3A_859 = arith.constant 2.879820e+05 : f32
    %mul3A_860 = vector.broadcast %mul3A_859 : f32 to vector<128x128xf32>
    %mul3A_861 = arith.mulf %mul3A_860, %slice3A_851 : vector<128x128xf32>
    %select_n3A_862 = arith.select %eq3A_858, %mul3A_861, %slice3A_851 : vector<128x128xi1>, vector<128x128xf32>
    %add3A_863 = arith.addf %add3A_850, %select_n3A_862 : vector<128x128xf32>
    %slice3A_864 = vector.extract_strided_slice %get3A_1 {offsets = [0, 8448], sizes = [128, 128], strides = [1, 1]} : vector<128x32000xf32> to vector<128x128xf32>
    %iota3A_865 = tpu.iota {dimensions = array<i32: 1>} : vector<128x128xi32>
    %add3A_866 = arith.constant 8448 : i32
    %add3A_867 = vector.broadcast %add3A_866 : i32 to vector<128x128xi32>
    %add3A_868 = arith.addi %add3A_867, %iota3A_865 : vector<128x128xi32>
    %broadcast_in_dim3A_869 = vector.shape_cast %get3A_5 : vector<128xi32> to vector<128x1xi32>
    %eq3A_870 = vector.broadcast %broadcast_in_dim3A_869 : vector<128x1xi32> to vector<128x128xi32>
    %eq3A_871 = arith.cmpi eq, %add3A_868, %eq3A_870 : vector<128x128xi32>
    %mul3A_872 = arith.constant 2.879820e+05 : f32
    %mul3A_873 = vector.broadcast %mul3A_872 : f32 to vector<128x128xf32>
    %mul3A_874 = arith.mulf %mul3A_873, %slice3A_864 : vector<128x128xf32>
    %select_n3A_875 = arith.select %eq3A_871, %mul3A_874, %slice3A_864 : vector<128x128xi1>, vector<128x128xf32>
    %add3A_876 = arith.addf %add3A_863, %select_n3A_875 : vector<128x128xf32>
    %slice3A_877 = vector.extract_strided_slice %get3A_1 {offsets = [0, 8576], sizes = [128, 128], strides = [1, 1]} : vector<128x32000xf32> to vector<128x128xf32>
    %iota3A_878 = tpu.iota {dimensions = array<i32: 1>} : vector<128x128xi32>
    %add3A_879 = arith.constant 8576 : i32
    %add3A_880 = vector.broadcast %add3A_879 : i32 to vector<128x128xi32>
    %add3A_881 = arith.addi %add3A_880, %iota3A_878 : vector<128x128xi32>
    %broadcast_in_dim3A_882 = vector.shape_cast %get3A_5 : vector<128xi32> to vector<128x1xi32>
    %eq3A_883 = vector.broadcast %broadcast_in_dim3A_882 : vector<128x1xi32> to vector<128x128xi32>
    %eq3A_884 = arith.cmpi eq, %add3A_881, %eq3A_883 : vector<128x128xi32>
    %mul3A_885 = arith.constant 2.879820e+05 : f32
    %mul3A_886 = vector.broadcast %mul3A_885 : f32 to vector<128x128xf32>
    %mul3A_887 = arith.mulf %mul3A_886, %slice3A_877 : vector<128x128xf32>
    %select_n3A_888 = arith.select %eq3A_884, %mul3A_887, %slice3A_877 : vector<128x128xi1>, vector<128x128xf32>
    %add3A_889 = arith.addf %add3A_876, %select_n3A_888 : vector<128x128xf32>
    %slice3A_890 = vector.extract_strided_slice %get3A_1 {offsets = [0, 8704], sizes = [128, 128], strides = [1, 1]} : vector<128x32000xf32> to vector<128x128xf32>
    %iota3A_891 = tpu.iota {dimensions = array<i32: 1>} : vector<128x128xi32>
    %add3A_892 = arith.constant 8704 : i32
    %add3A_893 = vector.broadcast %add3A_892 : i32 to vector<128x128xi32>
    %add3A_894 = arith.addi %add3A_893, %iota3A_891 : vector<128x128xi32>
    %broadcast_in_dim3A_895 = vector.shape_cast %get3A_5 : vector<128xi32> to vector<128x1xi32>
    %eq3A_896 = vector.broadcast %broadcast_in_dim3A_895 : vector<128x1xi32> to vector<128x128xi32>
    %eq3A_897 = arith.cmpi eq, %add3A_894, %eq3A_896 : vector<128x128xi32>
    %mul3A_898 = arith.constant 2.879820e+05 : f32
    %mul3A_899 = vector.broadcast %mul3A_898 : f32 to vector<128x128xf32>
    %mul3A_900 = arith.mulf %mul3A_899, %slice3A_890 : vector<128x128xf32>
    %select_n3A_901 = arith.select %eq3A_897, %mul3A_900, %slice3A_890 : vector<128x128xi1>, vector<128x128xf32>
    %add3A_902 = arith.addf %add3A_889, %select_n3A_901 : vector<128x128xf32>
    %slice3A_903 = vector.extract_strided_slice %get3A_1 {offsets = [0, 8832], sizes = [128, 128], strides = [1, 1]} : vector<128x32000xf32> to vector<128x128xf32>
    %iota3A_904 = tpu.iota {dimensions = array<i32: 1>} : vector<128x128xi32>
    %add3A_905 = arith.constant 8832 : i32
    %add3A_906 = vector.broadcast %add3A_905 : i32 to vector<128x128xi32>
    %add3A_907 = arith.addi %add3A_906, %iota3A_904 : vector<128x128xi32>
    %broadcast_in_dim3A_908 = vector.shape_cast %get3A_5 : vector<128xi32> to vector<128x1xi32>
    %eq3A_909 = vector.broadcast %broadcast_in_dim3A_908 : vector<128x1xi32> to vector<128x128xi32>
    %eq3A_910 = arith.cmpi eq, %add3A_907, %eq3A_909 : vector<128x128xi32>
    %mul3A_911 = arith.constant 2.879820e+05 : f32
    %mul3A_912 = vector.broadcast %mul3A_911 : f32 to vector<128x128xf32>
    %mul3A_913 = arith.mulf %mul3A_912, %slice3A_903 : vector<128x128xf32>
    %select_n3A_914 = arith.select %eq3A_910, %mul3A_913, %slice3A_903 : vector<128x128xi1>, vector<128x128xf32>
    %add3A_915 = arith.addf %add3A_902, %select_n3A_914 : vector<128x128xf32>
    %slice3A_916 = vector.extract_strided_slice %get3A_1 {offsets = [0, 8960], sizes = [128, 128], strides = [1, 1]} : vector<128x32000xf32> to vector<128x128xf32>
    %iota3A_917 = tpu.iota {dimensions = array<i32: 1>} : vector<128x128xi32>
    %add3A_918 = arith.constant 8960 : i32
    %add3A_919 = vector.broadcast %add3A_918 : i32 to vector<128x128xi32>
    %add3A_920 = arith.addi %add3A_919, %iota3A_917 : vector<128x128xi32>
    %broadcast_in_dim3A_921 = vector.shape_cast %get3A_5 : vector<128xi32> to vector<128x1xi32>
    %eq3A_922 = vector.broadcast %broadcast_in_dim3A_921 : vector<128x1xi32> to vector<128x128xi32>
    %eq3A_923 = arith.cmpi eq, %add3A_920, %eq3A_922 : vector<128x128xi32>
    %mul3A_924 = arith.constant 2.879820e+05 : f32
    %mul3A_925 = vector.broadcast %mul3A_924 : f32 to vector<128x128xf32>
    %mul3A_926 = arith.mulf %mul3A_925, %slice3A_916 : vector<128x128xf32>
    %select_n3A_927 = arith.select %eq3A_923, %mul3A_926, %slice3A_916 : vector<128x128xi1>, vector<128x128xf32>
    %add3A_928 = arith.addf %add3A_915, %select_n3A_927 : vector<128x128xf32>
    %slice3A_929 = vector.extract_strided_slice %get3A_1 {offsets = [0, 9088], sizes = [128, 128], strides = [1, 1]} : vector<128x32000xf32> to vector<128x128xf32>
    %iota3A_930 = tpu.iota {dimensions = array<i32: 1>} : vector<128x128xi32>
    %add3A_931 = arith.constant 9088 : i32
    %add3A_932 = vector.broadcast %add3A_931 : i32 to vector<128x128xi32>
    %add3A_933 = arith.addi %add3A_932, %iota3A_930 : vector<128x128xi32>
    %broadcast_in_dim3A_934 = vector.shape_cast %get3A_5 : vector<128xi32> to vector<128x1xi32>
    %eq3A_935 = vector.broadcast %broadcast_in_dim3A_934 : vector<128x1xi32> to vector<128x128xi32>
    %eq3A_936 = arith.cmpi eq, %add3A_933, %eq3A_935 : vector<128x128xi32>
    %mul3A_937 = arith.constant 2.879820e+05 : f32
    %mul3A_938 = vector.broadcast %mul3A_937 : f32 to vector<128x128xf32>
    %mul3A_939 = arith.mulf %mul3A_938, %slice3A_929 : vector<128x128xf32>
    %select_n3A_940 = arith.select %eq3A_936, %mul3A_939, %slice3A_929 : vector<128x128xi1>, vector<128x128xf32>
    %add3A_941 = arith.addf %add3A_928, %select_n3A_940 : vector<128x128xf32>
    %slice3A_942 = vector.extract_strided_slice %get3A_1 {offsets = [0, 9216], sizes = [128, 128], strides = [1, 1]} : vector<128x32000xf32> to vector<128x128xf32>
    %iota3A_943 = tpu.iota {dimensions = array<i32: 1>} : vector<128x128xi32>
    %add3A_944 = arith.constant 9216 : i32
    %add3A_945 = vector.broadcast %add3A_944 : i32 to vector<128x128xi32>
    %add3A_946 = arith.addi %add3A_945, %iota3A_943 : vector<128x128xi32>
    %broadcast_in_dim3A_947 = vector.shape_cast %get3A_5 : vector<128xi32> to vector<128x1xi32>
    %eq3A_948 = vector.broadcast %broadcast_in_dim3A_947 : vector<128x1xi32> to vector<128x128xi32>
    %eq3A_949 = arith.cmpi eq, %add3A_946, %eq3A_948 : vector<128x128xi32>
    %mul3A_950 = arith.constant 2.879820e+05 : f32
    %mul3A_951 = vector.broadcast %mul3A_950 : f32 to vector<128x128xf32>
    %mul3A_952 = arith.mulf %mul3A_951, %slice3A_942 : vector<128x128xf32>
    %select_n3A_953 = arith.select %eq3A_949, %mul3A_952, %slice3A_942 : vector<128x128xi1>, vector<128x128xf32>
    %add3A_954 = arith.addf %add3A_941, %select_n3A_953 : vector<128x128xf32>
    %slice3A_955 = vector.extract_strided_slice %get3A_1 {offsets = [0, 9344], sizes = [128, 128], strides = [1, 1]} : vector<128x32000xf32> to vector<128x128xf32>
    %iota3A_956 = tpu.iota {dimensions = array<i32: 1>} : vector<128x128xi32>
    %add3A_957 = arith.constant 9344 : i32
    %add3A_958 = vector.broadcast %add3A_957 : i32 to vector<128x128xi32>
    %add3A_959 = arith.addi %add3A_958, %iota3A_956 : vector<128x128xi32>
    %broadcast_in_dim3A_960 = vector.shape_cast %get3A_5 : vector<128xi32> to vector<128x1xi32>
    %eq3A_961 = vector.broadcast %broadcast_in_dim3A_960 : vector<128x1xi32> to vector<128x128xi32>
    %eq3A_962 = arith.cmpi eq, %add3A_959, %eq3A_961 : vector<128x128xi32>
    %mul3A_963 = arith.constant 2.879820e+05 : f32
    %mul3A_964 = vector.broadcast %mul3A_963 : f32 to vector<128x128xf32>
    %mul3A_965 = arith.mulf %mul3A_964, %slice3A_955 : vector<128x128xf32>
    %select_n3A_966 = arith.select %eq3A_962, %mul3A_965, %slice3A_955 : vector<128x128xi1>, vector<128x128xf32>
    %add3A_967 = arith.addf %add3A_954, %select_n3A_966 : vector<128x128xf32>
    %slice3A_968 = vector.extract_strided_slice %get3A_1 {offsets = [0, 9472], sizes = [128, 128], strides = [1, 1]} : vector<128x32000xf32> to vector<128x128xf32>
    %iota3A_969 = tpu.iota {dimensions = array<i32: 1>} : vector<128x128xi32>
    %add3A_970 = arith.constant 9472 : i32
    %add3A_971 = vector.broadcast %add3A_970 : i32 to vector<128x128xi32>
    %add3A_972 = arith.addi %add3A_971, %iota3A_969 : vector<128x128xi32>
    %broadcast_in_dim3A_973 = vector.shape_cast %get3A_5 : vector<128xi32> to vector<128x1xi32>
    %eq3A_974 = vector.broadcast %broadcast_in_dim3A_973 : vector<128x1xi32> to vector<128x128xi32>
    %eq3A_975 = arith.cmpi eq, %add3A_972, %eq3A_974 : vector<128x128xi32>
    %mul3A_976 = arith.constant 2.879820e+05 : f32
    %mul3A_977 = vector.broadcast %mul3A_976 : f32 to vector<128x128xf32>
    %mul3A_978 = arith.mulf %mul3A_977, %slice3A_968 : vector<128x128xf32>
    %select_n3A_979 = arith.select %eq3A_975, %mul3A_978, %slice3A_968 : vector<128x128xi1>, vector<128x128xf32>
    %add3A_980 = arith.addf %add3A_967, %select_n3A_979 : vector<128x128xf32>
    %slice3A_981 = vector.extract_strided_slice %get3A_1 {offsets = [0, 9600], sizes = [128, 128], strides = [1, 1]} : vector<128x32000xf32> to vector<128x128xf32>
    %iota3A_982 = tpu.iota {dimensions = array<i32: 1>} : vector<128x128xi32>
    %add3A_983 = arith.constant 9600 : i32
    %add3A_984 = vector.broadcast %add3A_983 : i32 to vector<128x128xi32>
    %add3A_985 = arith.addi %add3A_984, %iota3A_982 : vector<128x128xi32>
    %broadcast_in_dim3A_986 = vector.shape_cast %get3A_5 : vector<128xi32> to vector<128x1xi32>
    %eq3A_987 = vector.broadcast %broadcast_in_dim3A_986 : vector<128x1xi32> to vector<128x128xi32>
    %eq3A_988 = arith.cmpi eq, %add3A_985, %eq3A_987 : vector<128x128xi32>
    %mul3A_989 = arith.constant 2.879820e+05 : f32
    %mul3A_990 = vector.broadcast %mul3A_989 : f32 to vector<128x128xf32>
    %mul3A_991 = arith.mulf %mul3A_990, %slice3A_981 : vector<128x128xf32>
    %select_n3A_992 = arith.select %eq3A_988, %mul3A_991, %slice3A_981 : vector<128x128xi1>, vector<128x128xf32>
    %add3A_993 = arith.addf %add3A_980, %select_n3A_992 : vector<128x128xf32>
    %slice3A_994 = vector.extract_strided_slice %get3A_1 {offsets = [0, 9728], sizes = [128, 128], strides = [1, 1]} : vector<128x32000xf32> to vector<128x128xf32>
    %iota3A_995 = tpu.iota {dimensions = array<i32: 1>} : vector<128x128xi32>
    %add3A_996 = arith.constant 9728 : i32
    %add3A_997 = vector.broadcast %add3A_996 : i32 to vector<128x128xi32>
    %add3A_998 = arith.addi %add3A_997, %iota3A_995 : vector<128x128xi32>
    %broadcast_in_dim3A_999 = vector.shape_cast %get3A_5 : vector<128xi32> to vector<128x1xi32>
    %eq3A_1000 = vector.broadcast %broadcast_in_dim3A_999 : vector<128x1xi32> to vector<128x128xi32>
    %eq3A_1001 = arith.cmpi eq, %add3A_998, %eq3A_1000 : vector<128x128xi32>
    %mul3A_1002 = arith.constant 2.879820e+05 : f32
    %mul3A_1003 = vector.broadcast %mul3A_1002 : f32 to vector<128x128xf32>
    %mul3A_1004 = arith.mulf %mul3A_1003, %slice3A_994 : vector<128x128xf32>
    %select_n3A_1005 = arith.select %eq3A_1001, %mul3A_1004, %slice3A_994 : vector<128x128xi1>, vector<128x128xf32>
    %add3A_1006 = arith.addf %add3A_993, %select_n3A_1005 : vector<128x128xf32>
    %slice3A_1007 = vector.extract_strided_slice %get3A_1 {offsets = [0, 9856], sizes = [128, 128], strides = [1, 1]} : vector<128x32000xf32> to vector<128x128xf32>
    %iota3A_1008 = tpu.iota {dimensions = array<i32: 1>} : vector<128x128xi32>
    %add3A_1009 = arith.constant 9856 : i32
    %add3A_1010 = vector.broadcast %add3A_1009 : i32 to vector<128x128xi32>
    %add3A_1011 = arith.addi %add3A_1010, %iota3A_1008 : vector<128x128xi32>
    %broadcast_in_dim3A_1012 = vector.shape_cast %get3A_5 : vector<128xi32> to vector<128x1xi32>
    %eq3A_1013 = vector.broadcast %broadcast_in_dim3A_1012 : vector<128x1xi32> to vector<128x128xi32>
    %eq3A_1014 = arith.cmpi eq, %add3A_1011, %eq3A_1013 : vector<128x128xi32>
    %mul3A_1015 = arith.constant 2.879820e+05 : f32
    %mul3A_1016 = vector.broadcast %mul3A_1015 : f32 to vector<128x128xf32>
    %mul3A_1017 = arith.mulf %mul3A_1016, %slice3A_1007 : vector<128x128xf32>
    %select_n3A_1018 = arith.select %eq3A_1014, %mul3A_1017, %slice3A_1007 : vector<128x128xi1>, vector<128x128xf32>
    %add3A_1019 = arith.addf %add3A_1006, %select_n3A_1018 : vector<128x128xf32>
    %slice3A_1020 = vector.extract_strided_slice %get3A_1 {offsets = [0, 9984], sizes = [128, 128], strides = [1, 1]} : vector<128x32000xf32> to vector<128x128xf32>
    %iota3A_1021 = tpu.iota {dimensions = array<i32: 1>} : vector<128x128xi32>
    %add3A_1022 = arith.constant 9984 : i32
    %add3A_1023 = vector.broadcast %add3A_1022 : i32 to vector<128x128xi32>
    %add3A_1024 = arith.addi %add3A_1023, %iota3A_1021 : vector<128x128xi32>
    %broadcast_in_dim3A_1025 = vector.shape_cast %get3A_5 : vector<128xi32> to vector<128x1xi32>
    %eq3A_1026 = vector.broadcast %broadcast_in_dim3A_1025 : vector<128x1xi32> to vector<128x128xi32>
    %eq3A_1027 = arith.cmpi eq, %add3A_1024, %eq3A_1026 : vector<128x128xi32>
    %mul3A_1028 = arith.constant 2.879820e+05 : f32
    %mul3A_1029 = vector.broadcast %mul3A_1028 : f32 to vector<128x128xf32>
    %mul3A_1030 = arith.mulf %mul3A_1029, %slice3A_1020 : vector<128x128xf32>
    %select_n3A_1031 = arith.select %eq3A_1027, %mul3A_1030, %slice3A_1020 : vector<128x128xi1>, vector<128x128xf32>
    %add3A_1032 = arith.addf %add3A_1019, %select_n3A_1031 : vector<128x128xf32>
    %slice3A_1033 = vector.extract_strided_slice %get3A_1 {offsets = [0, 10112], sizes = [128, 128], strides = [1, 1]} : vector<128x32000xf32> to vector<128x128xf32>
    %iota3A_1034 = tpu.iota {dimensions = array<i32: 1>} : vector<128x128xi32>
    %add3A_1035 = arith.constant 10112 : i32
    %add3A_1036 = vector.broadcast %add3A_1035 : i32 to vector<128x128xi32>
    %add3A_1037 = arith.addi %add3A_1036, %iota3A_1034 : vector<128x128xi32>
    %broadcast_in_dim3A_1038 = vector.shape_cast %get3A_5 : vector<128xi32> to vector<128x1xi32>
    %eq3A_1039 = vector.broadcast %broadcast_in_dim3A_1038 : vector<128x1xi32> to vector<128x128xi32>
    %eq3A_1040 = arith.cmpi eq, %add3A_1037, %eq3A_1039 : vector<128x128xi32>
    %mul3A_1041 = arith.constant 2.879820e+05 : f32
    %mul3A_1042 = vector.broadcast %mul3A_1041 : f32 to vector<128x128xf32>
    %mul3A_1043 = arith.mulf %mul3A_1042, %slice3A_1033 : vector<128x128xf32>
    %select_n3A_1044 = arith.select %eq3A_1040, %mul3A_1043, %slice3A_1033 : vector<128x128xi1>, vector<128x128xf32>
    %add3A_1045 = arith.addf %add3A_1032, %select_n3A_1044 : vector<128x128xf32>
    %slice3A_1046 = vector.extract_strided_slice %get3A_1 {offsets = [0, 10240], sizes = [128, 128], strides = [1, 1]} : vector<128x32000xf32> to vector<128x128xf32>
    %iota3A_1047 = tpu.iota {dimensions = array<i32: 1>} : vector<128x128xi32>
    %add3A_1048 = arith.constant 10240 : i32
    %add3A_1049 = vector.broadcast %add3A_1048 : i32 to vector<128x128xi32>
    %add3A_1050 = arith.addi %add3A_1049, %iota3A_1047 : vector<128x128xi32>
    %broadcast_in_dim3A_1051 = vector.shape_cast %get3A_5 : vector<128xi32> to vector<128x1xi32>
    %eq3A_1052 = vector.broadcast %broadcast_in_dim3A_1051 : vector<128x1xi32> to vector<128x128xi32>
    %eq3A_1053 = arith.cmpi eq, %add3A_1050, %eq3A_1052 : vector<128x128xi32>
    %mul3A_1054 = arith.constant 2.879820e+05 : f32
    %mul3A_1055 = vector.broadcast %mul3A_1054 : f32 to vector<128x128xf32>
    %mul3A_1056 = arith.mulf %mul3A_1055, %slice3A_1046 : vector<128x128xf32>
    %select_n3A_1057 = arith.select %eq3A_1053, %mul3A_1056, %slice3A_1046 : vector<128x128xi1>, vector<128x128xf32>
    %add3A_1058 = arith.addf %add3A_1045, %select_n3A_1057 : vector<128x128xf32>
    %slice3A_1059 = vector.extract_strided_slice %get3A_1 {offsets = [0, 10368], sizes = [128, 128], strides = [1, 1]} : vector<128x32000xf32> to vector<128x128xf32>
    %iota3A_1060 = tpu.iota {dimensions = array<i32: 1>} : vector<128x128xi32>
    %add3A_1061 = arith.constant 10368 : i32
    %add3A_1062 = vector.broadcast %add3A_1061 : i32 to vector<128x128xi32>
    %add3A_1063 = arith.addi %add3A_1062, %iota3A_1060 : vector<128x128xi32>
    %broadcast_in_dim3A_1064 = vector.shape_cast %get3A_5 : vector<128xi32> to vector<128x1xi32>
    %eq3A_1065 = vector.broadcast %broadcast_in_dim3A_1064 : vector<128x1xi32> to vector<128x128xi32>
    %eq3A_1066 = arith.cmpi eq, %add3A_1063, %eq3A_1065 : vector<128x128xi32>
    %mul3A_1067 = arith.constant 2.879820e+05 : f32
    %mul3A_1068 = vector.broadcast %mul3A_1067 : f32 to vector<128x128xf32>
    %mul3A_1069 = arith.mulf %mul3A_1068, %slice3A_1059 : vector<128x128xf32>
    %select_n3A_1070 = arith.select %eq3A_1066, %mul3A_1069, %slice3A_1059 : vector<128x128xi1>, vector<128x128xf32>
    %add3A_1071 = arith.addf %add3A_1058, %select_n3A_1070 : vector<128x128xf32>
    %slice3A_1072 = vector.extract_strided_slice %get3A_1 {offsets = [0, 10496], sizes = [128, 128], strides = [1, 1]} : vector<128x32000xf32> to vector<128x128xf32>
    %iota3A_1073 = tpu.iota {dimensions = array<i32: 1>} : vector<128x128xi32>
    %add3A_1074 = arith.constant 10496 : i32
    %add3A_1075 = vector.broadcast %add3A_1074 : i32 to vector<128x128xi32>
    %add3A_1076 = arith.addi %add3A_1075, %iota3A_1073 : vector<128x128xi32>
    %broadcast_in_dim3A_1077 = vector.shape_cast %get3A_5 : vector<128xi32> to vector<128x1xi32>
    %eq3A_1078 = vector.broadcast %broadcast_in_dim3A_1077 : vector<128x1xi32> to vector<128x128xi32>
    %eq3A_1079 = arith.cmpi eq, %add3A_1076, %eq3A_1078 : vector<128x128xi32>
    %mul3A_1080 = arith.constant 2.879820e+05 : f32
    %mul3A_1081 = vector.broadcast %mul3A_1080 : f32 to vector<128x128xf32>
    %mul3A_1082 = arith.mulf %mul3A_1081, %slice3A_1072 : vector<128x128xf32>
    %select_n3A_1083 = arith.select %eq3A_1079, %mul3A_1082, %slice3A_1072 : vector<128x128xi1>, vector<128x128xf32>
    %add3A_1084 = arith.addf %add3A_1071, %select_n3A_1083 : vector<128x128xf32>
    %slice3A_1085 = vector.extract_strided_slice %get3A_1 {offsets = [0, 10624], sizes = [128, 128], strides = [1, 1]} : vector<128x32000xf32> to vector<128x128xf32>
    %iota3A_1086 = tpu.iota {dimensions = array<i32: 1>} : vector<128x128xi32>
    %add3A_1087 = arith.constant 10624 : i32
    %add3A_1088 = vector.broadcast %add3A_1087 : i32 to vector<128x128xi32>
    %add3A_1089 = arith.addi %add3A_1088, %iota3A_1086 : vector<128x128xi32>
    %broadcast_in_dim3A_1090 = vector.shape_cast %get3A_5 : vector<128xi32> to vector<128x1xi32>
    %eq3A_1091 = vector.broadcast %broadcast_in_dim3A_1090 : vector<128x1xi32> to vector<128x128xi32>
    %eq3A_1092 = arith.cmpi eq, %add3A_1089, %eq3A_1091 : vector<128x128xi32>
    %mul3A_1093 = arith.constant 2.879820e+05 : f32
    %mul3A_1094 = vector.broadcast %mul3A_1093 : f32 to vector<128x128xf32>
    %mul3A_1095 = arith.mulf %mul3A_1094, %slice3A_1085 : vector<128x128xf32>
    %select_n3A_1096 = arith.select %eq3A_1092, %mul3A_1095, %slice3A_1085 : vector<128x128xi1>, vector<128x128xf32>
    %add3A_1097 = arith.addf %add3A_1084, %select_n3A_1096 : vector<128x128xf32>
    %slice3A_1098 = vector.extract_strided_slice %get3A_1 {offsets = [0, 10752], sizes = [128, 128], strides = [1, 1]} : vector<128x32000xf32> to vector<128x128xf32>
    %iota3A_1099 = tpu.iota {dimensions = array<i32: 1>} : vector<128x128xi32>
    %add3A_1100 = arith.constant 10752 : i32
    %add3A_1101 = vector.broadcast %add3A_1100 : i32 to vector<128x128xi32>
    %add3A_1102 = arith.addi %add3A_1101, %iota3A_1099 : vector<128x128xi32>
    %broadcast_in_dim3A_1103 = vector.shape_cast %get3A_5 : vector<128xi32> to vector<128x1xi32>
    %eq3A_1104 = vector.broadcast %broadcast_in_dim3A_1103 : vector<128x1xi32> to vector<128x128xi32>
    %eq3A_1105 = arith.cmpi eq, %add3A_1102, %eq3A_1104 : vector<128x128xi32>
    %mul3A_1106 = arith.constant 2.879820e+05 : f32
    %mul3A_1107 = vector.broadcast %mul3A_1106 : f32 to vector<128x128xf32>
    %mul3A_1108 = arith.mulf %mul3A_1107, %slice3A_1098 : vector<128x128xf32>
    %select_n3A_1109 = arith.select %eq3A_1105, %mul3A_1108, %slice3A_1098 : vector<128x128xi1>, vector<128x128xf32>
    %add3A_1110 = arith.addf %add3A_1097, %select_n3A_1109 : vector<128x128xf32>
    %slice3A_1111 = vector.extract_strided_slice %get3A_1 {offsets = [0, 10880], sizes = [128, 128], strides = [1, 1]} : vector<128x32000xf32> to vector<128x128xf32>
    %iota3A_1112 = tpu.iota {dimensions = array<i32: 1>} : vector<128x128xi32>
    %add3A_1113 = arith.constant 10880 : i32
    %add3A_1114 = vector.broadcast %add3A_1113 : i32 to vector<128x128xi32>
    %add3A_1115 = arith.addi %add3A_1114, %iota3A_1112 : vector<128x128xi32>
    %broadcast_in_dim3A_1116 = vector.shape_cast %get3A_5 : vector<128xi32> to vector<128x1xi32>
    %eq3A_1117 = vector.broadcast %broadcast_in_dim3A_1116 : vector<128x1xi32> to vector<128x128xi32>
    %eq3A_1118 = arith.cmpi eq, %add3A_1115, %eq3A_1117 : vector<128x128xi32>
    %mul3A_1119 = arith.constant 2.879820e+05 : f32
    %mul3A_1120 = vector.broadcast %mul3A_1119 : f32 to vector<128x128xf32>
    %mul3A_1121 = arith.mulf %mul3A_1120, %slice3A_1111 : vector<128x128xf32>
    %select_n3A_1122 = arith.select %eq3A_1118, %mul3A_1121, %slice3A_1111 : vector<128x128xi1>, vector<128x128xf32>
    %add3A_1123 = arith.addf %add3A_1110, %select_n3A_1122 : vector<128x128xf32>
    %slice3A_1124 = vector.extract_strided_slice %get3A_1 {offsets = [0, 11008], sizes = [128, 128], strides = [1, 1]} : vector<128x32000xf32> to vector<128x128xf32>
    %iota3A_1125 = tpu.iota {dimensions = array<i32: 1>} : vector<128x128xi32>
    %add3A_1126 = arith.constant 11008 : i32
    %add3A_1127 = vector.broadcast %add3A_1126 : i32 to vector<128x128xi32>
    %add3A_1128 = arith.addi %add3A_1127, %iota3A_1125 : vector<128x128xi32>
    %broadcast_in_dim3A_1129 = vector.shape_cast %get3A_5 : vector<128xi32> to vector<128x1xi32>
    %eq3A_1130 = vector.broadcast %broadcast_in_dim3A_1129 : vector<128x1xi32> to vector<128x128xi32>
    %eq3A_1131 = arith.cmpi eq, %add3A_1128, %eq3A_1130 : vector<128x128xi32>
    %mul3A_1132 = arith.constant 2.879820e+05 : f32
    %mul3A_1133 = vector.broadcast %mul3A_1132 : f32 to vector<128x128xf32>
    %mul3A_1134 = arith.mulf %mul3A_1133, %slice3A_1124 : vector<128x128xf32>
    %select_n3A_1135 = arith.select %eq3A_1131, %mul3A_1134, %slice3A_1124 : vector<128x128xi1>, vector<128x128xf32>
    %add3A_1136 = arith.addf %add3A_1123, %select_n3A_1135 : vector<128x128xf32>
    %slice3A_1137 = vector.extract_strided_slice %get3A_1 {offsets = [0, 11136], sizes = [128, 128], strides = [1, 1]} : vector<128x32000xf32> to vector<128x128xf32>
    %iota3A_1138 = tpu.iota {dimensions = array<i32: 1>} : vector<128x128xi32>
    %add3A_1139 = arith.constant 11136 : i32
    %add3A_1140 = vector.broadcast %add3A_1139 : i32 to vector<128x128xi32>
    %add3A_1141 = arith.addi %add3A_1140, %iota3A_1138 : vector<128x128xi32>
    %broadcast_in_dim3A_1142 = vector.shape_cast %get3A_5 : vector<128xi32> to vector<128x1xi32>
    %eq3A_1143 = vector.broadcast %broadcast_in_dim3A_1142 : vector<128x1xi32> to vector<128x128xi32>
    %eq3A_1144 = arith.cmpi eq, %add3A_1141, %eq3A_1143 : vector<128x128xi32>
    %mul3A_1145 = arith.constant 2.879820e+05 : f32
    %mul3A_1146 = vector.broadcast %mul3A_1145 : f32 to vector<128x128xf32>
    %mul3A_1147 = arith.mulf %mul3A_1146, %slice3A_1137 : vector<128x128xf32>
    %select_n3A_1148 = arith.select %eq3A_1144, %mul3A_1147, %slice3A_1137 : vector<128x128xi1>, vector<128x128xf32>
    %add3A_1149 = arith.addf %add3A_1136, %select_n3A_1148 : vector<128x128xf32>
    %slice3A_1150 = vector.extract_strided_slice %get3A_1 {offsets = [0, 11264], sizes = [128, 128], strides = [1, 1]} : vector<128x32000xf32> to vector<128x128xf32>
    %iota3A_1151 = tpu.iota {dimensions = array<i32: 1>} : vector<128x128xi32>
    %add3A_1152 = arith.constant 11264 : i32
    %add3A_1153 = vector.broadcast %add3A_1152 : i32 to vector<128x128xi32>
    %add3A_1154 = arith.addi %add3A_1153, %iota3A_1151 : vector<128x128xi32>
    %broadcast_in_dim3A_1155 = vector.shape_cast %get3A_5 : vector<128xi32> to vector<128x1xi32>
    %eq3A_1156 = vector.broadcast %broadcast_in_dim3A_1155 : vector<128x1xi32> to vector<128x128xi32>
    %eq3A_1157 = arith.cmpi eq, %add3A_1154, %eq3A_1156 : vector<128x128xi32>
    %mul3A_1158 = arith.constant 2.879820e+05 : f32
    %mul3A_1159 = vector.broadcast %mul3A_1158 : f32 to vector<128x128xf32>
    %mul3A_1160 = arith.mulf %mul3A_1159, %slice3A_1150 : vector<128x128xf32>
    %select_n3A_1161 = arith.select %eq3A_1157, %mul3A_1160, %slice3A_1150 : vector<128x128xi1>, vector<128x128xf32>
    %add3A_1162 = arith.addf %add3A_1149, %select_n3A_1161 : vector<128x128xf32>
    %slice3A_1163 = vector.extract_strided_slice %get3A_1 {offsets = [0, 11392], sizes = [128, 128], strides = [1, 1]} : vector<128x32000xf32> to vector<128x128xf32>
    %iota3A_1164 = tpu.iota {dimensions = array<i32: 1>} : vector<128x128xi32>
    %add3A_1165 = arith.constant 11392 : i32
    %add3A_1166 = vector.broadcast %add3A_1165 : i32 to vector<128x128xi32>
    %add3A_1167 = arith.addi %add3A_1166, %iota3A_1164 : vector<128x128xi32>
    %broadcast_in_dim3A_1168 = vector.shape_cast %get3A_5 : vector<128xi32> to vector<128x1xi32>
    %eq3A_1169 = vector.broadcast %broadcast_in_dim3A_1168 : vector<128x1xi32> to vector<128x128xi32>
    %eq3A_1170 = arith.cmpi eq, %add3A_1167, %eq3A_1169 : vector<128x128xi32>
    %mul3A_1171 = arith.constant 2.879820e+05 : f32
    %mul3A_1172 = vector.broadcast %mul3A_1171 : f32 to vector<128x128xf32>
    %mul3A_1173 = arith.mulf %mul3A_1172, %slice3A_1163 : vector<128x128xf32>
    %select_n3A_1174 = arith.select %eq3A_1170, %mul3A_1173, %slice3A_1163 : vector<128x128xi1>, vector<128x128xf32>
    %add3A_1175 = arith.addf %add3A_1162, %select_n3A_1174 : vector<128x128xf32>
    %slice3A_1176 = vector.extract_strided_slice %get3A_1 {offsets = [0, 11520], sizes = [128, 128], strides = [1, 1]} : vector<128x32000xf32> to vector<128x128xf32>
    %iota3A_1177 = tpu.iota {dimensions = array<i32: 1>} : vector<128x128xi32>
    %add3A_1178 = arith.constant 11520 : i32
    %add3A_1179 = vector.broadcast %add3A_1178 : i32 to vector<128x128xi32>
    %add3A_1180 = arith.addi %add3A_1179, %iota3A_1177 : vector<128x128xi32>
    %broadcast_in_dim3A_1181 = vector.shape_cast %get3A_5 : vector<128xi32> to vector<128x1xi32>
    %eq3A_1182 = vector.broadcast %broadcast_in_dim3A_1181 : vector<128x1xi32> to vector<128x128xi32>
    %eq3A_1183 = arith.cmpi eq, %add3A_1180, %eq3A_1182 : vector<128x128xi32>
    %mul3A_1184 = arith.constant 2.879820e+05 : f32
    %mul3A_1185 = vector.broadcast %mul3A_1184 : f32 to vector<128x128xf32>
    %mul3A_1186 = arith.mulf %mul3A_1185, %slice3A_1176 : vector<128x128xf32>
    %select_n3A_1187 = arith.select %eq3A_1183, %mul3A_1186, %slice3A_1176 : vector<128x128xi1>, vector<128x128xf32>
    %add3A_1188 = arith.addf %add3A_1175, %select_n3A_1187 : vector<128x128xf32>
    %slice3A_1189 = vector.extract_strided_slice %get3A_1 {offsets = [0, 11648], sizes = [128, 128], strides = [1, 1]} : vector<128x32000xf32> to vector<128x128xf32>
    %iota3A_1190 = tpu.iota {dimensions = array<i32: 1>} : vector<128x128xi32>
    %add3A_1191 = arith.constant 11648 : i32
    %add3A_1192 = vector.broadcast %add3A_1191 : i32 to vector<128x128xi32>
    %add3A_1193 = arith.addi %add3A_1192, %iota3A_1190 : vector<128x128xi32>
    %broadcast_in_dim3A_1194 = vector.shape_cast %get3A_5 : vector<128xi32> to vector<128x1xi32>
    %eq3A_1195 = vector.broadcast %broadcast_in_dim3A_1194 : vector<128x1xi32> to vector<128x128xi32>
    %eq3A_1196 = arith.cmpi eq, %add3A_1193, %eq3A_1195 : vector<128x128xi32>
    %mul3A_1197 = arith.constant 2.879820e+05 : f32
    %mul3A_1198 = vector.broadcast %mul3A_1197 : f32 to vector<128x128xf32>
    %mul3A_1199 = arith.mulf %mul3A_1198, %slice3A_1189 : vector<128x128xf32>
    %select_n3A_1200 = arith.select %eq3A_1196, %mul3A_1199, %slice3A_1189 : vector<128x128xi1>, vector<128x128xf32>
    %add3A_1201 = arith.addf %add3A_1188, %select_n3A_1200 : vector<128x128xf32>
    %slice3A_1202 = vector.extract_strided_slice %get3A_1 {offsets = [0, 11776], sizes = [128, 128], strides = [1, 1]} : vector<128x32000xf32> to vector<128x128xf32>
    %iota3A_1203 = tpu.iota {dimensions = array<i32: 1>} : vector<128x128xi32>
    %add3A_1204 = arith.constant 11776 : i32
    %add3A_1205 = vector.broadcast %add3A_1204 : i32 to vector<128x128xi32>
    %add3A_1206 = arith.addi %add3A_1205, %iota3A_1203 : vector<128x128xi32>
    %broadcast_in_dim3A_1207 = vector.shape_cast %get3A_5 : vector<128xi32> to vector<128x1xi32>
    %eq3A_1208 = vector.broadcast %broadcast_in_dim3A_1207 : vector<128x1xi32> to vector<128x128xi32>
    %eq3A_1209 = arith.cmpi eq, %add3A_1206, %eq3A_1208 : vector<128x128xi32>
    %mul3A_1210 = arith.constant 2.879820e+05 : f32
    %mul3A_1211 = vector.broadcast %mul3A_1210 : f32 to vector<128x128xf32>
    %mul3A_1212 = arith.mulf %mul3A_1211, %slice3A_1202 : vector<128x128xf32>
    %select_n3A_1213 = arith.select %eq3A_1209, %mul3A_1212, %slice3A_1202 : vector<128x128xi1>, vector<128x128xf32>
    %add3A_1214 = arith.addf %add3A_1201, %select_n3A_1213 : vector<128x128xf32>
    %slice3A_1215 = vector.extract_strided_slice %get3A_1 {offsets = [0, 11904], sizes = [128, 128], strides = [1, 1]} : vector<128x32000xf32> to vector<128x128xf32>
    %iota3A_1216 = tpu.iota {dimensions = array<i32: 1>} : vector<128x128xi32>
    %add3A_1217 = arith.constant 11904 : i32
    %add3A_1218 = vector.broadcast %add3A_1217 : i32 to vector<128x128xi32>
    %add3A_1219 = arith.addi %add3A_1218, %iota3A_1216 : vector<128x128xi32>
    %broadcast_in_dim3A_1220 = vector.shape_cast %get3A_5 : vector<128xi32> to vector<128x1xi32>
    %eq3A_1221 = vector.broadcast %broadcast_in_dim3A_1220 : vector<128x1xi32> to vector<128x128xi32>
    %eq3A_1222 = arith.cmpi eq, %add3A_1219, %eq3A_1221 : vector<128x128xi32>
    %mul3A_1223 = arith.constant 2.879820e+05 : f32
    %mul3A_1224 = vector.broadcast %mul3A_1223 : f32 to vector<128x128xf32>
    %mul3A_1225 = arith.mulf %mul3A_1224, %slice3A_1215 : vector<128x128xf32>
    %select_n3A_1226 = arith.select %eq3A_1222, %mul3A_1225, %slice3A_1215 : vector<128x128xi1>, vector<128x128xf32>
    %add3A_1227 = arith.addf %add3A_1214, %select_n3A_1226 : vector<128x128xf32>
    %slice3A_1228 = vector.extract_strided_slice %get3A_1 {offsets = [0, 12032], sizes = [128, 128], strides = [1, 1]} : vector<128x32000xf32> to vector<128x128xf32>
    %iota3A_1229 = tpu.iota {dimensions = array<i32: 1>} : vector<128x128xi32>
    %add3A_1230 = arith.constant 12032 : i32
    %add3A_1231 = vector.broadcast %add3A_1230 : i32 to vector<128x128xi32>
    %add3A_1232 = arith.addi %add3A_1231, %iota3A_1229 : vector<128x128xi32>
    %broadcast_in_dim3A_1233 = vector.shape_cast %get3A_5 : vector<128xi32> to vector<128x1xi32>
    %eq3A_1234 = vector.broadcast %broadcast_in_dim3A_1233 : vector<128x1xi32> to vector<128x128xi32>
    %eq3A_1235 = arith.cmpi eq, %add3A_1232, %eq3A_1234 : vector<128x128xi32>
    %mul3A_1236 = arith.constant 2.879820e+05 : f32
    %mul3A_1237 = vector.broadcast %mul3A_1236 : f32 to vector<128x128xf32>
    %mul3A_1238 = arith.mulf %mul3A_1237, %slice3A_1228 : vector<128x128xf32>
    %select_n3A_1239 = arith.select %eq3A_1235, %mul3A_1238, %slice3A_1228 : vector<128x128xi1>, vector<128x128xf32>
    %add3A_1240 = arith.addf %add3A_1227, %select_n3A_1239 : vector<128x128xf32>
    %slice3A_1241 = vector.extract_strided_slice %get3A_1 {offsets = [0, 12160], sizes = [128, 128], strides = [1, 1]} : vector<128x32000xf32> to vector<128x128xf32>
    %iota3A_1242 = tpu.iota {dimensions = array<i32: 1>} : vector<128x128xi32>
    %add3A_1243 = arith.constant 12160 : i32
    %add3A_1244 = vector.broadcast %add3A_1243 : i32 to vector<128x128xi32>
    %add3A_1245 = arith.addi %add3A_1244, %iota3A_1242 : vector<128x128xi32>
    %broadcast_in_dim3A_1246 = vector.shape_cast %get3A_5 : vector<128xi32> to vector<128x1xi32>
    %eq3A_1247 = vector.broadcast %broadcast_in_dim3A_1246 : vector<128x1xi32> to vector<128x128xi32>
    %eq3A_1248 = arith.cmpi eq, %add3A_1245, %eq3A_1247 : vector<128x128xi32>
    %mul3A_1249 = arith.constant 2.879820e+05 : f32
    %mul3A_1250 = vector.broadcast %mul3A_1249 : f32 to vector<128x128xf32>
    %mul3A_1251 = arith.mulf %mul3A_1250, %slice3A_1241 : vector<128x128xf32>
    %select_n3A_1252 = arith.select %eq3A_1248, %mul3A_1251, %slice3A_1241 : vector<128x128xi1>, vector<128x128xf32>
    %add3A_1253 = arith.addf %add3A_1240, %select_n3A_1252 : vector<128x128xf32>
    %slice3A_1254 = vector.extract_strided_slice %get3A_1 {offsets = [0, 12288], sizes = [128, 128], strides = [1, 1]} : vector<128x32000xf32> to vector<128x128xf32>
    %iota3A_1255 = tpu.iota {dimensions = array<i32: 1>} : vector<128x128xi32>
    %add3A_1256 = arith.constant 12288 : i32
    %add3A_1257 = vector.broadcast %add3A_1256 : i32 to vector<128x128xi32>
    %add3A_1258 = arith.addi %add3A_1257, %iota3A_1255 : vector<128x128xi32>
    %broadcast_in_dim3A_1259 = vector.shape_cast %get3A_5 : vector<128xi32> to vector<128x1xi32>
    %eq3A_1260 = vector.broadcast %broadcast_in_dim3A_1259 : vector<128x1xi32> to vector<128x128xi32>
    %eq3A_1261 = arith.cmpi eq, %add3A_1258, %eq3A_1260 : vector<128x128xi32>
    %mul3A_1262 = arith.constant 2.879820e+05 : f32
    %mul3A_1263 = vector.broadcast %mul3A_1262 : f32 to vector<128x128xf32>
    %mul3A_1264 = arith.mulf %mul3A_1263, %slice3A_1254 : vector<128x128xf32>
    %select_n3A_1265 = arith.select %eq3A_1261, %mul3A_1264, %slice3A_1254 : vector<128x128xi1>, vector<128x128xf32>
    %add3A_1266 = arith.addf %add3A_1253, %select_n3A_1265 : vector<128x128xf32>
    %slice3A_1267 = vector.extract_strided_slice %get3A_1 {offsets = [0, 12416], sizes = [128, 128], strides = [1, 1]} : vector<128x32000xf32> to vector<128x128xf32>
    %iota3A_1268 = tpu.iota {dimensions = array<i32: 1>} : vector<128x128xi32>
    %add3A_1269 = arith.constant 12416 : i32
    %add3A_1270 = vector.broadcast %add3A_1269 : i32 to vector<128x128xi32>
    %add3A_1271 = arith.addi %add3A_1270, %iota3A_1268 : vector<128x128xi32>
    %broadcast_in_dim3A_1272 = vector.shape_cast %get3A_5 : vector<128xi32> to vector<128x1xi32>
    %eq3A_1273 = vector.broadcast %broadcast_in_dim3A_1272 : vector<128x1xi32> to vector<128x128xi32>
    %eq3A_1274 = arith.cmpi eq, %add3A_1271, %eq3A_1273 : vector<128x128xi32>
    %mul3A_1275 = arith.constant 2.879820e+05 : f32
    %mul3A_1276 = vector.broadcast %mul3A_1275 : f32 to vector<128x128xf32>
    %mul3A_1277 = arith.mulf %mul3A_1276, %slice3A_1267 : vector<128x128xf32>
    %select_n3A_1278 = arith.select %eq3A_1274, %mul3A_1277, %slice3A_1267 : vector<128x128xi1>, vector<128x128xf32>
    %add3A_1279 = arith.addf %add3A_1266, %select_n3A_1278 : vector<128x128xf32>
    %slice3A_1280 = vector.extract_strided_slice %get3A_1 {offsets = [0, 12544], sizes = [128, 128], strides = [1, 1]} : vector<128x32000xf32> to vector<128x128xf32>
    %iota3A_1281 = tpu.iota {dimensions = array<i32: 1>} : vector<128x128xi32>
    %add3A_1282 = arith.constant 12544 : i32
    %add3A_1283 = vector.broadcast %add3A_1282 : i32 to vector<128x128xi32>
    %add3A_1284 = arith.addi %add3A_1283, %iota3A_1281 : vector<128x128xi32>
    %broadcast_in_dim3A_1285 = vector.shape_cast %get3A_5 : vector<128xi32> to vector<128x1xi32>
    %eq3A_1286 = vector.broadcast %broadcast_in_dim3A_1285 : vector<128x1xi32> to vector<128x128xi32>
    %eq3A_1287 = arith.cmpi eq, %add3A_1284, %eq3A_1286 : vector<128x128xi32>
    %mul3A_1288 = arith.constant 2.879820e+05 : f32
    %mul3A_1289 = vector.broadcast %mul3A_1288 : f32 to vector<128x128xf32>
    %mul3A_1290 = arith.mulf %mul3A_1289, %slice3A_1280 : vector<128x128xf32>
    %select_n3A_1291 = arith.select %eq3A_1287, %mul3A_1290, %slice3A_1280 : vector<128x128xi1>, vector<128x128xf32>
    %add3A_1292 = arith.addf %add3A_1279, %select_n3A_1291 : vector<128x128xf32>
    %slice3A_1293 = vector.extract_strided_slice %get3A_1 {offsets = [0, 12672], sizes = [128, 128], strides = [1, 1]} : vector<128x32000xf32> to vector<128x128xf32>
    %iota3A_1294 = tpu.iota {dimensions = array<i32: 1>} : vector<128x128xi32>
    %add3A_1295 = arith.constant 12672 : i32
    %add3A_1296 = vector.broadcast %add3A_1295 : i32 to vector<128x128xi32>
    %add3A_1297 = arith.addi %add3A_1296, %iota3A_1294 : vector<128x128xi32>
    %broadcast_in_dim3A_1298 = vector.shape_cast %get3A_5 : vector<128xi32> to vector<128x1xi32>
    %eq3A_1299 = vector.broadcast %broadcast_in_dim3A_1298 : vector<128x1xi32> to vector<128x128xi32>
    %eq3A_1300 = arith.cmpi eq, %add3A_1297, %eq3A_1299 : vector<128x128xi32>
    %mul3A_1301 = arith.constant 2.879820e+05 : f32
    %mul3A_1302 = vector.broadcast %mul3A_1301 : f32 to vector<128x128xf32>
    %mul3A_1303 = arith.mulf %mul3A_1302, %slice3A_1293 : vector<128x128xf32>
    %select_n3A_1304 = arith.select %eq3A_1300, %mul3A_1303, %slice3A_1293 : vector<128x128xi1>, vector<128x128xf32>
    %add3A_1305 = arith.addf %add3A_1292, %select_n3A_1304 : vector<128x128xf32>
    %slice3A_1306 = vector.extract_strided_slice %get3A_1 {offsets = [0, 12800], sizes = [128, 128], strides = [1, 1]} : vector<128x32000xf32> to vector<128x128xf32>
    %iota3A_1307 = tpu.iota {dimensions = array<i32: 1>} : vector<128x128xi32>
    %add3A_1308 = arith.constant 12800 : i32
    %add3A_1309 = vector.broadcast %add3A_1308 : i32 to vector<128x128xi32>
    %add3A_1310 = arith.addi %add3A_1309, %iota3A_1307 : vector<128x128xi32>
    %broadcast_in_dim3A_1311 = vector.shape_cast %get3A_5 : vector<128xi32> to vector<128x1xi32>
    %eq3A_1312 = vector.broadcast %broadcast_in_dim3A_1311 : vector<128x1xi32> to vector<128x128xi32>
    %eq3A_1313 = arith.cmpi eq, %add3A_1310, %eq3A_1312 : vector<128x128xi32>
    %mul3A_1314 = arith.constant 2.879820e+05 : f32
    %mul3A_1315 = vector.broadcast %mul3A_1314 : f32 to vector<128x128xf32>
    %mul3A_1316 = arith.mulf %mul3A_1315, %slice3A_1306 : vector<128x128xf32>
    %select_n3A_1317 = arith.select %eq3A_1313, %mul3A_1316, %slice3A_1306 : vector<128x128xi1>, vector<128x128xf32>
    %add3A_1318 = arith.addf %add3A_1305, %select_n3A_1317 : vector<128x128xf32>
    %slice3A_1319 = vector.extract_strided_slice %get3A_1 {offsets = [0, 12928], sizes = [128, 128], strides = [1, 1]} : vector<128x32000xf32> to vector<128x128xf32>
    %iota3A_1320 = tpu.iota {dimensions = array<i32: 1>} : vector<128x128xi32>
    %add3A_1321 = arith.constant 12928 : i32
    %add3A_1322 = vector.broadcast %add3A_1321 : i32 to vector<128x128xi32>
    %add3A_1323 = arith.addi %add3A_1322, %iota3A_1320 : vector<128x128xi32>
    %broadcast_in_dim3A_1324 = vector.shape_cast %get3A_5 : vector<128xi32> to vector<128x1xi32>
    %eq3A_1325 = vector.broadcast %broadcast_in_dim3A_1324 : vector<128x1xi32> to vector<128x128xi32>
    %eq3A_1326 = arith.cmpi eq, %add3A_1323, %eq3A_1325 : vector<128x128xi32>
    %mul3A_1327 = arith.constant 2.879820e+05 : f32
    %mul3A_1328 = vector.broadcast %mul3A_1327 : f32 to vector<128x128xf32>
    %mul3A_1329 = arith.mulf %mul3A_1328, %slice3A_1319 : vector<128x128xf32>
    %select_n3A_1330 = arith.select %eq3A_1326, %mul3A_1329, %slice3A_1319 : vector<128x128xi1>, vector<128x128xf32>
    %add3A_1331 = arith.addf %add3A_1318, %select_n3A_1330 : vector<128x128xf32>
    %slice3A_1332 = vector.extract_strided_slice %get3A_1 {offsets = [0, 13056], sizes = [128, 128], strides = [1, 1]} : vector<128x32000xf32> to vector<128x128xf32>
    %iota3A_1333 = tpu.iota {dimensions = array<i32: 1>} : vector<128x128xi32>
    %add3A_1334 = arith.constant 13056 : i32
    %add3A_1335 = vector.broadcast %add3A_1334 : i32 to vector<128x128xi32>
    %add3A_1336 = arith.addi %add3A_1335, %iota3A_1333 : vector<128x128xi32>
    %broadcast_in_dim3A_1337 = vector.shape_cast %get3A_5 : vector<128xi32> to vector<128x1xi32>
    %eq3A_1338 = vector.broadcast %broadcast_in_dim3A_1337 : vector<128x1xi32> to vector<128x128xi32>
    %eq3A_1339 = arith.cmpi eq, %add3A_1336, %eq3A_1338 : vector<128x128xi32>
    %mul3A_1340 = arith.constant 2.879820e+05 : f32
    %mul3A_1341 = vector.broadcast %mul3A_1340 : f32 to vector<128x128xf32>
    %mul3A_1342 = arith.mulf %mul3A_1341, %slice3A_1332 : vector<128x128xf32>
    %select_n3A_1343 = arith.select %eq3A_1339, %mul3A_1342, %slice3A_1332 : vector<128x128xi1>, vector<128x128xf32>
    %add3A_1344 = arith.addf %add3A_1331, %select_n3A_1343 : vector<128x128xf32>
    %slice3A_1345 = vector.extract_strided_slice %get3A_1 {offsets = [0, 13184], sizes = [128, 128], strides = [1, 1]} : vector<128x32000xf32> to vector<128x128xf32>
    %iota3A_1346 = tpu.iota {dimensions = array<i32: 1>} : vector<128x128xi32>
    %add3A_1347 = arith.constant 13184 : i32
    %add3A_1348 = vector.broadcast %add3A_1347 : i32 to vector<128x128xi32>
    %add3A_1349 = arith.addi %add3A_1348, %iota3A_1346 : vector<128x128xi32>
    %broadcast_in_dim3A_1350 = vector.shape_cast %get3A_5 : vector<128xi32> to vector<128x1xi32>
    %eq3A_1351 = vector.broadcast %broadcast_in_dim3A_1350 : vector<128x1xi32> to vector<128x128xi32>
    %eq3A_1352 = arith.cmpi eq, %add3A_1349, %eq3A_1351 : vector<128x128xi32>
    %mul3A_1353 = arith.constant 2.879820e+05 : f32
    %mul3A_1354 = vector.broadcast %mul3A_1353 : f32 to vector<128x128xf32>
    %mul3A_1355 = arith.mulf %mul3A_1354, %slice3A_1345 : vector<128x128xf32>
    %select_n3A_1356 = arith.select %eq3A_1352, %mul3A_1355, %slice3A_1345 : vector<128x128xi1>, vector<128x128xf32>
    %add3A_1357 = arith.addf %add3A_1344, %select_n3A_1356 : vector<128x128xf32>
    %slice3A_1358 = vector.extract_strided_slice %get3A_1 {offsets = [0, 13312], sizes = [128, 128], strides = [1, 1]} : vector<128x32000xf32> to vector<128x128xf32>
    %iota3A_1359 = tpu.iota {dimensions = array<i32: 1>} : vector<128x128xi32>
    %add3A_1360 = arith.constant 13312 : i32
    %add3A_1361 = vector.broadcast %add3A_1360 : i32 to vector<128x128xi32>
    %add3A_1362 = arith.addi %add3A_1361, %iota3A_1359 : vector<128x128xi32>
    %broadcast_in_dim3A_1363 = vector.shape_cast %get3A_5 : vector<128xi32> to vector<128x1xi32>
    %eq3A_1364 = vector.broadcast %broadcast_in_dim3A_1363 : vector<128x1xi32> to vector<128x128xi32>
    %eq3A_1365 = arith.cmpi eq, %add3A_1362, %eq3A_1364 : vector<128x128xi32>
    %mul3A_1366 = arith.constant 2.879820e+05 : f32
    %mul3A_1367 = vector.broadcast %mul3A_1366 : f32 to vector<128x128xf32>
    %mul3A_1368 = arith.mulf %mul3A_1367, %slice3A_1358 : vector<128x128xf32>
    %select_n3A_1369 = arith.select %eq3A_1365, %mul3A_1368, %slice3A_1358 : vector<128x128xi1>, vector<128x128xf32>
    %add3A_1370 = arith.addf %add3A_1357, %select_n3A_1369 : vector<128x128xf32>
    %slice3A_1371 = vector.extract_strided_slice %get3A_1 {offsets = [0, 13440], sizes = [128, 128], strides = [1, 1]} : vector<128x32000xf32> to vector<128x128xf32>
    %iota3A_1372 = tpu.iota {dimensions = array<i32: 1>} : vector<128x128xi32>
    %add3A_1373 = arith.constant 13440 : i32
    %add3A_1374 = vector.broadcast %add3A_1373 : i32 to vector<128x128xi32>
    %add3A_1375 = arith.addi %add3A_1374, %iota3A_1372 : vector<128x128xi32>
    %broadcast_in_dim3A_1376 = vector.shape_cast %get3A_5 : vector<128xi32> to vector<128x1xi32>
    %eq3A_1377 = vector.broadcast %broadcast_in_dim3A_1376 : vector<128x1xi32> to vector<128x128xi32>
    %eq3A_1378 = arith.cmpi eq, %add3A_1375, %eq3A_1377 : vector<128x128xi32>
    %mul3A_1379 = arith.constant 2.879820e+05 : f32
    %mul3A_1380 = vector.broadcast %mul3A_1379 : f32 to vector<128x128xf32>
    %mul3A_1381 = arith.mulf %mul3A_1380, %slice3A_1371 : vector<128x128xf32>
    %select_n3A_1382 = arith.select %eq3A_1378, %mul3A_1381, %slice3A_1371 : vector<128x128xi1>, vector<128x128xf32>
    %add3A_1383 = arith.addf %add3A_1370, %select_n3A_1382 : vector<128x128xf32>
    %slice3A_1384 = vector.extract_strided_slice %get3A_1 {offsets = [0, 13568], sizes = [128, 128], strides = [1, 1]} : vector<128x32000xf32> to vector<128x128xf32>
    %iota3A_1385 = tpu.iota {dimensions = array<i32: 1>} : vector<128x128xi32>
    %add3A_1386 = arith.constant 13568 : i32
    %add3A_1387 = vector.broadcast %add3A_1386 : i32 to vector<128x128xi32>
    %add3A_1388 = arith.addi %add3A_1387, %iota3A_1385 : vector<128x128xi32>
    %broadcast_in_dim3A_1389 = vector.shape_cast %get3A_5 : vector<128xi32> to vector<128x1xi32>
    %eq3A_1390 = vector.broadcast %broadcast_in_dim3A_1389 : vector<128x1xi32> to vector<128x128xi32>
    %eq3A_1391 = arith.cmpi eq, %add3A_1388, %eq3A_1390 : vector<128x128xi32>
    %mul3A_1392 = arith.constant 2.879820e+05 : f32
    %mul3A_1393 = vector.broadcast %mul3A_1392 : f32 to vector<128x128xf32>
    %mul3A_1394 = arith.mulf %mul3A_1393, %slice3A_1384 : vector<128x128xf32>
    %select_n3A_1395 = arith.select %eq3A_1391, %mul3A_1394, %slice3A_1384 : vector<128x128xi1>, vector<128x128xf32>
    %add3A_1396 = arith.addf %add3A_1383, %select_n3A_1395 : vector<128x128xf32>
    %slice3A_1397 = vector.extract_strided_slice %get3A_1 {offsets = [0, 13696], sizes = [128, 128], strides = [1, 1]} : vector<128x32000xf32> to vector<128x128xf32>
    %iota3A_1398 = tpu.iota {dimensions = array<i32: 1>} : vector<128x128xi32>
    %add3A_1399 = arith.constant 13696 : i32
    %add3A_1400 = vector.broadcast %add3A_1399 : i32 to vector<128x128xi32>
    %add3A_1401 = arith.addi %add3A_1400, %iota3A_1398 : vector<128x128xi32>
    %broadcast_in_dim3A_1402 = vector.shape_cast %get3A_5 : vector<128xi32> to vector<128x1xi32>
    %eq3A_1403 = vector.broadcast %broadcast_in_dim3A_1402 : vector<128x1xi32> to vector<128x128xi32>
    %eq3A_1404 = arith.cmpi eq, %add3A_1401, %eq3A_1403 : vector<128x128xi32>
    %mul3A_1405 = arith.constant 2.879820e+05 : f32
    %mul3A_1406 = vector.broadcast %mul3A_1405 : f32 to vector<128x128xf32>
    %mul3A_1407 = arith.mulf %mul3A_1406, %slice3A_1397 : vector<128x128xf32>
    %select_n3A_1408 = arith.select %eq3A_1404, %mul3A_1407, %slice3A_1397 : vector<128x128xi1>, vector<128x128xf32>
    %add3A_1409 = arith.addf %add3A_1396, %select_n3A_1408 : vector<128x128xf32>
    %slice3A_1410 = vector.extract_strided_slice %get3A_1 {offsets = [0, 13824], sizes = [128, 128], strides = [1, 1]} : vector<128x32000xf32> to vector<128x128xf32>
    %iota3A_1411 = tpu.iota {dimensions = array<i32: 1>} : vector<128x128xi32>
    %add3A_1412 = arith.constant 13824 : i32
    %add3A_1413 = vector.broadcast %add3A_1412 : i32 to vector<128x128xi32>
    %add3A_1414 = arith.addi %add3A_1413, %iota3A_1411 : vector<128x128xi32>
    %broadcast_in_dim3A_1415 = vector.shape_cast %get3A_5 : vector<128xi32> to vector<128x1xi32>
    %eq3A_1416 = vector.broadcast %broadcast_in_dim3A_1415 : vector<128x1xi32> to vector<128x128xi32>
    %eq3A_1417 = arith.cmpi eq, %add3A_1414, %eq3A_1416 : vector<128x128xi32>
    %mul3A_1418 = arith.constant 2.879820e+05 : f32
    %mul3A_1419 = vector.broadcast %mul3A_1418 : f32 to vector<128x128xf32>
    %mul3A_1420 = arith.mulf %mul3A_1419, %slice3A_1410 : vector<128x128xf32>
    %select_n3A_1421 = arith.select %eq3A_1417, %mul3A_1420, %slice3A_1410 : vector<128x128xi1>, vector<128x128xf32>
    %add3A_1422 = arith.addf %add3A_1409, %select_n3A_1421 : vector<128x128xf32>
    %slice3A_1423 = vector.extract_strided_slice %get3A_1 {offsets = [0, 13952], sizes = [128, 128], strides = [1, 1]} : vector<128x32000xf32> to vector<128x128xf32>
    %iota3A_1424 = tpu.iota {dimensions = array<i32: 1>} : vector<128x128xi32>
    %add3A_1425 = arith.constant 13952 : i32
    %add3A_1426 = vector.broadcast %add3A_1425 : i32 to vector<128x128xi32>
    %add3A_1427 = arith.addi %add3A_1426, %iota3A_1424 : vector<128x128xi32>
    %broadcast_in_dim3A_1428 = vector.shape_cast %get3A_5 : vector<128xi32> to vector<128x1xi32>
    %eq3A_1429 = vector.broadcast %broadcast_in_dim3A_1428 : vector<128x1xi32> to vector<128x128xi32>
    %eq3A_1430 = arith.cmpi eq, %add3A_1427, %eq3A_1429 : vector<128x128xi32>
    %mul3A_1431 = arith.constant 2.879820e+05 : f32
    %mul3A_1432 = vector.broadcast %mul3A_1431 : f32 to vector<128x128xf32>
    %mul3A_1433 = arith.mulf %mul3A_1432, %slice3A_1423 : vector<128x128xf32>
    %select_n3A_1434 = arith.select %eq3A_1430, %mul3A_1433, %slice3A_1423 : vector<128x128xi1>, vector<128x128xf32>
    %add3A_1435 = arith.addf %add3A_1422, %select_n3A_1434 : vector<128x128xf32>
    %slice3A_1436 = vector.extract_strided_slice %get3A_1 {offsets = [0, 14080], sizes = [128, 128], strides = [1, 1]} : vector<128x32000xf32> to vector<128x128xf32>
    %iota3A_1437 = tpu.iota {dimensions = array<i32: 1>} : vector<128x128xi32>
    %add3A_1438 = arith.constant 14080 : i32
    %add3A_1439 = vector.broadcast %add3A_1438 : i32 to vector<128x128xi32>
    %add3A_1440 = arith.addi %add3A_1439, %iota3A_1437 : vector<128x128xi32>
    %broadcast_in_dim3A_1441 = vector.shape_cast %get3A_5 : vector<128xi32> to vector<128x1xi32>
    %eq3A_1442 = vector.broadcast %broadcast_in_dim3A_1441 : vector<128x1xi32> to vector<128x128xi32>
    %eq3A_1443 = arith.cmpi eq, %add3A_1440, %eq3A_1442 : vector<128x128xi32>
    %mul3A_1444 = arith.constant 2.879820e+05 : f32
    %mul3A_1445 = vector.broadcast %mul3A_1444 : f32 to vector<128x128xf32>
    %mul3A_1446 = arith.mulf %mul3A_1445, %slice3A_1436 : vector<128x128xf32>
    %select_n3A_1447 = arith.select %eq3A_1443, %mul3A_1446, %slice3A_1436 : vector<128x128xi1>, vector<128x128xf32>
    %add3A_1448 = arith.addf %add3A_1435, %select_n3A_1447 : vector<128x128xf32>
    %slice3A_1449 = vector.extract_strided_slice %get3A_1 {offsets = [0, 14208], sizes = [128, 128], strides = [1, 1]} : vector<128x32000xf32> to vector<128x128xf32>
    %iota3A_1450 = tpu.iota {dimensions = array<i32: 1>} : vector<128x128xi32>
    %add3A_1451 = arith.constant 14208 : i32
    %add3A_1452 = vector.broadcast %add3A_1451 : i32 to vector<128x128xi32>
    %add3A_1453 = arith.addi %add3A_1452, %iota3A_1450 : vector<128x128xi32>
    %broadcast_in_dim3A_1454 = vector.shape_cast %get3A_5 : vector<128xi32> to vector<128x1xi32>
    %eq3A_1455 = vector.broadcast %broadcast_in_dim3A_1454 : vector<128x1xi32> to vector<128x128xi32>
    %eq3A_1456 = arith.cmpi eq, %add3A_1453, %eq3A_1455 : vector<128x128xi32>
    %mul3A_1457 = arith.constant 2.879820e+05 : f32
    %mul3A_1458 = vector.broadcast %mul3A_1457 : f32 to vector<128x128xf32>
    %mul3A_1459 = arith.mulf %mul3A_1458, %slice3A_1449 : vector<128x128xf32>
    %select_n3A_1460 = arith.select %eq3A_1456, %mul3A_1459, %slice3A_1449 : vector<128x128xi1>, vector<128x128xf32>
    %add3A_1461 = arith.addf %add3A_1448, %select_n3A_1460 : vector<128x128xf32>
    %slice3A_1462 = vector.extract_strided_slice %get3A_1 {offsets = [0, 14336], sizes = [128, 128], strides = [1, 1]} : vector<128x32000xf32> to vector<128x128xf32>
    %iota3A_1463 = tpu.iota {dimensions = array<i32: 1>} : vector<128x128xi32>
    %add3A_1464 = arith.constant 14336 : i32
    %add3A_1465 = vector.broadcast %add3A_1464 : i32 to vector<128x128xi32>
    %add3A_1466 = arith.addi %add3A_1465, %iota3A_1463 : vector<128x128xi32>
    %broadcast_in_dim3A_1467 = vector.shape_cast %get3A_5 : vector<128xi32> to vector<128x1xi32>
    %eq3A_1468 = vector.broadcast %broadcast_in_dim3A_1467 : vector<128x1xi32> to vector<128x128xi32>
    %eq3A_1469 = arith.cmpi eq, %add3A_1466, %eq3A_1468 : vector<128x128xi32>
    %mul3A_1470 = arith.constant 2.879820e+05 : f32
    %mul3A_1471 = vector.broadcast %mul3A_1470 : f32 to vector<128x128xf32>
    %mul3A_1472 = arith.mulf %mul3A_1471, %slice3A_1462 : vector<128x128xf32>
    %select_n3A_1473 = arith.select %eq3A_1469, %mul3A_1472, %slice3A_1462 : vector<128x128xi1>, vector<128x128xf32>
    %add3A_1474 = arith.addf %add3A_1461, %select_n3A_1473 : vector<128x128xf32>
    %slice3A_1475 = vector.extract_strided_slice %get3A_1 {offsets = [0, 14464], sizes = [128, 128], strides = [1, 1]} : vector<128x32000xf32> to vector<128x128xf32>
    %iota3A_1476 = tpu.iota {dimensions = array<i32: 1>} : vector<128x128xi32>
    %add3A_1477 = arith.constant 14464 : i32
    %add3A_1478 = vector.broadcast %add3A_1477 : i32 to vector<128x128xi32>
    %add3A_1479 = arith.addi %add3A_1478, %iota3A_1476 : vector<128x128xi32>
    %broadcast_in_dim3A_1480 = vector.shape_cast %get3A_5 : vector<128xi32> to vector<128x1xi32>
    %eq3A_1481 = vector.broadcast %broadcast_in_dim3A_1480 : vector<128x1xi32> to vector<128x128xi32>
    %eq3A_1482 = arith.cmpi eq, %add3A_1479, %eq3A_1481 : vector<128x128xi32>
    %mul3A_1483 = arith.constant 2.879820e+05 : f32
    %mul3A_1484 = vector.broadcast %mul3A_1483 : f32 to vector<128x128xf32>
    %mul3A_1485 = arith.mulf %mul3A_1484, %slice3A_1475 : vector<128x128xf32>
    %select_n3A_1486 = arith.select %eq3A_1482, %mul3A_1485, %slice3A_1475 : vector<128x128xi1>, vector<128x128xf32>
    %add3A_1487 = arith.addf %add3A_1474, %select_n3A_1486 : vector<128x128xf32>
    %slice3A_1488 = vector.extract_strided_slice %get3A_1 {offsets = [0, 14592], sizes = [128, 128], strides = [1, 1]} : vector<128x32000xf32> to vector<128x128xf32>
    %iota3A_1489 = tpu.iota {dimensions = array<i32: 1>} : vector<128x128xi32>
    %add3A_1490 = arith.constant 14592 : i32
    %add3A_1491 = vector.broadcast %add3A_1490 : i32 to vector<128x128xi32>
    %add3A_1492 = arith.addi %add3A_1491, %iota3A_1489 : vector<128x128xi32>
    %broadcast_in_dim3A_1493 = vector.shape_cast %get3A_5 : vector<128xi32> to vector<128x1xi32>
    %eq3A_1494 = vector.broadcast %broadcast_in_dim3A_1493 : vector<128x1xi32> to vector<128x128xi32>
    %eq3A_1495 = arith.cmpi eq, %add3A_1492, %eq3A_1494 : vector<128x128xi32>
    %mul3A_1496 = arith.constant 2.879820e+05 : f32
    %mul3A_1497 = vector.broadcast %mul3A_1496 : f32 to vector<128x128xf32>
    %mul3A_1498 = arith.mulf %mul3A_1497, %slice3A_1488 : vector<128x128xf32>
    %select_n3A_1499 = arith.select %eq3A_1495, %mul3A_1498, %slice3A_1488 : vector<128x128xi1>, vector<128x128xf32>
    %add3A_1500 = arith.addf %add3A_1487, %select_n3A_1499 : vector<128x128xf32>
    %slice3A_1501 = vector.extract_strided_slice %get3A_1 {offsets = [0, 14720], sizes = [128, 128], strides = [1, 1]} : vector<128x32000xf32> to vector<128x128xf32>
    %iota3A_1502 = tpu.iota {dimensions = array<i32: 1>} : vector<128x128xi32>
    %add3A_1503 = arith.constant 14720 : i32
    %add3A_1504 = vector.broadcast %add3A_1503 : i32 to vector<128x128xi32>
    %add3A_1505 = arith.addi %add3A_1504, %iota3A_1502 : vector<128x128xi32>
    %broadcast_in_dim3A_1506 = vector.shape_cast %get3A_5 : vector<128xi32> to vector<128x1xi32>
    %eq3A_1507 = vector.broadcast %broadcast_in_dim3A_1506 : vector<128x1xi32> to vector<128x128xi32>
    %eq3A_1508 = arith.cmpi eq, %add3A_1505, %eq3A_1507 : vector<128x128xi32>
    %mul3A_1509 = arith.constant 2.879820e+05 : f32
    %mul3A_1510 = vector.broadcast %mul3A_1509 : f32 to vector<128x128xf32>
    %mul3A_1511 = arith.mulf %mul3A_1510, %slice3A_1501 : vector<128x128xf32>
    %select_n3A_1512 = arith.select %eq3A_1508, %mul3A_1511, %slice3A_1501 : vector<128x128xi1>, vector<128x128xf32>
    %add3A_1513 = arith.addf %add3A_1500, %select_n3A_1512 : vector<128x128xf32>
    %slice3A_1514 = vector.extract_strided_slice %get3A_1 {offsets = [0, 14848], sizes = [128, 128], strides = [1, 1]} : vector<128x32000xf32> to vector<128x128xf32>
    %iota3A_1515 = tpu.iota {dimensions = array<i32: 1>} : vector<128x128xi32>
    %add3A_1516 = arith.constant 14848 : i32
    %add3A_1517 = vector.broadcast %add3A_1516 : i32 to vector<128x128xi32>
    %add3A_1518 = arith.addi %add3A_1517, %iota3A_1515 : vector<128x128xi32>
    %broadcast_in_dim3A_1519 = vector.shape_cast %get3A_5 : vector<128xi32> to vector<128x1xi32>
    %eq3A_1520 = vector.broadcast %broadcast_in_dim3A_1519 : vector<128x1xi32> to vector<128x128xi32>
    %eq3A_1521 = arith.cmpi eq, %add3A_1518, %eq3A_1520 : vector<128x128xi32>
    %mul3A_1522 = arith.constant 2.879820e+05 : f32
    %mul3A_1523 = vector.broadcast %mul3A_1522 : f32 to vector<128x128xf32>
    %mul3A_1524 = arith.mulf %mul3A_1523, %slice3A_1514 : vector<128x128xf32>
    %select_n3A_1525 = arith.select %eq3A_1521, %mul3A_1524, %slice3A_1514 : vector<128x128xi1>, vector<128x128xf32>
    %add3A_1526 = arith.addf %add3A_1513, %select_n3A_1525 : vector<128x128xf32>
    %slice3A_1527 = vector.extract_strided_slice %get3A_1 {offsets = [0, 14976], sizes = [128, 128], strides = [1, 1]} : vector<128x32000xf32> to vector<128x128xf32>
    %iota3A_1528 = tpu.iota {dimensions = array<i32: 1>} : vector<128x128xi32>
    %add3A_1529 = arith.constant 14976 : i32
    %add3A_1530 = vector.broadcast %add3A_1529 : i32 to vector<128x128xi32>
    %add3A_1531 = arith.addi %add3A_1530, %iota3A_1528 : vector<128x128xi32>
    %broadcast_in_dim3A_1532 = vector.shape_cast %get3A_5 : vector<128xi32> to vector<128x1xi32>
    %eq3A_1533 = vector.broadcast %broadcast_in_dim3A_1532 : vector<128x1xi32> to vector<128x128xi32>
    %eq3A_1534 = arith.cmpi eq, %add3A_1531, %eq3A_1533 : vector<128x128xi32>
    %mul3A_1535 = arith.constant 2.879820e+05 : f32
    %mul3A_1536 = vector.broadcast %mul3A_1535 : f32 to vector<128x128xf32>
    %mul3A_1537 = arith.mulf %mul3A_1536, %slice3A_1527 : vector<128x128xf32>
    %select_n3A_1538 = arith.select %eq3A_1534, %mul3A_1537, %slice3A_1527 : vector<128x128xi1>, vector<128x128xf32>
    %add3A_1539 = arith.addf %add3A_1526, %select_n3A_1538 : vector<128x128xf32>
    %slice3A_1540 = vector.extract_strided_slice %get3A_1 {offsets = [0, 15104], sizes = [128, 128], strides = [1, 1]} : vector<128x32000xf32> to vector<128x128xf32>
    %iota3A_1541 = tpu.iota {dimensions = array<i32: 1>} : vector<128x128xi32>
    %add3A_1542 = arith.constant 15104 : i32
    %add3A_1543 = vector.broadcast %add3A_1542 : i32 to vector<128x128xi32>
    %add3A_1544 = arith.addi %add3A_1543, %iota3A_1541 : vector<128x128xi32>
    %broadcast_in_dim3A_1545 = vector.shape_cast %get3A_5 : vector<128xi32> to vector<128x1xi32>
    %eq3A_1546 = vector.broadcast %broadcast_in_dim3A_1545 : vector<128x1xi32> to vector<128x128xi32>
    %eq3A_1547 = arith.cmpi eq, %add3A_1544, %eq3A_1546 : vector<128x128xi32>
    %mul3A_1548 = arith.constant 2.879820e+05 : f32
    %mul3A_1549 = vector.broadcast %mul3A_1548 : f32 to vector<128x128xf32>
    %mul3A_1550 = arith.mulf %mul3A_1549, %slice3A_1540 : vector<128x128xf32>
    %select_n3A_1551 = arith.select %eq3A_1547, %mul3A_1550, %slice3A_1540 : vector<128x128xi1>, vector<128x128xf32>
    %add3A_1552 = arith.addf %add3A_1539, %select_n3A_1551 : vector<128x128xf32>
    %slice3A_1553 = vector.extract_strided_slice %get3A_1 {offsets = [0, 15232], sizes = [128, 128], strides = [1, 1]} : vector<128x32000xf32> to vector<128x128xf32>
    %iota3A_1554 = tpu.iota {dimensions = array<i32: 1>} : vector<128x128xi32>
    %add3A_1555 = arith.constant 15232 : i32
    %add3A_1556 = vector.broadcast %add3A_1555 : i32 to vector<128x128xi32>
    %add3A_1557 = arith.addi %add3A_1556, %iota3A_1554 : vector<128x128xi32>
    %broadcast_in_dim3A_1558 = vector.shape_cast %get3A_5 : vector<128xi32> to vector<128x1xi32>
    %eq3A_1559 = vector.broadcast %broadcast_in_dim3A_1558 : vector<128x1xi32> to vector<128x128xi32>
    %eq3A_1560 = arith.cmpi eq, %add3A_1557, %eq3A_1559 : vector<128x128xi32>
    %mul3A_1561 = arith.constant 2.879820e+05 : f32
    %mul3A_1562 = vector.broadcast %mul3A_1561 : f32 to vector<128x128xf32>
    %mul3A_1563 = arith.mulf %mul3A_1562, %slice3A_1553 : vector<128x128xf32>
    %select_n3A_1564 = arith.select %eq3A_1560, %mul3A_1563, %slice3A_1553 : vector<128x128xi1>, vector<128x128xf32>
    %add3A_1565 = arith.addf %add3A_1552, %select_n3A_1564 : vector<128x128xf32>
    %slice3A_1566 = vector.extract_strided_slice %get3A_1 {offsets = [0, 15360], sizes = [128, 128], strides = [1, 1]} : vector<128x32000xf32> to vector<128x128xf32>
    %iota3A_1567 = tpu.iota {dimensions = array<i32: 1>} : vector<128x128xi32>
    %add3A_1568 = arith.constant 15360 : i32
    %add3A_1569 = vector.broadcast %add3A_1568 : i32 to vector<128x128xi32>
    %add3A_1570 = arith.addi %add3A_1569, %iota3A_1567 : vector<128x128xi32>
    %broadcast_in_dim3A_1571 = vector.shape_cast %get3A_5 : vector<128xi32> to vector<128x1xi32>
    %eq3A_1572 = vector.broadcast %broadcast_in_dim3A_1571 : vector<128x1xi32> to vector<128x128xi32>
    %eq3A_1573 = arith.cmpi eq, %add3A_1570, %eq3A_1572 : vector<128x128xi32>
    %mul3A_1574 = arith.constant 2.879820e+05 : f32
    %mul3A_1575 = vector.broadcast %mul3A_1574 : f32 to vector<128x128xf32>
    %mul3A_1576 = arith.mulf %mul3A_1575, %slice3A_1566 : vector<128x128xf32>
    %select_n3A_1577 = arith.select %eq3A_1573, %mul3A_1576, %slice3A_1566 : vector<128x128xi1>, vector<128x128xf32>
    %add3A_1578 = arith.addf %add3A_1565, %select_n3A_1577 : vector<128x128xf32>
    %slice3A_1579 = vector.extract_strided_slice %get3A_1 {offsets = [0, 15488], sizes = [128, 128], strides = [1, 1]} : vector<128x32000xf32> to vector<128x128xf32>
    %iota3A_1580 = tpu.iota {dimensions = array<i32: 1>} : vector<128x128xi32>
    %add3A_1581 = arith.constant 15488 : i32
    %add3A_1582 = vector.broadcast %add3A_1581 : i32 to vector<128x128xi32>
    %add3A_1583 = arith.addi %add3A_1582, %iota3A_1580 : vector<128x128xi32>
    %broadcast_in_dim3A_1584 = vector.shape_cast %get3A_5 : vector<128xi32> to vector<128x1xi32>
    %eq3A_1585 = vector.broadcast %broadcast_in_dim3A_1584 : vector<128x1xi32> to vector<128x128xi32>
    %eq3A_1586 = arith.cmpi eq, %add3A_1583, %eq3A_1585 : vector<128x128xi32>
    %mul3A_1587 = arith.constant 2.879820e+05 : f32
    %mul3A_1588 = vector.broadcast %mul3A_1587 : f32 to vector<128x128xf32>
    %mul3A_1589 = arith.mulf %mul3A_1588, %slice3A_1579 : vector<128x128xf32>
    %select_n3A_1590 = arith.select %eq3A_1586, %mul3A_1589, %slice3A_1579 : vector<128x128xi1>, vector<128x128xf32>
    %add3A_1591 = arith.addf %add3A_1578, %select_n3A_1590 : vector<128x128xf32>
    %slice3A_1592 = vector.extract_strided_slice %get3A_1 {offsets = [0, 15616], sizes = [128, 128], strides = [1, 1]} : vector<128x32000xf32> to vector<128x128xf32>
    %iota3A_1593 = tpu.iota {dimensions = array<i32: 1>} : vector<128x128xi32>
    %add3A_1594 = arith.constant 15616 : i32
    %add3A_1595 = vector.broadcast %add3A_1594 : i32 to vector<128x128xi32>
    %add3A_1596 = arith.addi %add3A_1595, %iota3A_1593 : vector<128x128xi32>
    %broadcast_in_dim3A_1597 = vector.shape_cast %get3A_5 : vector<128xi32> to vector<128x1xi32>
    %eq3A_1598 = vector.broadcast %broadcast_in_dim3A_1597 : vector<128x1xi32> to vector<128x128xi32>
    %eq3A_1599 = arith.cmpi eq, %add3A_1596, %eq3A_1598 : vector<128x128xi32>
    %mul3A_1600 = arith.constant 2.879820e+05 : f32
    %mul3A_1601 = vector.broadcast %mul3A_1600 : f32 to vector<128x128xf32>
    %mul3A_1602 = arith.mulf %mul3A_1601, %slice3A_1592 : vector<128x128xf32>
    %select_n3A_1603 = arith.select %eq3A_1599, %mul3A_1602, %slice3A_1592 : vector<128x128xi1>, vector<128x128xf32>
    %add3A_1604 = arith.addf %add3A_1591, %select_n3A_1603 : vector<128x128xf32>
    %slice3A_1605 = vector.extract_strided_slice %get3A_1 {offsets = [0, 15744], sizes = [128, 128], strides = [1, 1]} : vector<128x32000xf32> to vector<128x128xf32>
    %iota3A_1606 = tpu.iota {dimensions = array<i32: 1>} : vector<128x128xi32>
    %add3A_1607 = arith.constant 15744 : i32
    %add3A_1608 = vector.broadcast %add3A_1607 : i32 to vector<128x128xi32>
    %add3A_1609 = arith.addi %add3A_1608, %iota3A_1606 : vector<128x128xi32>
    %broadcast_in_dim3A_1610 = vector.shape_cast %get3A_5 : vector<128xi32> to vector<128x1xi32>
    %eq3A_1611 = vector.broadcast %broadcast_in_dim3A_1610 : vector<128x1xi32> to vector<128x128xi32>
    %eq3A_1612 = arith.cmpi eq, %add3A_1609, %eq3A_1611 : vector<128x128xi32>
    %mul3A_1613 = arith.constant 2.879820e+05 : f32
    %mul3A_1614 = vector.broadcast %mul3A_1613 : f32 to vector<128x128xf32>
    %mul3A_1615 = arith.mulf %mul3A_1614, %slice3A_1605 : vector<128x128xf32>
    %select_n3A_1616 = arith.select %eq3A_1612, %mul3A_1615, %slice3A_1605 : vector<128x128xi1>, vector<128x128xf32>
    %add3A_1617 = arith.addf %add3A_1604, %select_n3A_1616 : vector<128x128xf32>
    %slice3A_1618 = vector.extract_strided_slice %get3A_1 {offsets = [0, 15872], sizes = [128, 128], strides = [1, 1]} : vector<128x32000xf32> to vector<128x128xf32>
    %iota3A_1619 = tpu.iota {dimensions = array<i32: 1>} : vector<128x128xi32>
    %add3A_1620 = arith.constant 15872 : i32
    %add3A_1621 = vector.broadcast %add3A_1620 : i32 to vector<128x128xi32>
    %add3A_1622 = arith.addi %add3A_1621, %iota3A_1619 : vector<128x128xi32>
    %broadcast_in_dim3A_1623 = vector.shape_cast %get3A_5 : vector<128xi32> to vector<128x1xi32>
    %eq3A_1624 = vector.broadcast %broadcast_in_dim3A_1623 : vector<128x1xi32> to vector<128x128xi32>
    %eq3A_1625 = arith.cmpi eq, %add3A_1622, %eq3A_1624 : vector<128x128xi32>
    %mul3A_1626 = arith.constant 2.879820e+05 : f32
    %mul3A_1627 = vector.broadcast %mul3A_1626 : f32 to vector<128x128xf32>
    %mul3A_1628 = arith.mulf %mul3A_1627, %slice3A_1618 : vector<128x128xf32>
    %select_n3A_1629 = arith.select %eq3A_1625, %mul3A_1628, %slice3A_1618 : vector<128x128xi1>, vector<128x128xf32>
    %add3A_1630 = arith.addf %add3A_1617, %select_n3A_1629 : vector<128x128xf32>
    %slice3A_1631 = vector.extract_strided_slice %get3A_1 {offsets = [0, 16000], sizes = [128, 128], strides = [1, 1]} : vector<128x32000xf32> to vector<128x128xf32>
    %iota3A_1632 = tpu.iota {dimensions = array<i32: 1>} : vector<128x128xi32>
    %add3A_1633 = arith.constant 16000 : i32
    %add3A_1634 = vector.broadcast %add3A_1633 : i32 to vector<128x128xi32>
    %add3A_1635 = arith.addi %add3A_1634, %iota3A_1632 : vector<128x128xi32>
    %broadcast_in_dim3A_1636 = vector.shape_cast %get3A_5 : vector<128xi32> to vector<128x1xi32>
    %eq3A_1637 = vector.broadcast %broadcast_in_dim3A_1636 : vector<128x1xi32> to vector<128x128xi32>
    %eq3A_1638 = arith.cmpi eq, %add3A_1635, %eq3A_1637 : vector<128x128xi32>
    %mul3A_1639 = arith.constant 2.879820e+05 : f32
    %mul3A_1640 = vector.broadcast %mul3A_1639 : f32 to vector<128x128xf32>
    %mul3A_1641 = arith.mulf %mul3A_1640, %slice3A_1631 : vector<128x128xf32>
    %select_n3A_1642 = arith.select %eq3A_1638, %mul3A_1641, %slice3A_1631 : vector<128x128xi1>, vector<128x128xf32>
    %add3A_1643 = arith.addf %add3A_1630, %select_n3A_1642 : vector<128x128xf32>
    %slice3A_1644 = vector.extract_strided_slice %get3A_1 {offsets = [0, 16128], sizes = [128, 128], strides = [1, 1]} : vector<128x32000xf32> to vector<128x128xf32>
    %iota3A_1645 = tpu.iota {dimensions = array<i32: 1>} : vector<128x128xi32>
    %add3A_1646 = arith.constant 16128 : i32
    %add3A_1647 = vector.broadcast %add3A_1646 : i32 to vector<128x128xi32>
    %add3A_1648 = arith.addi %add3A_1647, %iota3A_1645 : vector<128x128xi32>
    %broadcast_in_dim3A_1649 = vector.shape_cast %get3A_5 : vector<128xi32> to vector<128x1xi32>
    %eq3A_1650 = vector.broadcast %broadcast_in_dim3A_1649 : vector<128x1xi32> to vector<128x128xi32>
    %eq3A_1651 = arith.cmpi eq, %add3A_1648, %eq3A_1650 : vector<128x128xi32>
    %mul3A_1652 = arith.constant 2.879820e+05 : f32
    %mul3A_1653 = vector.broadcast %mul3A_1652 : f32 to vector<128x128xf32>
    %mul3A_1654 = arith.mulf %mul3A_1653, %slice3A_1644 : vector<128x128xf32>
    %select_n3A_1655 = arith.select %eq3A_1651, %mul3A_1654, %slice3A_1644 : vector<128x128xi1>, vector<128x128xf32>
    %add3A_1656 = arith.addf %add3A_1643, %select_n3A_1655 : vector<128x128xf32>
    %slice3A_1657 = vector.extract_strided_slice %get3A_1 {offsets = [0, 16256], sizes = [128, 128], strides = [1, 1]} : vector<128x32000xf32> to vector<128x128xf32>
    %iota3A_1658 = tpu.iota {dimensions = array<i32: 1>} : vector<128x128xi32>
    %add3A_1659 = arith.constant 16256 : i32
    %add3A_1660 = vector.broadcast %add3A_1659 : i32 to vector<128x128xi32>
    %add3A_1661 = arith.addi %add3A_1660, %iota3A_1658 : vector<128x128xi32>
    %broadcast_in_dim3A_1662 = vector.shape_cast %get3A_5 : vector<128xi32> to vector<128x1xi32>
    %eq3A_1663 = vector.broadcast %broadcast_in_dim3A_1662 : vector<128x1xi32> to vector<128x128xi32>
    %eq3A_1664 = arith.cmpi eq, %add3A_1661, %eq3A_1663 : vector<128x128xi32>
    %mul3A_1665 = arith.constant 2.879820e+05 : f32
    %mul3A_1666 = vector.broadcast %mul3A_1665 : f32 to vector<128x128xf32>
    %mul3A_1667 = arith.mulf %mul3A_1666, %slice3A_1657 : vector<128x128xf32>
    %select_n3A_1668 = arith.select %eq3A_1664, %mul3A_1667, %slice3A_1657 : vector<128x128xi1>, vector<128x128xf32>
    %add3A_1669 = arith.addf %add3A_1656, %select_n3A_1668 : vector<128x128xf32>
    %slice3A_1670 = vector.extract_strided_slice %get3A_1 {offsets = [0, 16384], sizes = [128, 128], strides = [1, 1]} : vector<128x32000xf32> to vector<128x128xf32>
    %iota3A_1671 = tpu.iota {dimensions = array<i32: 1>} : vector<128x128xi32>
    %add3A_1672 = arith.constant 16384 : i32
    %add3A_1673 = vector.broadcast %add3A_1672 : i32 to vector<128x128xi32>
    %add3A_1674 = arith.addi %add3A_1673, %iota3A_1671 : vector<128x128xi32>
    %broadcast_in_dim3A_1675 = vector.shape_cast %get3A_5 : vector<128xi32> to vector<128x1xi32>
    %eq3A_1676 = vector.broadcast %broadcast_in_dim3A_1675 : vector<128x1xi32> to vector<128x128xi32>
    %eq3A_1677 = arith.cmpi eq, %add3A_1674, %eq3A_1676 : vector<128x128xi32>
    %mul3A_1678 = arith.constant 2.879820e+05 : f32
    %mul3A_1679 = vector.broadcast %mul3A_1678 : f32 to vector<128x128xf32>
    %mul3A_1680 = arith.mulf %mul3A_1679, %slice3A_1670 : vector<128x128xf32>
    %select_n3A_1681 = arith.select %eq3A_1677, %mul3A_1680, %slice3A_1670 : vector<128x128xi1>, vector<128x128xf32>
    %add3A_1682 = arith.addf %add3A_1669, %select_n3A_1681 : vector<128x128xf32>
    %slice3A_1683 = vector.extract_strided_slice %get3A_1 {offsets = [0, 16512], sizes = [128, 128], strides = [1, 1]} : vector<128x32000xf32> to vector<128x128xf32>
    %iota3A_1684 = tpu.iota {dimensions = array<i32: 1>} : vector<128x128xi32>
    %add3A_1685 = arith.constant 16512 : i32
    %add3A_1686 = vector.broadcast %add3A_1685 : i32 to vector<128x128xi32>
    %add3A_1687 = arith.addi %add3A_1686, %iota3A_1684 : vector<128x128xi32>
    %broadcast_in_dim3A_1688 = vector.shape_cast %get3A_5 : vector<128xi32> to vector<128x1xi32>
    %eq3A_1689 = vector.broadcast %broadcast_in_dim3A_1688 : vector<128x1xi32> to vector<128x128xi32>
    %eq3A_1690 = arith.cmpi eq, %add3A_1687, %eq3A_1689 : vector<128x128xi32>
    %mul3A_1691 = arith.constant 2.879820e+05 : f32
    %mul3A_1692 = vector.broadcast %mul3A_1691 : f32 to vector<128x128xf32>
    %mul3A_1693 = arith.mulf %mul3A_1692, %slice3A_1683 : vector<128x128xf32>
    %select_n3A_1694 = arith.select %eq3A_1690, %mul3A_1693, %slice3A_1683 : vector<128x128xi1>, vector<128x128xf32>
    %add3A_1695 = arith.addf %add3A_1682, %select_n3A_1694 : vector<128x128xf32>
    %slice3A_1696 = vector.extract_strided_slice %get3A_1 {offsets = [0, 16640], sizes = [128, 128], strides = [1, 1]} : vector<128x32000xf32> to vector<128x128xf32>
    %iota3A_1697 = tpu.iota {dimensions = array<i32: 1>} : vector<128x128xi32>
    %add3A_1698 = arith.constant 16640 : i32
    %add3A_1699 = vector.broadcast %add3A_1698 : i32 to vector<128x128xi32>
    %add3A_1700 = arith.addi %add3A_1699, %iota3A_1697 : vector<128x128xi32>
    %broadcast_in_dim3A_1701 = vector.shape_cast %get3A_5 : vector<128xi32> to vector<128x1xi32>
    %eq3A_1702 = vector.broadcast %broadcast_in_dim3A_1701 : vector<128x1xi32> to vector<128x128xi32>
    %eq3A_1703 = arith.cmpi eq, %add3A_1700, %eq3A_1702 : vector<128x128xi32>
    %mul3A_1704 = arith.constant 2.879820e+05 : f32
    %mul3A_1705 = vector.broadcast %mul3A_1704 : f32 to vector<128x128xf32>
    %mul3A_1706 = arith.mulf %mul3A_1705, %slice3A_1696 : vector<128x128xf32>
    %select_n3A_1707 = arith.select %eq3A_1703, %mul3A_1706, %slice3A_1696 : vector<128x128xi1>, vector<128x128xf32>
    %add3A_1708 = arith.addf %add3A_1695, %select_n3A_1707 : vector<128x128xf32>
    %slice3A_1709 = vector.extract_strided_slice %get3A_1 {offsets = [0, 16768], sizes = [128, 128], strides = [1, 1]} : vector<128x32000xf32> to vector<128x128xf32>
    %iota3A_1710 = tpu.iota {dimensions = array<i32: 1>} : vector<128x128xi32>
    %add3A_1711 = arith.constant 16768 : i32
    %add3A_1712 = vector.broadcast %add3A_1711 : i32 to vector<128x128xi32>
    %add3A_1713 = arith.addi %add3A_1712, %iota3A_1710 : vector<128x128xi32>
    %broadcast_in_dim3A_1714 = vector.shape_cast %get3A_5 : vector<128xi32> to vector<128x1xi32>
    %eq3A_1715 = vector.broadcast %broadcast_in_dim3A_1714 : vector<128x1xi32> to vector<128x128xi32>
    %eq3A_1716 = arith.cmpi eq, %add3A_1713, %eq3A_1715 : vector<128x128xi32>
    %mul3A_1717 = arith.constant 2.879820e+05 : f32
    %mul3A_1718 = vector.broadcast %mul3A_1717 : f32 to vector<128x128xf32>
    %mul3A_1719 = arith.mulf %mul3A_1718, %slice3A_1709 : vector<128x128xf32>
    %select_n3A_1720 = arith.select %eq3A_1716, %mul3A_1719, %slice3A_1709 : vector<128x128xi1>, vector<128x128xf32>
    %add3A_1721 = arith.addf %add3A_1708, %select_n3A_1720 : vector<128x128xf32>
    %slice3A_1722 = vector.extract_strided_slice %get3A_1 {offsets = [0, 16896], sizes = [128, 128], strides = [1, 1]} : vector<128x32000xf32> to vector<128x128xf32>
    %iota3A_1723 = tpu.iota {dimensions = array<i32: 1>} : vector<128x128xi32>
    %add3A_1724 = arith.constant 16896 : i32
    %add3A_1725 = vector.broadcast %add3A_1724 : i32 to vector<128x128xi32>
    %add3A_1726 = arith.addi %add3A_1725, %iota3A_1723 : vector<128x128xi32>
    %broadcast_in_dim3A_1727 = vector.shape_cast %get3A_5 : vector<128xi32> to vector<128x1xi32>
    %eq3A_1728 = vector.broadcast %broadcast_in_dim3A_1727 : vector<128x1xi32> to vector<128x128xi32>
    %eq3A_1729 = arith.cmpi eq, %add3A_1726, %eq3A_1728 : vector<128x128xi32>
    %mul3A_1730 = arith.constant 2.879820e+05 : f32
    %mul3A_1731 = vector.broadcast %mul3A_1730 : f32 to vector<128x128xf32>
    %mul3A_1732 = arith.mulf %mul3A_1731, %slice3A_1722 : vector<128x128xf32>
    %select_n3A_1733 = arith.select %eq3A_1729, %mul3A_1732, %slice3A_1722 : vector<128x128xi1>, vector<128x128xf32>
    %add3A_1734 = arith.addf %add3A_1721, %select_n3A_1733 : vector<128x128xf32>
    %slice3A_1735 = vector.extract_strided_slice %get3A_1 {offsets = [0, 17024], sizes = [128, 128], strides = [1, 1]} : vector<128x32000xf32> to vector<128x128xf32>
    %iota3A_1736 = tpu.iota {dimensions = array<i32: 1>} : vector<128x128xi32>
    %add3A_1737 = arith.constant 17024 : i32
    %add3A_1738 = vector.broadcast %add3A_1737 : i32 to vector<128x128xi32>
    %add3A_1739 = arith.addi %add3A_1738, %iota3A_1736 : vector<128x128xi32>
    %broadcast_in_dim3A_1740 = vector.shape_cast %get3A_5 : vector<128xi32> to vector<128x1xi32>
    %eq3A_1741 = vector.broadcast %broadcast_in_dim3A_1740 : vector<128x1xi32> to vector<128x128xi32>
    %eq3A_1742 = arith.cmpi eq, %add3A_1739, %eq3A_1741 : vector<128x128xi32>
    %mul3A_1743 = arith.constant 2.879820e+05 : f32
    %mul3A_1744 = vector.broadcast %mul3A_1743 : f32 to vector<128x128xf32>
    %mul3A_1745 = arith.mulf %mul3A_1744, %slice3A_1735 : vector<128x128xf32>
    %select_n3A_1746 = arith.select %eq3A_1742, %mul3A_1745, %slice3A_1735 : vector<128x128xi1>, vector<128x128xf32>
    %add3A_1747 = arith.addf %add3A_1734, %select_n3A_1746 : vector<128x128xf32>
    %slice3A_1748 = vector.extract_strided_slice %get3A_1 {offsets = [0, 17152], sizes = [128, 128], strides = [1, 1]} : vector<128x32000xf32> to vector<128x128xf32>
    %iota3A_1749 = tpu.iota {dimensions = array<i32: 1>} : vector<128x128xi32>
    %add3A_1750 = arith.constant 17152 : i32
    %add3A_1751 = vector.broadcast %add3A_1750 : i32 to vector<128x128xi32>
    %add3A_1752 = arith.addi %add3A_1751, %iota3A_1749 : vector<128x128xi32>
    %broadcast_in_dim3A_1753 = vector.shape_cast %get3A_5 : vector<128xi32> to vector<128x1xi32>
    %eq3A_1754 = vector.broadcast %broadcast_in_dim3A_1753 : vector<128x1xi32> to vector<128x128xi32>
    %eq3A_1755 = arith.cmpi eq, %add3A_1752, %eq3A_1754 : vector<128x128xi32>
    %mul3A_1756 = arith.constant 2.879820e+05 : f32
    %mul3A_1757 = vector.broadcast %mul3A_1756 : f32 to vector<128x128xf32>
    %mul3A_1758 = arith.mulf %mul3A_1757, %slice3A_1748 : vector<128x128xf32>
    %select_n3A_1759 = arith.select %eq3A_1755, %mul3A_1758, %slice3A_1748 : vector<128x128xi1>, vector<128x128xf32>
    %add3A_1760 = arith.addf %add3A_1747, %select_n3A_1759 : vector<128x128xf32>
    %slice3A_1761 = vector.extract_strided_slice %get3A_1 {offsets = [0, 17280], sizes = [128, 128], strides = [1, 1]} : vector<128x32000xf32> to vector<128x128xf32>
    %iota3A_1762 = tpu.iota {dimensions = array<i32: 1>} : vector<128x128xi32>
    %add3A_1763 = arith.constant 17280 : i32
    %add3A_1764 = vector.broadcast %add3A_1763 : i32 to vector<128x128xi32>
    %add3A_1765 = arith.addi %add3A_1764, %iota3A_1762 : vector<128x128xi32>
    %broadcast_in_dim3A_1766 = vector.shape_cast %get3A_5 : vector<128xi32> to vector<128x1xi32>
    %eq3A_1767 = vector.broadcast %broadcast_in_dim3A_1766 : vector<128x1xi32> to vector<128x128xi32>
    %eq3A_1768 = arith.cmpi eq, %add3A_1765, %eq3A_1767 : vector<128x128xi32>
    %mul3A_1769 = arith.constant 2.879820e+05 : f32
    %mul3A_1770 = vector.broadcast %mul3A_1769 : f32 to vector<128x128xf32>
    %mul3A_1771 = arith.mulf %mul3A_1770, %slice3A_1761 : vector<128x128xf32>
    %select_n3A_1772 = arith.select %eq3A_1768, %mul3A_1771, %slice3A_1761 : vector<128x128xi1>, vector<128x128xf32>
    %add3A_1773 = arith.addf %add3A_1760, %select_n3A_1772 : vector<128x128xf32>
    %slice3A_1774 = vector.extract_strided_slice %get3A_1 {offsets = [0, 17408], sizes = [128, 128], strides = [1, 1]} : vector<128x32000xf32> to vector<128x128xf32>
    %iota3A_1775 = tpu.iota {dimensions = array<i32: 1>} : vector<128x128xi32>
    %add3A_1776 = arith.constant 17408 : i32
    %add3A_1777 = vector.broadcast %add3A_1776 : i32 to vector<128x128xi32>
    %add3A_1778 = arith.addi %add3A_1777, %iota3A_1775 : vector<128x128xi32>
    %broadcast_in_dim3A_1779 = vector.shape_cast %get3A_5 : vector<128xi32> to vector<128x1xi32>
    %eq3A_1780 = vector.broadcast %broadcast_in_dim3A_1779 : vector<128x1xi32> to vector<128x128xi32>
    %eq3A_1781 = arith.cmpi eq, %add3A_1778, %eq3A_1780 : vector<128x128xi32>
    %mul3A_1782 = arith.constant 2.879820e+05 : f32
    %mul3A_1783 = vector.broadcast %mul3A_1782 : f32 to vector<128x128xf32>
    %mul3A_1784 = arith.mulf %mul3A_1783, %slice3A_1774 : vector<128x128xf32>
    %select_n3A_1785 = arith.select %eq3A_1781, %mul3A_1784, %slice3A_1774 : vector<128x128xi1>, vector<128x128xf32>
    %add3A_1786 = arith.addf %add3A_1773, %select_n3A_1785 : vector<128x128xf32>
    %slice3A_1787 = vector.extract_strided_slice %get3A_1 {offsets = [0, 17536], sizes = [128, 128], strides = [1, 1]} : vector<128x32000xf32> to vector<128x128xf32>
    %iota3A_1788 = tpu.iota {dimensions = array<i32: 1>} : vector<128x128xi32>
    %add3A_1789 = arith.constant 17536 : i32
    %add3A_1790 = vector.broadcast %add3A_1789 : i32 to vector<128x128xi32>
    %add3A_1791 = arith.addi %add3A_1790, %iota3A_1788 : vector<128x128xi32>
    %broadcast_in_dim3A_1792 = vector.shape_cast %get3A_5 : vector<128xi32> to vector<128x1xi32>
    %eq3A_1793 = vector.broadcast %broadcast_in_dim3A_1792 : vector<128x1xi32> to vector<128x128xi32>
    %eq3A_1794 = arith.cmpi eq, %add3A_1791, %eq3A_1793 : vector<128x128xi32>
    %mul3A_1795 = arith.constant 2.879820e+05 : f32
    %mul3A_1796 = vector.broadcast %mul3A_1795 : f32 to vector<128x128xf32>
    %mul3A_1797 = arith.mulf %mul3A_1796, %slice3A_1787 : vector<128x128xf32>
    %select_n3A_1798 = arith.select %eq3A_1794, %mul3A_1797, %slice3A_1787 : vector<128x128xi1>, vector<128x128xf32>
    %add3A_1799 = arith.addf %add3A_1786, %select_n3A_1798 : vector<128x128xf32>
    %slice3A_1800 = vector.extract_strided_slice %get3A_1 {offsets = [0, 17664], sizes = [128, 128], strides = [1, 1]} : vector<128x32000xf32> to vector<128x128xf32>
    %iota3A_1801 = tpu.iota {dimensions = array<i32: 1>} : vector<128x128xi32>
    %add3A_1802 = arith.constant 17664 : i32
    %add3A_1803 = vector.broadcast %add3A_1802 : i32 to vector<128x128xi32>
    %add3A_1804 = arith.addi %add3A_1803, %iota3A_1801 : vector<128x128xi32>
    %broadcast_in_dim3A_1805 = vector.shape_cast %get3A_5 : vector<128xi32> to vector<128x1xi32>
    %eq3A_1806 = vector.broadcast %broadcast_in_dim3A_1805 : vector<128x1xi32> to vector<128x128xi32>
    %eq3A_1807 = arith.cmpi eq, %add3A_1804, %eq3A_1806 : vector<128x128xi32>
    %mul3A_1808 = arith.constant 2.879820e+05 : f32
    %mul3A_1809 = vector.broadcast %mul3A_1808 : f32 to vector<128x128xf32>
    %mul3A_1810 = arith.mulf %mul3A_1809, %slice3A_1800 : vector<128x128xf32>
    %select_n3A_1811 = arith.select %eq3A_1807, %mul3A_1810, %slice3A_1800 : vector<128x128xi1>, vector<128x128xf32>
    %add3A_1812 = arith.addf %add3A_1799, %select_n3A_1811 : vector<128x128xf32>
    %slice3A_1813 = vector.extract_strided_slice %get3A_1 {offsets = [0, 17792], sizes = [128, 128], strides = [1, 1]} : vector<128x32000xf32> to vector<128x128xf32>
    %iota3A_1814 = tpu.iota {dimensions = array<i32: 1>} : vector<128x128xi32>
    %add3A_1815 = arith.constant 17792 : i32
    %add3A_1816 = vector.broadcast %add3A_1815 : i32 to vector<128x128xi32>
    %add3A_1817 = arith.addi %add3A_1816, %iota3A_1814 : vector<128x128xi32>
    %broadcast_in_dim3A_1818 = vector.shape_cast %get3A_5 : vector<128xi32> to vector<128x1xi32>
    %eq3A_1819 = vector.broadcast %broadcast_in_dim3A_1818 : vector<128x1xi32> to vector<128x128xi32>
    %eq3A_1820 = arith.cmpi eq, %add3A_1817, %eq3A_1819 : vector<128x128xi32>
    %mul3A_1821 = arith.constant 2.879820e+05 : f32
    %mul3A_1822 = vector.broadcast %mul3A_1821 : f32 to vector<128x128xf32>
    %mul3A_1823 = arith.mulf %mul3A_1822, %slice3A_1813 : vector<128x128xf32>
    %select_n3A_1824 = arith.select %eq3A_1820, %mul3A_1823, %slice3A_1813 : vector<128x128xi1>, vector<128x128xf32>
    %add3A_1825 = arith.addf %add3A_1812, %select_n3A_1824 : vector<128x128xf32>
    %slice3A_1826 = vector.extract_strided_slice %get3A_1 {offsets = [0, 17920], sizes = [128, 128], strides = [1, 1]} : vector<128x32000xf32> to vector<128x128xf32>
    %iota3A_1827 = tpu.iota {dimensions = array<i32: 1>} : vector<128x128xi32>
    %add3A_1828 = arith.constant 17920 : i32
    %add3A_1829 = vector.broadcast %add3A_1828 : i32 to vector<128x128xi32>
    %add3A_1830 = arith.addi %add3A_1829, %iota3A_1827 : vector<128x128xi32>
    %broadcast_in_dim3A_1831 = vector.shape_cast %get3A_5 : vector<128xi32> to vector<128x1xi32>
    %eq3A_1832 = vector.broadcast %broadcast_in_dim3A_1831 : vector<128x1xi32> to vector<128x128xi32>
    %eq3A_1833 = arith.cmpi eq, %add3A_1830, %eq3A_1832 : vector<128x128xi32>
    %mul3A_1834 = arith.constant 2.879820e+05 : f32
    %mul3A_1835 = vector.broadcast %mul3A_1834 : f32 to vector<128x128xf32>
    %mul3A_1836 = arith.mulf %mul3A_1835, %slice3A_1826 : vector<128x128xf32>
    %select_n3A_1837 = arith.select %eq3A_1833, %mul3A_1836, %slice3A_1826 : vector<128x128xi1>, vector<128x128xf32>
    %add3A_1838 = arith.addf %add3A_1825, %select_n3A_1837 : vector<128x128xf32>
    %slice3A_1839 = vector.extract_strided_slice %get3A_1 {offsets = [0, 18048], sizes = [128, 128], strides = [1, 1]} : vector<128x32000xf32> to vector<128x128xf32>
    %iota3A_1840 = tpu.iota {dimensions = array<i32: 1>} : vector<128x128xi32>
    %add3A_1841 = arith.constant 18048 : i32
    %add3A_1842 = vector.broadcast %add3A_1841 : i32 to vector<128x128xi32>
    %add3A_1843 = arith.addi %add3A_1842, %iota3A_1840 : vector<128x128xi32>
    %broadcast_in_dim3A_1844 = vector.shape_cast %get3A_5 : vector<128xi32> to vector<128x1xi32>
    %eq3A_1845 = vector.broadcast %broadcast_in_dim3A_1844 : vector<128x1xi32> to vector<128x128xi32>
    %eq3A_1846 = arith.cmpi eq, %add3A_1843, %eq3A_1845 : vector<128x128xi32>
    %mul3A_1847 = arith.constant 2.879820e+05 : f32
    %mul3A_1848 = vector.broadcast %mul3A_1847 : f32 to vector<128x128xf32>
    %mul3A_1849 = arith.mulf %mul3A_1848, %slice3A_1839 : vector<128x128xf32>
    %select_n3A_1850 = arith.select %eq3A_1846, %mul3A_1849, %slice3A_1839 : vector<128x128xi1>, vector<128x128xf32>
    %add3A_1851 = arith.addf %add3A_1838, %select_n3A_1850 : vector<128x128xf32>
    %slice3A_1852 = vector.extract_strided_slice %get3A_1 {offsets = [0, 18176], sizes = [128, 128], strides = [1, 1]} : vector<128x32000xf32> to vector<128x128xf32>
    %iota3A_1853 = tpu.iota {dimensions = array<i32: 1>} : vector<128x128xi32>
    %add3A_1854 = arith.constant 18176 : i32
    %add3A_1855 = vector.broadcast %add3A_1854 : i32 to vector<128x128xi32>
    %add3A_1856 = arith.addi %add3A_1855, %iota3A_1853 : vector<128x128xi32>
    %broadcast_in_dim3A_1857 = vector.shape_cast %get3A_5 : vector<128xi32> to vector<128x1xi32>
    %eq3A_1858 = vector.broadcast %broadcast_in_dim3A_1857 : vector<128x1xi32> to vector<128x128xi32>
    %eq3A_1859 = arith.cmpi eq, %add3A_1856, %eq3A_1858 : vector<128x128xi32>
    %mul3A_1860 = arith.constant 2.879820e+05 : f32
    %mul3A_1861 = vector.broadcast %mul3A_1860 : f32 to vector<128x128xf32>
    %mul3A_1862 = arith.mulf %mul3A_1861, %slice3A_1852 : vector<128x128xf32>
    %select_n3A_1863 = arith.select %eq3A_1859, %mul3A_1862, %slice3A_1852 : vector<128x128xi1>, vector<128x128xf32>
    %add3A_1864 = arith.addf %add3A_1851, %select_n3A_1863 : vector<128x128xf32>
    %slice3A_1865 = vector.extract_strided_slice %get3A_1 {offsets = [0, 18304], sizes = [128, 128], strides = [1, 1]} : vector<128x32000xf32> to vector<128x128xf32>
    %iota3A_1866 = tpu.iota {dimensions = array<i32: 1>} : vector<128x128xi32>
    %add3A_1867 = arith.constant 18304 : i32
    %add3A_1868 = vector.broadcast %add3A_1867 : i32 to vector<128x128xi32>
    %add3A_1869 = arith.addi %add3A_1868, %iota3A_1866 : vector<128x128xi32>
    %broadcast_in_dim3A_1870 = vector.shape_cast %get3A_5 : vector<128xi32> to vector<128x1xi32>
    %eq3A_1871 = vector.broadcast %broadcast_in_dim3A_1870 : vector<128x1xi32> to vector<128x128xi32>
    %eq3A_1872 = arith.cmpi eq, %add3A_1869, %eq3A_1871 : vector<128x128xi32>
    %mul3A_1873 = arith.constant 2.879820e+05 : f32
    %mul3A_1874 = vector.broadcast %mul3A_1873 : f32 to vector<128x128xf32>
    %mul3A_1875 = arith.mulf %mul3A_1874, %slice3A_1865 : vector<128x128xf32>
    %select_n3A_1876 = arith.select %eq3A_1872, %mul3A_1875, %slice3A_1865 : vector<128x128xi1>, vector<128x128xf32>
    %add3A_1877 = arith.addf %add3A_1864, %select_n3A_1876 : vector<128x128xf32>
    %slice3A_1878 = vector.extract_strided_slice %get3A_1 {offsets = [0, 18432], sizes = [128, 128], strides = [1, 1]} : vector<128x32000xf32> to vector<128x128xf32>
    %iota3A_1879 = tpu.iota {dimensions = array<i32: 1>} : vector<128x128xi32>
    %add3A_1880 = arith.constant 18432 : i32
    %add3A_1881 = vector.broadcast %add3A_1880 : i32 to vector<128x128xi32>
    %add3A_1882 = arith.addi %add3A_1881, %iota3A_1879 : vector<128x128xi32>
    %broadcast_in_dim3A_1883 = vector.shape_cast %get3A_5 : vector<128xi32> to vector<128x1xi32>
    %eq3A_1884 = vector.broadcast %broadcast_in_dim3A_1883 : vector<128x1xi32> to vector<128x128xi32>
    %eq3A_1885 = arith.cmpi eq, %add3A_1882, %eq3A_1884 : vector<128x128xi32>
    %mul3A_1886 = arith.constant 2.879820e+05 : f32
    %mul3A_1887 = vector.broadcast %mul3A_1886 : f32 to vector<128x128xf32>
    %mul3A_1888 = arith.mulf %mul3A_1887, %slice3A_1878 : vector<128x128xf32>
    %select_n3A_1889 = arith.select %eq3A_1885, %mul3A_1888, %slice3A_1878 : vector<128x128xi1>, vector<128x128xf32>
    %add3A_1890 = arith.addf %add3A_1877, %select_n3A_1889 : vector<128x128xf32>
    %slice3A_1891 = vector.extract_strided_slice %get3A_1 {offsets = [0, 18560], sizes = [128, 128], strides = [1, 1]} : vector<128x32000xf32> to vector<128x128xf32>
    %iota3A_1892 = tpu.iota {dimensions = array<i32: 1>} : vector<128x128xi32>
    %add3A_1893 = arith.constant 18560 : i32
    %add3A_1894 = vector.broadcast %add3A_1893 : i32 to vector<128x128xi32>
    %add3A_1895 = arith.addi %add3A_1894, %iota3A_1892 : vector<128x128xi32>
    %broadcast_in_dim3A_1896 = vector.shape_cast %get3A_5 : vector<128xi32> to vector<128x1xi32>
    %eq3A_1897 = vector.broadcast %broadcast_in_dim3A_1896 : vector<128x1xi32> to vector<128x128xi32>
    %eq3A_1898 = arith.cmpi eq, %add3A_1895, %eq3A_1897 : vector<128x128xi32>
    %mul3A_1899 = arith.constant 2.879820e+05 : f32
    %mul3A_1900 = vector.broadcast %mul3A_1899 : f32 to vector<128x128xf32>
    %mul3A_1901 = arith.mulf %mul3A_1900, %slice3A_1891 : vector<128x128xf32>
    %select_n3A_1902 = arith.select %eq3A_1898, %mul3A_1901, %slice3A_1891 : vector<128x128xi1>, vector<128x128xf32>
    %add3A_1903 = arith.addf %add3A_1890, %select_n3A_1902 : vector<128x128xf32>
    %slice3A_1904 = vector.extract_strided_slice %get3A_1 {offsets = [0, 18688], sizes = [128, 128], strides = [1, 1]} : vector<128x32000xf32> to vector<128x128xf32>
    %iota3A_1905 = tpu.iota {dimensions = array<i32: 1>} : vector<128x128xi32>
    %add3A_1906 = arith.constant 18688 : i32
    %add3A_1907 = vector.broadcast %add3A_1906 : i32 to vector<128x128xi32>
    %add3A_1908 = arith.addi %add3A_1907, %iota3A_1905 : vector<128x128xi32>
    %broadcast_in_dim3A_1909 = vector.shape_cast %get3A_5 : vector<128xi32> to vector<128x1xi32>
    %eq3A_1910 = vector.broadcast %broadcast_in_dim3A_1909 : vector<128x1xi32> to vector<128x128xi32>
    %eq3A_1911 = arith.cmpi eq, %add3A_1908, %eq3A_1910 : vector<128x128xi32>
    %mul3A_1912 = arith.constant 2.879820e+05 : f32
    %mul3A_1913 = vector.broadcast %mul3A_1912 : f32 to vector<128x128xf32>
    %mul3A_1914 = arith.mulf %mul3A_1913, %slice3A_1904 : vector<128x128xf32>
    %select_n3A_1915 = arith.select %eq3A_1911, %mul3A_1914, %slice3A_1904 : vector<128x128xi1>, vector<128x128xf32>
    %add3A_1916 = arith.addf %add3A_1903, %select_n3A_1915 : vector<128x128xf32>
    %slice3A_1917 = vector.extract_strided_slice %get3A_1 {offsets = [0, 18816], sizes = [128, 128], strides = [1, 1]} : vector<128x32000xf32> to vector<128x128xf32>
    %iota3A_1918 = tpu.iota {dimensions = array<i32: 1>} : vector<128x128xi32>
    %add3A_1919 = arith.constant 18816 : i32
    %add3A_1920 = vector.broadcast %add3A_1919 : i32 to vector<128x128xi32>
    %add3A_1921 = arith.addi %add3A_1920, %iota3A_1918 : vector<128x128xi32>
    %broadcast_in_dim3A_1922 = vector.shape_cast %get3A_5 : vector<128xi32> to vector<128x1xi32>
    %eq3A_1923 = vector.broadcast %broadcast_in_dim3A_1922 : vector<128x1xi32> to vector<128x128xi32>
    %eq3A_1924 = arith.cmpi eq, %add3A_1921, %eq3A_1923 : vector<128x128xi32>
    %mul3A_1925 = arith.constant 2.879820e+05 : f32
    %mul3A_1926 = vector.broadcast %mul3A_1925 : f32 to vector<128x128xf32>
    %mul3A_1927 = arith.mulf %mul3A_1926, %slice3A_1917 : vector<128x128xf32>
    %select_n3A_1928 = arith.select %eq3A_1924, %mul3A_1927, %slice3A_1917 : vector<128x128xi1>, vector<128x128xf32>
    %add3A_1929 = arith.addf %add3A_1916, %select_n3A_1928 : vector<128x128xf32>
    %slice3A_1930 = vector.extract_strided_slice %get3A_1 {offsets = [0, 18944], sizes = [128, 128], strides = [1, 1]} : vector<128x32000xf32> to vector<128x128xf32>
    %iota3A_1931 = tpu.iota {dimensions = array<i32: 1>} : vector<128x128xi32>
    %add3A_1932 = arith.constant 18944 : i32
    %add3A_1933 = vector.broadcast %add3A_1932 : i32 to vector<128x128xi32>
    %add3A_1934 = arith.addi %add3A_1933, %iota3A_1931 : vector<128x128xi32>
    %broadcast_in_dim3A_1935 = vector.shape_cast %get3A_5 : vector<128xi32> to vector<128x1xi32>
    %eq3A_1936 = vector.broadcast %broadcast_in_dim3A_1935 : vector<128x1xi32> to vector<128x128xi32>
    %eq3A_1937 = arith.cmpi eq, %add3A_1934, %eq3A_1936 : vector<128x128xi32>
    %mul3A_1938 = arith.constant 2.879820e+05 : f32
    %mul3A_1939 = vector.broadcast %mul3A_1938 : f32 to vector<128x128xf32>
    %mul3A_1940 = arith.mulf %mul3A_1939, %slice3A_1930 : vector<128x128xf32>
    %select_n3A_1941 = arith.select %eq3A_1937, %mul3A_1940, %slice3A_1930 : vector<128x128xi1>, vector<128x128xf32>
    %add3A_1942 = arith.addf %add3A_1929, %select_n3A_1941 : vector<128x128xf32>
    %slice3A_1943 = vector.extract_strided_slice %get3A_1 {offsets = [0, 19072], sizes = [128, 128], strides = [1, 1]} : vector<128x32000xf32> to vector<128x128xf32>
    %iota3A_1944 = tpu.iota {dimensions = array<i32: 1>} : vector<128x128xi32>
    %add3A_1945 = arith.constant 19072 : i32
    %add3A_1946 = vector.broadcast %add3A_1945 : i32 to vector<128x128xi32>
    %add3A_1947 = arith.addi %add3A_1946, %iota3A_1944 : vector<128x128xi32>
    %broadcast_in_dim3A_1948 = vector.shape_cast %get3A_5 : vector<128xi32> to vector<128x1xi32>
    %eq3A_1949 = vector.broadcast %broadcast_in_dim3A_1948 : vector<128x1xi32> to vector<128x128xi32>
    %eq3A_1950 = arith.cmpi eq, %add3A_1947, %eq3A_1949 : vector<128x128xi32>
    %mul3A_1951 = arith.constant 2.879820e+05 : f32
    %mul3A_1952 = vector.broadcast %mul3A_1951 : f32 to vector<128x128xf32>
    %mul3A_1953 = arith.mulf %mul3A_1952, %slice3A_1943 : vector<128x128xf32>
    %select_n3A_1954 = arith.select %eq3A_1950, %mul3A_1953, %slice3A_1943 : vector<128x128xi1>, vector<128x128xf32>
    %add3A_1955 = arith.addf %add3A_1942, %select_n3A_1954 : vector<128x128xf32>
    %slice3A_1956 = vector.extract_strided_slice %get3A_1 {offsets = [0, 19200], sizes = [128, 128], strides = [1, 1]} : vector<128x32000xf32> to vector<128x128xf32>
    %iota3A_1957 = tpu.iota {dimensions = array<i32: 1>} : vector<128x128xi32>
    %add3A_1958 = arith.constant 19200 : i32
    %add3A_1959 = vector.broadcast %add3A_1958 : i32 to vector<128x128xi32>
    %add3A_1960 = arith.addi %add3A_1959, %iota3A_1957 : vector<128x128xi32>
    %broadcast_in_dim3A_1961 = vector.shape_cast %get3A_5 : vector<128xi32> to vector<128x1xi32>
    %eq3A_1962 = vector.broadcast %broadcast_in_dim3A_1961 : vector<128x1xi32> to vector<128x128xi32>
    %eq3A_1963 = arith.cmpi eq, %add3A_1960, %eq3A_1962 : vector<128x128xi32>
    %mul3A_1964 = arith.constant 2.879820e+05 : f32
    %mul3A_1965 = vector.broadcast %mul3A_1964 : f32 to vector<128x128xf32>
    %mul3A_1966 = arith.mulf %mul3A_1965, %slice3A_1956 : vector<128x128xf32>
    %select_n3A_1967 = arith.select %eq3A_1963, %mul3A_1966, %slice3A_1956 : vector<128x128xi1>, vector<128x128xf32>
    %add3A_1968 = arith.addf %add3A_1955, %select_n3A_1967 : vector<128x128xf32>
    %slice3A_1969 = vector.extract_strided_slice %get3A_1 {offsets = [0, 19328], sizes = [128, 128], strides = [1, 1]} : vector<128x32000xf32> to vector<128x128xf32>
    %iota3A_1970 = tpu.iota {dimensions = array<i32: 1>} : vector<128x128xi32>
    %add3A_1971 = arith.constant 19328 : i32
    %add3A_1972 = vector.broadcast %add3A_1971 : i32 to vector<128x128xi32>
    %add3A_1973 = arith.addi %add3A_1972, %iota3A_1970 : vector<128x128xi32>
    %broadcast_in_dim3A_1974 = vector.shape_cast %get3A_5 : vector<128xi32> to vector<128x1xi32>
    %eq3A_1975 = vector.broadcast %broadcast_in_dim3A_1974 : vector<128x1xi32> to vector<128x128xi32>
    %eq3A_1976 = arith.cmpi eq, %add3A_1973, %eq3A_1975 : vector<128x128xi32>
    %mul3A_1977 = arith.constant 2.879820e+05 : f32
    %mul3A_1978 = vector.broadcast %mul3A_1977 : f32 to vector<128x128xf32>
    %mul3A_1979 = arith.mulf %mul3A_1978, %slice3A_1969 : vector<128x128xf32>
    %select_n3A_1980 = arith.select %eq3A_1976, %mul3A_1979, %slice3A_1969 : vector<128x128xi1>, vector<128x128xf32>
    %add3A_1981 = arith.addf %add3A_1968, %select_n3A_1980 : vector<128x128xf32>
    %slice3A_1982 = vector.extract_strided_slice %get3A_1 {offsets = [0, 19456], sizes = [128, 128], strides = [1, 1]} : vector<128x32000xf32> to vector<128x128xf32>
    %iota3A_1983 = tpu.iota {dimensions = array<i32: 1>} : vector<128x128xi32>
    %add3A_1984 = arith.constant 19456 : i32
    %add3A_1985 = vector.broadcast %add3A_1984 : i32 to vector<128x128xi32>
    %add3A_1986 = arith.addi %add3A_1985, %iota3A_1983 : vector<128x128xi32>
    %broadcast_in_dim3A_1987 = vector.shape_cast %get3A_5 : vector<128xi32> to vector<128x1xi32>
    %eq3A_1988 = vector.broadcast %broadcast_in_dim3A_1987 : vector<128x1xi32> to vector<128x128xi32>
    %eq3A_1989 = arith.cmpi eq, %add3A_1986, %eq3A_1988 : vector<128x128xi32>
    %mul3A_1990 = arith.constant 2.879820e+05 : f32
    %mul3A_1991 = vector.broadcast %mul3A_1990 : f32 to vector<128x128xf32>
    %mul3A_1992 = arith.mulf %mul3A_1991, %slice3A_1982 : vector<128x128xf32>
    %select_n3A_1993 = arith.select %eq3A_1989, %mul3A_1992, %slice3A_1982 : vector<128x128xi1>, vector<128x128xf32>
    %add3A_1994 = arith.addf %add3A_1981, %select_n3A_1993 : vector<128x128xf32>
    %slice3A_1995 = vector.extract_strided_slice %get3A_1 {offsets = [0, 19584], sizes = [128, 128], strides = [1, 1]} : vector<128x32000xf32> to vector<128x128xf32>
    %iota3A_1996 = tpu.iota {dimensions = array<i32: 1>} : vector<128x128xi32>
    %add3A_1997 = arith.constant 19584 : i32
    %add3A_1998 = vector.broadcast %add3A_1997 : i32 to vector<128x128xi32>
    %add3A_1999 = arith.addi %add3A_1998, %iota3A_1996 : vector<128x128xi32>
    %broadcast_in_dim3A_2000 = vector.shape_cast %get3A_5 : vector<128xi32> to vector<128x1xi32>
    %eq3A_2001 = vector.broadcast %broadcast_in_dim3A_2000 : vector<128x1xi32> to vector<128x128xi32>
    %eq3A_2002 = arith.cmpi eq, %add3A_1999, %eq3A_2001 : vector<128x128xi32>
    %mul3A_2003 = arith.constant 2.879820e+05 : f32
    %mul3A_2004 = vector.broadcast %mul3A_2003 : f32 to vector<128x128xf32>
    %mul3A_2005 = arith.mulf %mul3A_2004, %slice3A_1995 : vector<128x128xf32>
    %select_n3A_2006 = arith.select %eq3A_2002, %mul3A_2005, %slice3A_1995 : vector<128x128xi1>, vector<128x128xf32>
    %add3A_2007 = arith.addf %add3A_1994, %select_n3A_2006 : vector<128x128xf32>
    %slice3A_2008 = vector.extract_strided_slice %get3A_1 {offsets = [0, 19712], sizes = [128, 128], strides = [1, 1]} : vector<128x32000xf32> to vector<128x128xf32>
    %iota3A_2009 = tpu.iota {dimensions = array<i32: 1>} : vector<128x128xi32>
    %add3A_2010 = arith.constant 19712 : i32
    %add3A_2011 = vector.broadcast %add3A_2010 : i32 to vector<128x128xi32>
    %add3A_2012 = arith.addi %add3A_2011, %iota3A_2009 : vector<128x128xi32>
    %broadcast_in_dim3A_2013 = vector.shape_cast %get3A_5 : vector<128xi32> to vector<128x1xi32>
    %eq3A_2014 = vector.broadcast %broadcast_in_dim3A_2013 : vector<128x1xi32> to vector<128x128xi32>
    %eq3A_2015 = arith.cmpi eq, %add3A_2012, %eq3A_2014 : vector<128x128xi32>
    %mul3A_2016 = arith.constant 2.879820e+05 : f32
    %mul3A_2017 = vector.broadcast %mul3A_2016 : f32 to vector<128x128xf32>
    %mul3A_2018 = arith.mulf %mul3A_2017, %slice3A_2008 : vector<128x128xf32>
    %select_n3A_2019 = arith.select %eq3A_2015, %mul3A_2018, %slice3A_2008 : vector<128x128xi1>, vector<128x128xf32>
    %add3A_2020 = arith.addf %add3A_2007, %select_n3A_2019 : vector<128x128xf32>
    %slice3A_2021 = vector.extract_strided_slice %get3A_1 {offsets = [0, 19840], sizes = [128, 128], strides = [1, 1]} : vector<128x32000xf32> to vector<128x128xf32>
    %iota3A_2022 = tpu.iota {dimensions = array<i32: 1>} : vector<128x128xi32>
    %add3A_2023 = arith.constant 19840 : i32
    %add3A_2024 = vector.broadcast %add3A_2023 : i32 to vector<128x128xi32>
    %add3A_2025 = arith.addi %add3A_2024, %iota3A_2022 : vector<128x128xi32>
    %broadcast_in_dim3A_2026 = vector.shape_cast %get3A_5 : vector<128xi32> to vector<128x1xi32>
    %eq3A_2027 = vector.broadcast %broadcast_in_dim3A_2026 : vector<128x1xi32> to vector<128x128xi32>
    %eq3A_2028 = arith.cmpi eq, %add3A_2025, %eq3A_2027 : vector<128x128xi32>
    %mul3A_2029 = arith.constant 2.879820e+05 : f32
    %mul3A_2030 = vector.broadcast %mul3A_2029 : f32 to vector<128x128xf32>
    %mul3A_2031 = arith.mulf %mul3A_2030, %slice3A_2021 : vector<128x128xf32>
    %select_n3A_2032 = arith.select %eq3A_2028, %mul3A_2031, %slice3A_2021 : vector<128x128xi1>, vector<128x128xf32>
    %add3A_2033 = arith.addf %add3A_2020, %select_n3A_2032 : vector<128x128xf32>
    %slice3A_2034 = vector.extract_strided_slice %get3A_1 {offsets = [0, 19968], sizes = [128, 128], strides = [1, 1]} : vector<128x32000xf32> to vector<128x128xf32>
    %iota3A_2035 = tpu.iota {dimensions = array<i32: 1>} : vector<128x128xi32>
    %add3A_2036 = arith.constant 19968 : i32
    %add3A_2037 = vector.broadcast %add3A_2036 : i32 to vector<128x128xi32>
    %add3A_2038 = arith.addi %add3A_2037, %iota3A_2035 : vector<128x128xi32>
    %broadcast_in_dim3A_2039 = vector.shape_cast %get3A_5 : vector<128xi32> to vector<128x1xi32>
    %eq3A_2040 = vector.broadcast %broadcast_in_dim3A_2039 : vector<128x1xi32> to vector<128x128xi32>
    %eq3A_2041 = arith.cmpi eq, %add3A_2038, %eq3A_2040 : vector<128x128xi32>
    %mul3A_2042 = arith.constant 2.879820e+05 : f32
    %mul3A_2043 = vector.broadcast %mul3A_2042 : f32 to vector<128x128xf32>
    %mul3A_2044 = arith.mulf %mul3A_2043, %slice3A_2034 : vector<128x128xf32>
    %select_n3A_2045 = arith.select %eq3A_2041, %mul3A_2044, %slice3A_2034 : vector<128x128xi1>, vector<128x128xf32>
    %add3A_2046 = arith.addf %add3A_2033, %select_n3A_2045 : vector<128x128xf32>
    %slice3A_2047 = vector.extract_strided_slice %get3A_1 {offsets = [0, 20096], sizes = [128, 128], strides = [1, 1]} : vector<128x32000xf32> to vector<128x128xf32>
    %iota3A_2048 = tpu.iota {dimensions = array<i32: 1>} : vector<128x128xi32>
    %add3A_2049 = arith.constant 20096 : i32
    %add3A_2050 = vector.broadcast %add3A_2049 : i32 to vector<128x128xi32>
    %add3A_2051 = arith.addi %add3A_2050, %iota3A_2048 : vector<128x128xi32>
    %broadcast_in_dim3A_2052 = vector.shape_cast %get3A_5 : vector<128xi32> to vector<128x1xi32>
    %eq3A_2053 = vector.broadcast %broadcast_in_dim3A_2052 : vector<128x1xi32> to vector<128x128xi32>
    %eq3A_2054 = arith.cmpi eq, %add3A_2051, %eq3A_2053 : vector<128x128xi32>
    %mul3A_2055 = arith.constant 2.879820e+05 : f32
    %mul3A_2056 = vector.broadcast %mul3A_2055 : f32 to vector<128x128xf32>
    %mul3A_2057 = arith.mulf %mul3A_2056, %slice3A_2047 : vector<128x128xf32>
    %select_n3A_2058 = arith.select %eq3A_2054, %mul3A_2057, %slice3A_2047 : vector<128x128xi1>, vector<128x128xf32>
    %add3A_2059 = arith.addf %add3A_2046, %select_n3A_2058 : vector<128x128xf32>
    %slice3A_2060 = vector.extract_strided_slice %get3A_1 {offsets = [0, 20224], sizes = [128, 128], strides = [1, 1]} : vector<128x32000xf32> to vector<128x128xf32>
    %iota3A_2061 = tpu.iota {dimensions = array<i32: 1>} : vector<128x128xi32>
    %add3A_2062 = arith.constant 20224 : i32
    %add3A_2063 = vector.broadcast %add3A_2062 : i32 to vector<128x128xi32>
    %add3A_2064 = arith.addi %add3A_2063, %iota3A_2061 : vector<128x128xi32>
    %broadcast_in_dim3A_2065 = vector.shape_cast %get3A_5 : vector<128xi32> to vector<128x1xi32>
    %eq3A_2066 = vector.broadcast %broadcast_in_dim3A_2065 : vector<128x1xi32> to vector<128x128xi32>
    %eq3A_2067 = arith.cmpi eq, %add3A_2064, %eq3A_2066 : vector<128x128xi32>
    %mul3A_2068 = arith.constant 2.879820e+05 : f32
    %mul3A_2069 = vector.broadcast %mul3A_2068 : f32 to vector<128x128xf32>
    %mul3A_2070 = arith.mulf %mul3A_2069, %slice3A_2060 : vector<128x128xf32>
    %select_n3A_2071 = arith.select %eq3A_2067, %mul3A_2070, %slice3A_2060 : vector<128x128xi1>, vector<128x128xf32>
    %add3A_2072 = arith.addf %add3A_2059, %select_n3A_2071 : vector<128x128xf32>
    %slice3A_2073 = vector.extract_strided_slice %get3A_1 {offsets = [0, 20352], sizes = [128, 128], strides = [1, 1]} : vector<128x32000xf32> to vector<128x128xf32>
    %iota3A_2074 = tpu.iota {dimensions = array<i32: 1>} : vector<128x128xi32>
    %add3A_2075 = arith.constant 20352 : i32
    %add3A_2076 = vector.broadcast %add3A_2075 : i32 to vector<128x128xi32>
    %add3A_2077 = arith.addi %add3A_2076, %iota3A_2074 : vector<128x128xi32>
    %broadcast_in_dim3A_2078 = vector.shape_cast %get3A_5 : vector<128xi32> to vector<128x1xi32>
    %eq3A_2079 = vector.broadcast %broadcast_in_dim3A_2078 : vector<128x1xi32> to vector<128x128xi32>
    %eq3A_2080 = arith.cmpi eq, %add3A_2077, %eq3A_2079 : vector<128x128xi32>
    %mul3A_2081 = arith.constant 2.879820e+05 : f32
    %mul3A_2082 = vector.broadcast %mul3A_2081 : f32 to vector<128x128xf32>
    %mul3A_2083 = arith.mulf %mul3A_2082, %slice3A_2073 : vector<128x128xf32>
    %select_n3A_2084 = arith.select %eq3A_2080, %mul3A_2083, %slice3A_2073 : vector<128x128xi1>, vector<128x128xf32>
    %add3A_2085 = arith.addf %add3A_2072, %select_n3A_2084 : vector<128x128xf32>
    %slice3A_2086 = vector.extract_strided_slice %get3A_1 {offsets = [0, 20480], sizes = [128, 128], strides = [1, 1]} : vector<128x32000xf32> to vector<128x128xf32>
    %iota3A_2087 = tpu.iota {dimensions = array<i32: 1>} : vector<128x128xi32>
    %add3A_2088 = arith.constant 20480 : i32
    %add3A_2089 = vector.broadcast %add3A_2088 : i32 to vector<128x128xi32>
    %add3A_2090 = arith.addi %add3A_2089, %iota3A_2087 : vector<128x128xi32>
    %broadcast_in_dim3A_2091 = vector.shape_cast %get3A_5 : vector<128xi32> to vector<128x1xi32>
    %eq3A_2092 = vector.broadcast %broadcast_in_dim3A_2091 : vector<128x1xi32> to vector<128x128xi32>
    %eq3A_2093 = arith.cmpi eq, %add3A_2090, %eq3A_2092 : vector<128x128xi32>
    %mul3A_2094 = arith.constant 2.879820e+05 : f32
    %mul3A_2095 = vector.broadcast %mul3A_2094 : f32 to vector<128x128xf32>
    %mul3A_2096 = arith.mulf %mul3A_2095, %slice3A_2086 : vector<128x128xf32>
    %select_n3A_2097 = arith.select %eq3A_2093, %mul3A_2096, %slice3A_2086 : vector<128x128xi1>, vector<128x128xf32>
    %add3A_2098 = arith.addf %add3A_2085, %select_n3A_2097 : vector<128x128xf32>
    %slice3A_2099 = vector.extract_strided_slice %get3A_1 {offsets = [0, 20608], sizes = [128, 128], strides = [1, 1]} : vector<128x32000xf32> to vector<128x128xf32>
    %iota3A_2100 = tpu.iota {dimensions = array<i32: 1>} : vector<128x128xi32>
    %add3A_2101 = arith.constant 20608 : i32
    %add3A_2102 = vector.broadcast %add3A_2101 : i32 to vector<128x128xi32>
    %add3A_2103 = arith.addi %add3A_2102, %iota3A_2100 : vector<128x128xi32>
    %broadcast_in_dim3A_2104 = vector.shape_cast %get3A_5 : vector<128xi32> to vector<128x1xi32>
    %eq3A_2105 = vector.broadcast %broadcast_in_dim3A_2104 : vector<128x1xi32> to vector<128x128xi32>
    %eq3A_2106 = arith.cmpi eq, %add3A_2103, %eq3A_2105 : vector<128x128xi32>
    %mul3A_2107 = arith.constant 2.879820e+05 : f32
    %mul3A_2108 = vector.broadcast %mul3A_2107 : f32 to vector<128x128xf32>
    %mul3A_2109 = arith.mulf %mul3A_2108, %slice3A_2099 : vector<128x128xf32>
    %select_n3A_2110 = arith.select %eq3A_2106, %mul3A_2109, %slice3A_2099 : vector<128x128xi1>, vector<128x128xf32>
    %add3A_2111 = arith.addf %add3A_2098, %select_n3A_2110 : vector<128x128xf32>
    %slice3A_2112 = vector.extract_strided_slice %get3A_1 {offsets = [0, 20736], sizes = [128, 128], strides = [1, 1]} : vector<128x32000xf32> to vector<128x128xf32>
    %iota3A_2113 = tpu.iota {dimensions = array<i32: 1>} : vector<128x128xi32>
    %add3A_2114 = arith.constant 20736 : i32
    %add3A_2115 = vector.broadcast %add3A_2114 : i32 to vector<128x128xi32>
    %add3A_2116 = arith.addi %add3A_2115, %iota3A_2113 : vector<128x128xi32>
    %broadcast_in_dim3A_2117 = vector.shape_cast %get3A_5 : vector<128xi32> to vector<128x1xi32>
    %eq3A_2118 = vector.broadcast %broadcast_in_dim3A_2117 : vector<128x1xi32> to vector<128x128xi32>
    %eq3A_2119 = arith.cmpi eq, %add3A_2116, %eq3A_2118 : vector<128x128xi32>
    %mul3A_2120 = arith.constant 2.879820e+05 : f32
    %mul3A_2121 = vector.broadcast %mul3A_2120 : f32 to vector<128x128xf32>
    %mul3A_2122 = arith.mulf %mul3A_2121, %slice3A_2112 : vector<128x128xf32>
    %select_n3A_2123 = arith.select %eq3A_2119, %mul3A_2122, %slice3A_2112 : vector<128x128xi1>, vector<128x128xf32>
    %add3A_2124 = arith.addf %add3A_2111, %select_n3A_2123 : vector<128x128xf32>
    %slice3A_2125 = vector.extract_strided_slice %get3A_1 {offsets = [0, 20864], sizes = [128, 128], strides = [1, 1]} : vector<128x32000xf32> to vector<128x128xf32>
    %iota3A_2126 = tpu.iota {dimensions = array<i32: 1>} : vector<128x128xi32>
    %add3A_2127 = arith.constant 20864 : i32
    %add3A_2128 = vector.broadcast %add3A_2127 : i32 to vector<128x128xi32>
    %add3A_2129 = arith.addi %add3A_2128, %iota3A_2126 : vector<128x128xi32>
    %broadcast_in_dim3A_2130 = vector.shape_cast %get3A_5 : vector<128xi32> to vector<128x1xi32>
    %eq3A_2131 = vector.broadcast %broadcast_in_dim3A_2130 : vector<128x1xi32> to vector<128x128xi32>
    %eq3A_2132 = arith.cmpi eq, %add3A_2129, %eq3A_2131 : vector<128x128xi32>
    %mul3A_2133 = arith.constant 2.879820e+05 : f32
    %mul3A_2134 = vector.broadcast %mul3A_2133 : f32 to vector<128x128xf32>
    %mul3A_2135 = arith.mulf %mul3A_2134, %slice3A_2125 : vector<128x128xf32>
    %select_n3A_2136 = arith.select %eq3A_2132, %mul3A_2135, %slice3A_2125 : vector<128x128xi1>, vector<128x128xf32>
    %add3A_2137 = arith.addf %add3A_2124, %select_n3A_2136 : vector<128x128xf32>
    %slice3A_2138 = vector.extract_strided_slice %get3A_1 {offsets = [0, 20992], sizes = [128, 128], strides = [1, 1]} : vector<128x32000xf32> to vector<128x128xf32>
    %iota3A_2139 = tpu.iota {dimensions = array<i32: 1>} : vector<128x128xi32>
    %add3A_2140 = arith.constant 20992 : i32
    %add3A_2141 = vector.broadcast %add3A_2140 : i32 to vector<128x128xi32>
    %add3A_2142 = arith.addi %add3A_2141, %iota3A_2139 : vector<128x128xi32>
    %broadcast_in_dim3A_2143 = vector.shape_cast %get3A_5 : vector<128xi32> to vector<128x1xi32>
    %eq3A_2144 = vector.broadcast %broadcast_in_dim3A_2143 : vector<128x1xi32> to vector<128x128xi32>
    %eq3A_2145 = arith.cmpi eq, %add3A_2142, %eq3A_2144 : vector<128x128xi32>
    %mul3A_2146 = arith.constant 2.879820e+05 : f32
    %mul3A_2147 = vector.broadcast %mul3A_2146 : f32 to vector<128x128xf32>
    %mul3A_2148 = arith.mulf %mul3A_2147, %slice3A_2138 : vector<128x128xf32>
    %select_n3A_2149 = arith.select %eq3A_2145, %mul3A_2148, %slice3A_2138 : vector<128x128xi1>, vector<128x128xf32>
    %add3A_2150 = arith.addf %add3A_2137, %select_n3A_2149 : vector<128x128xf32>
    %slice3A_2151 = vector.extract_strided_slice %get3A_1 {offsets = [0, 21120], sizes = [128, 128], strides = [1, 1]} : vector<128x32000xf32> to vector<128x128xf32>
    %iota3A_2152 = tpu.iota {dimensions = array<i32: 1>} : vector<128x128xi32>
    %add3A_2153 = arith.constant 21120 : i32
    %add3A_2154 = vector.broadcast %add3A_2153 : i32 to vector<128x128xi32>
    %add3A_2155 = arith.addi %add3A_2154, %iota3A_2152 : vector<128x128xi32>
    %broadcast_in_dim3A_2156 = vector.shape_cast %get3A_5 : vector<128xi32> to vector<128x1xi32>
    %eq3A_2157 = vector.broadcast %broadcast_in_dim3A_2156 : vector<128x1xi32> to vector<128x128xi32>
    %eq3A_2158 = arith.cmpi eq, %add3A_2155, %eq3A_2157 : vector<128x128xi32>
    %mul3A_2159 = arith.constant 2.879820e+05 : f32
    %mul3A_2160 = vector.broadcast %mul3A_2159 : f32 to vector<128x128xf32>
    %mul3A_2161 = arith.mulf %mul3A_2160, %slice3A_2151 : vector<128x128xf32>
    %select_n3A_2162 = arith.select %eq3A_2158, %mul3A_2161, %slice3A_2151 : vector<128x128xi1>, vector<128x128xf32>
    %add3A_2163 = arith.addf %add3A_2150, %select_n3A_2162 : vector<128x128xf32>
    %slice3A_2164 = vector.extract_strided_slice %get3A_1 {offsets = [0, 21248], sizes = [128, 128], strides = [1, 1]} : vector<128x32000xf32> to vector<128x128xf32>
    %iota3A_2165 = tpu.iota {dimensions = array<i32: 1>} : vector<128x128xi32>
    %add3A_2166 = arith.constant 21248 : i32
    %add3A_2167 = vector.broadcast %add3A_2166 : i32 to vector<128x128xi32>
    %add3A_2168 = arith.addi %add3A_2167, %iota3A_2165 : vector<128x128xi32>
    %broadcast_in_dim3A_2169 = vector.shape_cast %get3A_5 : vector<128xi32> to vector<128x1xi32>
    %eq3A_2170 = vector.broadcast %broadcast_in_dim3A_2169 : vector<128x1xi32> to vector<128x128xi32>
    %eq3A_2171 = arith.cmpi eq, %add3A_2168, %eq3A_2170 : vector<128x128xi32>
    %mul3A_2172 = arith.constant 2.879820e+05 : f32
    %mul3A_2173 = vector.broadcast %mul3A_2172 : f32 to vector<128x128xf32>
    %mul3A_2174 = arith.mulf %mul3A_2173, %slice3A_2164 : vector<128x128xf32>
    %select_n3A_2175 = arith.select %eq3A_2171, %mul3A_2174, %slice3A_2164 : vector<128x128xi1>, vector<128x128xf32>
    %add3A_2176 = arith.addf %add3A_2163, %select_n3A_2175 : vector<128x128xf32>
    %slice3A_2177 = vector.extract_strided_slice %get3A_1 {offsets = [0, 21376], sizes = [128, 128], strides = [1, 1]} : vector<128x32000xf32> to vector<128x128xf32>
    %iota3A_2178 = tpu.iota {dimensions = array<i32: 1>} : vector<128x128xi32>
    %add3A_2179 = arith.constant 21376 : i32
    %add3A_2180 = vector.broadcast %add3A_2179 : i32 to vector<128x128xi32>
    %add3A_2181 = arith.addi %add3A_2180, %iota3A_2178 : vector<128x128xi32>
    %broadcast_in_dim3A_2182 = vector.shape_cast %get3A_5 : vector<128xi32> to vector<128x1xi32>
    %eq3A_2183 = vector.broadcast %broadcast_in_dim3A_2182 : vector<128x1xi32> to vector<128x128xi32>
    %eq3A_2184 = arith.cmpi eq, %add3A_2181, %eq3A_2183 : vector<128x128xi32>
    %mul3A_2185 = arith.constant 2.879820e+05 : f32
    %mul3A_2186 = vector.broadcast %mul3A_2185 : f32 to vector<128x128xf32>
    %mul3A_2187 = arith.mulf %mul3A_2186, %slice3A_2177 : vector<128x128xf32>
    %select_n3A_2188 = arith.select %eq3A_2184, %mul3A_2187, %slice3A_2177 : vector<128x128xi1>, vector<128x128xf32>
    %add3A_2189 = arith.addf %add3A_2176, %select_n3A_2188 : vector<128x128xf32>
    %slice3A_2190 = vector.extract_strided_slice %get3A_1 {offsets = [0, 21504], sizes = [128, 128], strides = [1, 1]} : vector<128x32000xf32> to vector<128x128xf32>
    %iota3A_2191 = tpu.iota {dimensions = array<i32: 1>} : vector<128x128xi32>
    %add3A_2192 = arith.constant 21504 : i32
    %add3A_2193 = vector.broadcast %add3A_2192 : i32 to vector<128x128xi32>
    %add3A_2194 = arith.addi %add3A_2193, %iota3A_2191 : vector<128x128xi32>
    %broadcast_in_dim3A_2195 = vector.shape_cast %get3A_5 : vector<128xi32> to vector<128x1xi32>
    %eq3A_2196 = vector.broadcast %broadcast_in_dim3A_2195 : vector<128x1xi32> to vector<128x128xi32>
    %eq3A_2197 = arith.cmpi eq, %add3A_2194, %eq3A_2196 : vector<128x128xi32>
    %mul3A_2198 = arith.constant 2.879820e+05 : f32
    %mul3A_2199 = vector.broadcast %mul3A_2198 : f32 to vector<128x128xf32>
    %mul3A_2200 = arith.mulf %mul3A_2199, %slice3A_2190 : vector<128x128xf32>
    %select_n3A_2201 = arith.select %eq3A_2197, %mul3A_2200, %slice3A_2190 : vector<128x128xi1>, vector<128x128xf32>
    %add3A_2202 = arith.addf %add3A_2189, %select_n3A_2201 : vector<128x128xf32>
    %slice3A_2203 = vector.extract_strided_slice %get3A_1 {offsets = [0, 21632], sizes = [128, 128], strides = [1, 1]} : vector<128x32000xf32> to vector<128x128xf32>
    %iota3A_2204 = tpu.iota {dimensions = array<i32: 1>} : vector<128x128xi32>
    %add3A_2205 = arith.constant 21632 : i32
    %add3A_2206 = vector.broadcast %add3A_2205 : i32 to vector<128x128xi32>
    %add3A_2207 = arith.addi %add3A_2206, %iota3A_2204 : vector<128x128xi32>
    %broadcast_in_dim3A_2208 = vector.shape_cast %get3A_5 : vector<128xi32> to vector<128x1xi32>
    %eq3A_2209 = vector.broadcast %broadcast_in_dim3A_2208 : vector<128x1xi32> to vector<128x128xi32>
    %eq3A_2210 = arith.cmpi eq, %add3A_2207, %eq3A_2209 : vector<128x128xi32>
    %mul3A_2211 = arith.constant 2.879820e+05 : f32
    %mul3A_2212 = vector.broadcast %mul3A_2211 : f32 to vector<128x128xf32>
    %mul3A_2213 = arith.mulf %mul3A_2212, %slice3A_2203 : vector<128x128xf32>
    %select_n3A_2214 = arith.select %eq3A_2210, %mul3A_2213, %slice3A_2203 : vector<128x128xi1>, vector<128x128xf32>
    %add3A_2215 = arith.addf %add3A_2202, %select_n3A_2214 : vector<128x128xf32>
    %slice3A_2216 = vector.extract_strided_slice %get3A_1 {offsets = [0, 21760], sizes = [128, 128], strides = [1, 1]} : vector<128x32000xf32> to vector<128x128xf32>
    %iota3A_2217 = tpu.iota {dimensions = array<i32: 1>} : vector<128x128xi32>
    %add3A_2218 = arith.constant 21760 : i32
    %add3A_2219 = vector.broadcast %add3A_2218 : i32 to vector<128x128xi32>
    %add3A_2220 = arith.addi %add3A_2219, %iota3A_2217 : vector<128x128xi32>
    %broadcast_in_dim3A_2221 = vector.shape_cast %get3A_5 : vector<128xi32> to vector<128x1xi32>
    %eq3A_2222 = vector.broadcast %broadcast_in_dim3A_2221 : vector<128x1xi32> to vector<128x128xi32>
    %eq3A_2223 = arith.cmpi eq, %add3A_2220, %eq3A_2222 : vector<128x128xi32>
    %mul3A_2224 = arith.constant 2.879820e+05 : f32
    %mul3A_2225 = vector.broadcast %mul3A_2224 : f32 to vector<128x128xf32>
    %mul3A_2226 = arith.mulf %mul3A_2225, %slice3A_2216 : vector<128x128xf32>
    %select_n3A_2227 = arith.select %eq3A_2223, %mul3A_2226, %slice3A_2216 : vector<128x128xi1>, vector<128x128xf32>
    %add3A_2228 = arith.addf %add3A_2215, %select_n3A_2227 : vector<128x128xf32>
    %slice3A_2229 = vector.extract_strided_slice %get3A_1 {offsets = [0, 21888], sizes = [128, 128], strides = [1, 1]} : vector<128x32000xf32> to vector<128x128xf32>
    %iota3A_2230 = tpu.iota {dimensions = array<i32: 1>} : vector<128x128xi32>
    %add3A_2231 = arith.constant 21888 : i32
    %add3A_2232 = vector.broadcast %add3A_2231 : i32 to vector<128x128xi32>
    %add3A_2233 = arith.addi %add3A_2232, %iota3A_2230 : vector<128x128xi32>
    %broadcast_in_dim3A_2234 = vector.shape_cast %get3A_5 : vector<128xi32> to vector<128x1xi32>
    %eq3A_2235 = vector.broadcast %broadcast_in_dim3A_2234 : vector<128x1xi32> to vector<128x128xi32>
    %eq3A_2236 = arith.cmpi eq, %add3A_2233, %eq3A_2235 : vector<128x128xi32>
    %mul3A_2237 = arith.constant 2.879820e+05 : f32
    %mul3A_2238 = vector.broadcast %mul3A_2237 : f32 to vector<128x128xf32>
    %mul3A_2239 = arith.mulf %mul3A_2238, %slice3A_2229 : vector<128x128xf32>
    %select_n3A_2240 = arith.select %eq3A_2236, %mul3A_2239, %slice3A_2229 : vector<128x128xi1>, vector<128x128xf32>
    %add3A_2241 = arith.addf %add3A_2228, %select_n3A_2240 : vector<128x128xf32>
    %slice3A_2242 = vector.extract_strided_slice %get3A_1 {offsets = [0, 22016], sizes = [128, 128], strides = [1, 1]} : vector<128x32000xf32> to vector<128x128xf32>
    %iota3A_2243 = tpu.iota {dimensions = array<i32: 1>} : vector<128x128xi32>
    %add3A_2244 = arith.constant 22016 : i32
    %add3A_2245 = vector.broadcast %add3A_2244 : i32 to vector<128x128xi32>
    %add3A_2246 = arith.addi %add3A_2245, %iota3A_2243 : vector<128x128xi32>
    %broadcast_in_dim3A_2247 = vector.shape_cast %get3A_5 : vector<128xi32> to vector<128x1xi32>
    %eq3A_2248 = vector.broadcast %broadcast_in_dim3A_2247 : vector<128x1xi32> to vector<128x128xi32>
    %eq3A_2249 = arith.cmpi eq, %add3A_2246, %eq3A_2248 : vector<128x128xi32>
    %mul3A_2250 = arith.constant 2.879820e+05 : f32
    %mul3A_2251 = vector.broadcast %mul3A_2250 : f32 to vector<128x128xf32>
    %mul3A_2252 = arith.mulf %mul3A_2251, %slice3A_2242 : vector<128x128xf32>
    %select_n3A_2253 = arith.select %eq3A_2249, %mul3A_2252, %slice3A_2242 : vector<128x128xi1>, vector<128x128xf32>
    %add3A_2254 = arith.addf %add3A_2241, %select_n3A_2253 : vector<128x128xf32>
    %slice3A_2255 = vector.extract_strided_slice %get3A_1 {offsets = [0, 22144], sizes = [128, 128], strides = [1, 1]} : vector<128x32000xf32> to vector<128x128xf32>
    %iota3A_2256 = tpu.iota {dimensions = array<i32: 1>} : vector<128x128xi32>
    %add3A_2257 = arith.constant 22144 : i32
    %add3A_2258 = vector.broadcast %add3A_2257 : i32 to vector<128x128xi32>
    %add3A_2259 = arith.addi %add3A_2258, %iota3A_2256 : vector<128x128xi32>
    %broadcast_in_dim3A_2260 = vector.shape_cast %get3A_5 : vector<128xi32> to vector<128x1xi32>
    %eq3A_2261 = vector.broadcast %broadcast_in_dim3A_2260 : vector<128x1xi32> to vector<128x128xi32>
    %eq3A_2262 = arith.cmpi eq, %add3A_2259, %eq3A_2261 : vector<128x128xi32>
    %mul3A_2263 = arith.constant 2.879820e+05 : f32
    %mul3A_2264 = vector.broadcast %mul3A_2263 : f32 to vector<128x128xf32>
    %mul3A_2265 = arith.mulf %mul3A_2264, %slice3A_2255 : vector<128x128xf32>
    %select_n3A_2266 = arith.select %eq3A_2262, %mul3A_2265, %slice3A_2255 : vector<128x128xi1>, vector<128x128xf32>
    %add3A_2267 = arith.addf %add3A_2254, %select_n3A_2266 : vector<128x128xf32>
    %slice3A_2268 = vector.extract_strided_slice %get3A_1 {offsets = [0, 22272], sizes = [128, 128], strides = [1, 1]} : vector<128x32000xf32> to vector<128x128xf32>
    %iota3A_2269 = tpu.iota {dimensions = array<i32: 1>} : vector<128x128xi32>
    %add3A_2270 = arith.constant 22272 : i32
    %add3A_2271 = vector.broadcast %add3A_2270 : i32 to vector<128x128xi32>
    %add3A_2272 = arith.addi %add3A_2271, %iota3A_2269 : vector<128x128xi32>
    %broadcast_in_dim3A_2273 = vector.shape_cast %get3A_5 : vector<128xi32> to vector<128x1xi32>
    %eq3A_2274 = vector.broadcast %broadcast_in_dim3A_2273 : vector<128x1xi32> to vector<128x128xi32>
    %eq3A_2275 = arith.cmpi eq, %add3A_2272, %eq3A_2274 : vector<128x128xi32>
    %mul3A_2276 = arith.constant 2.879820e+05 : f32
    %mul3A_2277 = vector.broadcast %mul3A_2276 : f32 to vector<128x128xf32>
    %mul3A_2278 = arith.mulf %mul3A_2277, %slice3A_2268 : vector<128x128xf32>
    %select_n3A_2279 = arith.select %eq3A_2275, %mul3A_2278, %slice3A_2268 : vector<128x128xi1>, vector<128x128xf32>
    %add3A_2280 = arith.addf %add3A_2267, %select_n3A_2279 : vector<128x128xf32>
    %slice3A_2281 = vector.extract_strided_slice %get3A_1 {offsets = [0, 22400], sizes = [128, 128], strides = [1, 1]} : vector<128x32000xf32> to vector<128x128xf32>
    %iota3A_2282 = tpu.iota {dimensions = array<i32: 1>} : vector<128x128xi32>
    %add3A_2283 = arith.constant 22400 : i32
    %add3A_2284 = vector.broadcast %add3A_2283 : i32 to vector<128x128xi32>
    %add3A_2285 = arith.addi %add3A_2284, %iota3A_2282 : vector<128x128xi32>
    %broadcast_in_dim3A_2286 = vector.shape_cast %get3A_5 : vector<128xi32> to vector<128x1xi32>
    %eq3A_2287 = vector.broadcast %broadcast_in_dim3A_2286 : vector<128x1xi32> to vector<128x128xi32>
    %eq3A_2288 = arith.cmpi eq, %add3A_2285, %eq3A_2287 : vector<128x128xi32>
    %mul3A_2289 = arith.constant 2.879820e+05 : f32
    %mul3A_2290 = vector.broadcast %mul3A_2289 : f32 to vector<128x128xf32>
    %mul3A_2291 = arith.mulf %mul3A_2290, %slice3A_2281 : vector<128x128xf32>
    %select_n3A_2292 = arith.select %eq3A_2288, %mul3A_2291, %slice3A_2281 : vector<128x128xi1>, vector<128x128xf32>
    %add3A_2293 = arith.addf %add3A_2280, %select_n3A_2292 : vector<128x128xf32>
    %slice3A_2294 = vector.extract_strided_slice %get3A_1 {offsets = [0, 22528], sizes = [128, 128], strides = [1, 1]} : vector<128x32000xf32> to vector<128x128xf32>
    %iota3A_2295 = tpu.iota {dimensions = array<i32: 1>} : vector<128x128xi32>
    %add3A_2296 = arith.constant 22528 : i32
    %add3A_2297 = vector.broadcast %add3A_2296 : i32 to vector<128x128xi32>
    %add3A_2298 = arith.addi %add3A_2297, %iota3A_2295 : vector<128x128xi32>
    %broadcast_in_dim3A_2299 = vector.shape_cast %get3A_5 : vector<128xi32> to vector<128x1xi32>
    %eq3A_2300 = vector.broadcast %broadcast_in_dim3A_2299 : vector<128x1xi32> to vector<128x128xi32>
    %eq3A_2301 = arith.cmpi eq, %add3A_2298, %eq3A_2300 : vector<128x128xi32>
    %mul3A_2302 = arith.constant 2.879820e+05 : f32
    %mul3A_2303 = vector.broadcast %mul3A_2302 : f32 to vector<128x128xf32>
    %mul3A_2304 = arith.mulf %mul3A_2303, %slice3A_2294 : vector<128x128xf32>
    %select_n3A_2305 = arith.select %eq3A_2301, %mul3A_2304, %slice3A_2294 : vector<128x128xi1>, vector<128x128xf32>
    %add3A_2306 = arith.addf %add3A_2293, %select_n3A_2305 : vector<128x128xf32>
    %slice3A_2307 = vector.extract_strided_slice %get3A_1 {offsets = [0, 22656], sizes = [128, 128], strides = [1, 1]} : vector<128x32000xf32> to vector<128x128xf32>
    %iota3A_2308 = tpu.iota {dimensions = array<i32: 1>} : vector<128x128xi32>
    %add3A_2309 = arith.constant 22656 : i32
    %add3A_2310 = vector.broadcast %add3A_2309 : i32 to vector<128x128xi32>
    %add3A_2311 = arith.addi %add3A_2310, %iota3A_2308 : vector<128x128xi32>
    %broadcast_in_dim3A_2312 = vector.shape_cast %get3A_5 : vector<128xi32> to vector<128x1xi32>
    %eq3A_2313 = vector.broadcast %broadcast_in_dim3A_2312 : vector<128x1xi32> to vector<128x128xi32>
    %eq3A_2314 = arith.cmpi eq, %add3A_2311, %eq3A_2313 : vector<128x128xi32>
    %mul3A_2315 = arith.constant 2.879820e+05 : f32
    %mul3A_2316 = vector.broadcast %mul3A_2315 : f32 to vector<128x128xf32>
    %mul3A_2317 = arith.mulf %mul3A_2316, %slice3A_2307 : vector<128x128xf32>
    %select_n3A_2318 = arith.select %eq3A_2314, %mul3A_2317, %slice3A_2307 : vector<128x128xi1>, vector<128x128xf32>
    %add3A_2319 = arith.addf %add3A_2306, %select_n3A_2318 : vector<128x128xf32>
    %slice3A_2320 = vector.extract_strided_slice %get3A_1 {offsets = [0, 22784], sizes = [128, 128], strides = [1, 1]} : vector<128x32000xf32> to vector<128x128xf32>
    %iota3A_2321 = tpu.iota {dimensions = array<i32: 1>} : vector<128x128xi32>
    %add3A_2322 = arith.constant 22784 : i32
    %add3A_2323 = vector.broadcast %add3A_2322 : i32 to vector<128x128xi32>
    %add3A_2324 = arith.addi %add3A_2323, %iota3A_2321 : vector<128x128xi32>
    %broadcast_in_dim3A_2325 = vector.shape_cast %get3A_5 : vector<128xi32> to vector<128x1xi32>
    %eq3A_2326 = vector.broadcast %broadcast_in_dim3A_2325 : vector<128x1xi32> to vector<128x128xi32>
    %eq3A_2327 = arith.cmpi eq, %add3A_2324, %eq3A_2326 : vector<128x128xi32>
    %mul3A_2328 = arith.constant 2.879820e+05 : f32
    %mul3A_2329 = vector.broadcast %mul3A_2328 : f32 to vector<128x128xf32>
    %mul3A_2330 = arith.mulf %mul3A_2329, %slice3A_2320 : vector<128x128xf32>
    %select_n3A_2331 = arith.select %eq3A_2327, %mul3A_2330, %slice3A_2320 : vector<128x128xi1>, vector<128x128xf32>
    %add3A_2332 = arith.addf %add3A_2319, %select_n3A_2331 : vector<128x128xf32>
    %slice3A_2333 = vector.extract_strided_slice %get3A_1 {offsets = [0, 22912], sizes = [128, 128], strides = [1, 1]} : vector<128x32000xf32> to vector<128x128xf32>
    %iota3A_2334 = tpu.iota {dimensions = array<i32: 1>} : vector<128x128xi32>
    %add3A_2335 = arith.constant 22912 : i32
    %add3A_2336 = vector.broadcast %add3A_2335 : i32 to vector<128x128xi32>
    %add3A_2337 = arith.addi %add3A_2336, %iota3A_2334 : vector<128x128xi32>
    %broadcast_in_dim3A_2338 = vector.shape_cast %get3A_5 : vector<128xi32> to vector<128x1xi32>
    %eq3A_2339 = vector.broadcast %broadcast_in_dim3A_2338 : vector<128x1xi32> to vector<128x128xi32>
    %eq3A_2340 = arith.cmpi eq, %add3A_2337, %eq3A_2339 : vector<128x128xi32>
    %mul3A_2341 = arith.constant 2.879820e+05 : f32
    %mul3A_2342 = vector.broadcast %mul3A_2341 : f32 to vector<128x128xf32>
    %mul3A_2343 = arith.mulf %mul3A_2342, %slice3A_2333 : vector<128x128xf32>
    %select_n3A_2344 = arith.select %eq3A_2340, %mul3A_2343, %slice3A_2333 : vector<128x128xi1>, vector<128x128xf32>
    %add3A_2345 = arith.addf %add3A_2332, %select_n3A_2344 : vector<128x128xf32>
    %slice3A_2346 = vector.extract_strided_slice %get3A_1 {offsets = [0, 23040], sizes = [128, 128], strides = [1, 1]} : vector<128x32000xf32> to vector<128x128xf32>
    %iota3A_2347 = tpu.iota {dimensions = array<i32: 1>} : vector<128x128xi32>
    %add3A_2348 = arith.constant 23040 : i32
    %add3A_2349 = vector.broadcast %add3A_2348 : i32 to vector<128x128xi32>
    %add3A_2350 = arith.addi %add3A_2349, %iota3A_2347 : vector<128x128xi32>
    %broadcast_in_dim3A_2351 = vector.shape_cast %get3A_5 : vector<128xi32> to vector<128x1xi32>
    %eq3A_2352 = vector.broadcast %broadcast_in_dim3A_2351 : vector<128x1xi32> to vector<128x128xi32>
    %eq3A_2353 = arith.cmpi eq, %add3A_2350, %eq3A_2352 : vector<128x128xi32>
    %mul3A_2354 = arith.constant 2.879820e+05 : f32
    %mul3A_2355 = vector.broadcast %mul3A_2354 : f32 to vector<128x128xf32>
    %mul3A_2356 = arith.mulf %mul3A_2355, %slice3A_2346 : vector<128x128xf32>
    %select_n3A_2357 = arith.select %eq3A_2353, %mul3A_2356, %slice3A_2346 : vector<128x128xi1>, vector<128x128xf32>
    %add3A_2358 = arith.addf %add3A_2345, %select_n3A_2357 : vector<128x128xf32>
    %slice3A_2359 = vector.extract_strided_slice %get3A_1 {offsets = [0, 23168], sizes = [128, 128], strides = [1, 1]} : vector<128x32000xf32> to vector<128x128xf32>
    %iota3A_2360 = tpu.iota {dimensions = array<i32: 1>} : vector<128x128xi32>
    %add3A_2361 = arith.constant 23168 : i32
    %add3A_2362 = vector.broadcast %add3A_2361 : i32 to vector<128x128xi32>
    %add3A_2363 = arith.addi %add3A_2362, %iota3A_2360 : vector<128x128xi32>
    %broadcast_in_dim3A_2364 = vector.shape_cast %get3A_5 : vector<128xi32> to vector<128x1xi32>
    %eq3A_2365 = vector.broadcast %broadcast_in_dim3A_2364 : vector<128x1xi32> to vector<128x128xi32>
    %eq3A_2366 = arith.cmpi eq, %add3A_2363, %eq3A_2365 : vector<128x128xi32>
    %mul3A_2367 = arith.constant 2.879820e+05 : f32
    %mul3A_2368 = vector.broadcast %mul3A_2367 : f32 to vector<128x128xf32>
    %mul3A_2369 = arith.mulf %mul3A_2368, %slice3A_2359 : vector<128x128xf32>
    %select_n3A_2370 = arith.select %eq3A_2366, %mul3A_2369, %slice3A_2359 : vector<128x128xi1>, vector<128x128xf32>
    %add3A_2371 = arith.addf %add3A_2358, %select_n3A_2370 : vector<128x128xf32>
    %slice3A_2372 = vector.extract_strided_slice %get3A_1 {offsets = [0, 23296], sizes = [128, 128], strides = [1, 1]} : vector<128x32000xf32> to vector<128x128xf32>
    %iota3A_2373 = tpu.iota {dimensions = array<i32: 1>} : vector<128x128xi32>
    %add3A_2374 = arith.constant 23296 : i32
    %add3A_2375 = vector.broadcast %add3A_2374 : i32 to vector<128x128xi32>
    %add3A_2376 = arith.addi %add3A_2375, %iota3A_2373 : vector<128x128xi32>
    %broadcast_in_dim3A_2377 = vector.shape_cast %get3A_5 : vector<128xi32> to vector<128x1xi32>
    %eq3A_2378 = vector.broadcast %broadcast_in_dim3A_2377 : vector<128x1xi32> to vector<128x128xi32>
    %eq3A_2379 = arith.cmpi eq, %add3A_2376, %eq3A_2378 : vector<128x128xi32>
    %mul3A_2380 = arith.constant 2.879820e+05 : f32
    %mul3A_2381 = vector.broadcast %mul3A_2380 : f32 to vector<128x128xf32>
    %mul3A_2382 = arith.mulf %mul3A_2381, %slice3A_2372 : vector<128x128xf32>
    %select_n3A_2383 = arith.select %eq3A_2379, %mul3A_2382, %slice3A_2372 : vector<128x128xi1>, vector<128x128xf32>
    %add3A_2384 = arith.addf %add3A_2371, %select_n3A_2383 : vector<128x128xf32>
    %slice3A_2385 = vector.extract_strided_slice %get3A_1 {offsets = [0, 23424], sizes = [128, 128], strides = [1, 1]} : vector<128x32000xf32> to vector<128x128xf32>
    %iota3A_2386 = tpu.iota {dimensions = array<i32: 1>} : vector<128x128xi32>
    %add3A_2387 = arith.constant 23424 : i32
    %add3A_2388 = vector.broadcast %add3A_2387 : i32 to vector<128x128xi32>
    %add3A_2389 = arith.addi %add3A_2388, %iota3A_2386 : vector<128x128xi32>
    %broadcast_in_dim3A_2390 = vector.shape_cast %get3A_5 : vector<128xi32> to vector<128x1xi32>
    %eq3A_2391 = vector.broadcast %broadcast_in_dim3A_2390 : vector<128x1xi32> to vector<128x128xi32>
    %eq3A_2392 = arith.cmpi eq, %add3A_2389, %eq3A_2391 : vector<128x128xi32>
    %mul3A_2393 = arith.constant 2.879820e+05 : f32
    %mul3A_2394 = vector.broadcast %mul3A_2393 : f32 to vector<128x128xf32>
    %mul3A_2395 = arith.mulf %mul3A_2394, %slice3A_2385 : vector<128x128xf32>
    %select_n3A_2396 = arith.select %eq3A_2392, %mul3A_2395, %slice3A_2385 : vector<128x128xi1>, vector<128x128xf32>
    %add3A_2397 = arith.addf %add3A_2384, %select_n3A_2396 : vector<128x128xf32>
    %slice3A_2398 = vector.extract_strided_slice %get3A_1 {offsets = [0, 23552], sizes = [128, 128], strides = [1, 1]} : vector<128x32000xf32> to vector<128x128xf32>
    %iota3A_2399 = tpu.iota {dimensions = array<i32: 1>} : vector<128x128xi32>
    %add3A_2400 = arith.constant 23552 : i32
    %add3A_2401 = vector.broadcast %add3A_2400 : i32 to vector<128x128xi32>
    %add3A_2402 = arith.addi %add3A_2401, %iota3A_2399 : vector<128x128xi32>
    %broadcast_in_dim3A_2403 = vector.shape_cast %get3A_5 : vector<128xi32> to vector<128x1xi32>
    %eq3A_2404 = vector.broadcast %broadcast_in_dim3A_2403 : vector<128x1xi32> to vector<128x128xi32>
    %eq3A_2405 = arith.cmpi eq, %add3A_2402, %eq3A_2404 : vector<128x128xi32>
    %mul3A_2406 = arith.constant 2.879820e+05 : f32
    %mul3A_2407 = vector.broadcast %mul3A_2406 : f32 to vector<128x128xf32>
    %mul3A_2408 = arith.mulf %mul3A_2407, %slice3A_2398 : vector<128x128xf32>
    %select_n3A_2409 = arith.select %eq3A_2405, %mul3A_2408, %slice3A_2398 : vector<128x128xi1>, vector<128x128xf32>
    %add3A_2410 = arith.addf %add3A_2397, %select_n3A_2409 : vector<128x128xf32>
    %slice3A_2411 = vector.extract_strided_slice %get3A_1 {offsets = [0, 23680], sizes = [128, 128], strides = [1, 1]} : vector<128x32000xf32> to vector<128x128xf32>
    %iota3A_2412 = tpu.iota {dimensions = array<i32: 1>} : vector<128x128xi32>
    %add3A_2413 = arith.constant 23680 : i32
    %add3A_2414 = vector.broadcast %add3A_2413 : i32 to vector<128x128xi32>
    %add3A_2415 = arith.addi %add3A_2414, %iota3A_2412 : vector<128x128xi32>
    %broadcast_in_dim3A_2416 = vector.shape_cast %get3A_5 : vector<128xi32> to vector<128x1xi32>
    %eq3A_2417 = vector.broadcast %broadcast_in_dim3A_2416 : vector<128x1xi32> to vector<128x128xi32>
    %eq3A_2418 = arith.cmpi eq, %add3A_2415, %eq3A_2417 : vector<128x128xi32>
    %mul3A_2419 = arith.constant 2.879820e+05 : f32
    %mul3A_2420 = vector.broadcast %mul3A_2419 : f32 to vector<128x128xf32>
    %mul3A_2421 = arith.mulf %mul3A_2420, %slice3A_2411 : vector<128x128xf32>
    %select_n3A_2422 = arith.select %eq3A_2418, %mul3A_2421, %slice3A_2411 : vector<128x128xi1>, vector<128x128xf32>
    %add3A_2423 = arith.addf %add3A_2410, %select_n3A_2422 : vector<128x128xf32>
    %slice3A_2424 = vector.extract_strided_slice %get3A_1 {offsets = [0, 23808], sizes = [128, 128], strides = [1, 1]} : vector<128x32000xf32> to vector<128x128xf32>
    %iota3A_2425 = tpu.iota {dimensions = array<i32: 1>} : vector<128x128xi32>
    %add3A_2426 = arith.constant 23808 : i32
    %add3A_2427 = vector.broadcast %add3A_2426 : i32 to vector<128x128xi32>
    %add3A_2428 = arith.addi %add3A_2427, %iota3A_2425 : vector<128x128xi32>
    %broadcast_in_dim3A_2429 = vector.shape_cast %get3A_5 : vector<128xi32> to vector<128x1xi32>
    %eq3A_2430 = vector.broadcast %broadcast_in_dim3A_2429 : vector<128x1xi32> to vector<128x128xi32>
    %eq3A_2431 = arith.cmpi eq, %add3A_2428, %eq3A_2430 : vector<128x128xi32>
    %mul3A_2432 = arith.constant 2.879820e+05 : f32
    %mul3A_2433 = vector.broadcast %mul3A_2432 : f32 to vector<128x128xf32>
    %mul3A_2434 = arith.mulf %mul3A_2433, %slice3A_2424 : vector<128x128xf32>
    %select_n3A_2435 = arith.select %eq3A_2431, %mul3A_2434, %slice3A_2424 : vector<128x128xi1>, vector<128x128xf32>
    %add3A_2436 = arith.addf %add3A_2423, %select_n3A_2435 : vector<128x128xf32>
    %slice3A_2437 = vector.extract_strided_slice %get3A_1 {offsets = [0, 23936], sizes = [128, 128], strides = [1, 1]} : vector<128x32000xf32> to vector<128x128xf32>
    %iota3A_2438 = tpu.iota {dimensions = array<i32: 1>} : vector<128x128xi32>
    %add3A_2439 = arith.constant 23936 : i32
    %add3A_2440 = vector.broadcast %add3A_2439 : i32 to vector<128x128xi32>
    %add3A_2441 = arith.addi %add3A_2440, %iota3A_2438 : vector<128x128xi32>
    %broadcast_in_dim3A_2442 = vector.shape_cast %get3A_5 : vector<128xi32> to vector<128x1xi32>
    %eq3A_2443 = vector.broadcast %broadcast_in_dim3A_2442 : vector<128x1xi32> to vector<128x128xi32>
    %eq3A_2444 = arith.cmpi eq, %add3A_2441, %eq3A_2443 : vector<128x128xi32>
    %mul3A_2445 = arith.constant 2.879820e+05 : f32
    %mul3A_2446 = vector.broadcast %mul3A_2445 : f32 to vector<128x128xf32>
    %mul3A_2447 = arith.mulf %mul3A_2446, %slice3A_2437 : vector<128x128xf32>
    %select_n3A_2448 = arith.select %eq3A_2444, %mul3A_2447, %slice3A_2437 : vector<128x128xi1>, vector<128x128xf32>
    %add3A_2449 = arith.addf %add3A_2436, %select_n3A_2448 : vector<128x128xf32>
    %slice3A_2450 = vector.extract_strided_slice %get3A_1 {offsets = [0, 24064], sizes = [128, 128], strides = [1, 1]} : vector<128x32000xf32> to vector<128x128xf32>
    %iota3A_2451 = tpu.iota {dimensions = array<i32: 1>} : vector<128x128xi32>
    %add3A_2452 = arith.constant 24064 : i32
    %add3A_2453 = vector.broadcast %add3A_2452 : i32 to vector<128x128xi32>
    %add3A_2454 = arith.addi %add3A_2453, %iota3A_2451 : vector<128x128xi32>
    %broadcast_in_dim3A_2455 = vector.shape_cast %get3A_5 : vector<128xi32> to vector<128x1xi32>
    %eq3A_2456 = vector.broadcast %broadcast_in_dim3A_2455 : vector<128x1xi32> to vector<128x128xi32>
    %eq3A_2457 = arith.cmpi eq, %add3A_2454, %eq3A_2456 : vector<128x128xi32>
    %mul3A_2458 = arith.constant 2.879820e+05 : f32
    %mul3A_2459 = vector.broadcast %mul3A_2458 : f32 to vector<128x128xf32>
    %mul3A_2460 = arith.mulf %mul3A_2459, %slice3A_2450 : vector<128x128xf32>
    %select_n3A_2461 = arith.select %eq3A_2457, %mul3A_2460, %slice3A_2450 : vector<128x128xi1>, vector<128x128xf32>
    %add3A_2462 = arith.addf %add3A_2449, %select_n3A_2461 : vector<128x128xf32>
    %slice3A_2463 = vector.extract_strided_slice %get3A_1 {offsets = [0, 24192], sizes = [128, 128], strides = [1, 1]} : vector<128x32000xf32> to vector<128x128xf32>
    %iota3A_2464 = tpu.iota {dimensions = array<i32: 1>} : vector<128x128xi32>
    %add3A_2465 = arith.constant 24192 : i32
    %add3A_2466 = vector.broadcast %add3A_2465 : i32 to vector<128x128xi32>
    %add3A_2467 = arith.addi %add3A_2466, %iota3A_2464 : vector<128x128xi32>
    %broadcast_in_dim3A_2468 = vector.shape_cast %get3A_5 : vector<128xi32> to vector<128x1xi32>
    %eq3A_2469 = vector.broadcast %broadcast_in_dim3A_2468 : vector<128x1xi32> to vector<128x128xi32>
    %eq3A_2470 = arith.cmpi eq, %add3A_2467, %eq3A_2469 : vector<128x128xi32>
    %mul3A_2471 = arith.constant 2.879820e+05 : f32
    %mul3A_2472 = vector.broadcast %mul3A_2471 : f32 to vector<128x128xf32>
    %mul3A_2473 = arith.mulf %mul3A_2472, %slice3A_2463 : vector<128x128xf32>
    %select_n3A_2474 = arith.select %eq3A_2470, %mul3A_2473, %slice3A_2463 : vector<128x128xi1>, vector<128x128xf32>
    %add3A_2475 = arith.addf %add3A_2462, %select_n3A_2474 : vector<128x128xf32>
    %slice3A_2476 = vector.extract_strided_slice %get3A_1 {offsets = [0, 24320], sizes = [128, 128], strides = [1, 1]} : vector<128x32000xf32> to vector<128x128xf32>
    %iota3A_2477 = tpu.iota {dimensions = array<i32: 1>} : vector<128x128xi32>
    %add3A_2478 = arith.constant 24320 : i32
    %add3A_2479 = vector.broadcast %add3A_2478 : i32 to vector<128x128xi32>
    %add3A_2480 = arith.addi %add3A_2479, %iota3A_2477 : vector<128x128xi32>
    %broadcast_in_dim3A_2481 = vector.shape_cast %get3A_5 : vector<128xi32> to vector<128x1xi32>
    %eq3A_2482 = vector.broadcast %broadcast_in_dim3A_2481 : vector<128x1xi32> to vector<128x128xi32>
    %eq3A_2483 = arith.cmpi eq, %add3A_2480, %eq3A_2482 : vector<128x128xi32>
    %mul3A_2484 = arith.constant 2.879820e+05 : f32
    %mul3A_2485 = vector.broadcast %mul3A_2484 : f32 to vector<128x128xf32>
    %mul3A_2486 = arith.mulf %mul3A_2485, %slice3A_2476 : vector<128x128xf32>
    %select_n3A_2487 = arith.select %eq3A_2483, %mul3A_2486, %slice3A_2476 : vector<128x128xi1>, vector<128x128xf32>
    %add3A_2488 = arith.addf %add3A_2475, %select_n3A_2487 : vector<128x128xf32>
    %slice3A_2489 = vector.extract_strided_slice %get3A_1 {offsets = [0, 24448], sizes = [128, 128], strides = [1, 1]} : vector<128x32000xf32> to vector<128x128xf32>
    %iota3A_2490 = tpu.iota {dimensions = array<i32: 1>} : vector<128x128xi32>
    %add3A_2491 = arith.constant 24448 : i32
    %add3A_2492 = vector.broadcast %add3A_2491 : i32 to vector<128x128xi32>
    %add3A_2493 = arith.addi %add3A_2492, %iota3A_2490 : vector<128x128xi32>
    %broadcast_in_dim3A_2494 = vector.shape_cast %get3A_5 : vector<128xi32> to vector<128x1xi32>
    %eq3A_2495 = vector.broadcast %broadcast_in_dim3A_2494 : vector<128x1xi32> to vector<128x128xi32>
    %eq3A_2496 = arith.cmpi eq, %add3A_2493, %eq3A_2495 : vector<128x128xi32>
    %mul3A_2497 = arith.constant 2.879820e+05 : f32
    %mul3A_2498 = vector.broadcast %mul3A_2497 : f32 to vector<128x128xf32>
    %mul3A_2499 = arith.mulf %mul3A_2498, %slice3A_2489 : vector<128x128xf32>
    %select_n3A_2500 = arith.select %eq3A_2496, %mul3A_2499, %slice3A_2489 : vector<128x128xi1>, vector<128x128xf32>
    %add3A_2501 = arith.addf %add3A_2488, %select_n3A_2500 : vector<128x128xf32>
    %slice3A_2502 = vector.extract_strided_slice %get3A_1 {offsets = [0, 24576], sizes = [128, 128], strides = [1, 1]} : vector<128x32000xf32> to vector<128x128xf32>
    %iota3A_2503 = tpu.iota {dimensions = array<i32: 1>} : vector<128x128xi32>
    %add3A_2504 = arith.constant 24576 : i32
    %add3A_2505 = vector.broadcast %add3A_2504 : i32 to vector<128x128xi32>
    %add3A_2506 = arith.addi %add3A_2505, %iota3A_2503 : vector<128x128xi32>
    %broadcast_in_dim3A_2507 = vector.shape_cast %get3A_5 : vector<128xi32> to vector<128x1xi32>
    %eq3A_2508 = vector.broadcast %broadcast_in_dim3A_2507 : vector<128x1xi32> to vector<128x128xi32>
    %eq3A_2509 = arith.cmpi eq, %add3A_2506, %eq3A_2508 : vector<128x128xi32>
    %mul3A_2510 = arith.constant 2.879820e+05 : f32
    %mul3A_2511 = vector.broadcast %mul3A_2510 : f32 to vector<128x128xf32>
    %mul3A_2512 = arith.mulf %mul3A_2511, %slice3A_2502 : vector<128x128xf32>
    %select_n3A_2513 = arith.select %eq3A_2509, %mul3A_2512, %slice3A_2502 : vector<128x128xi1>, vector<128x128xf32>
    %add3A_2514 = arith.addf %add3A_2501, %select_n3A_2513 : vector<128x128xf32>
    %slice3A_2515 = vector.extract_strided_slice %get3A_1 {offsets = [0, 24704], sizes = [128, 128], strides = [1, 1]} : vector<128x32000xf32> to vector<128x128xf32>
    %iota3A_2516 = tpu.iota {dimensions = array<i32: 1>} : vector<128x128xi32>
    %add3A_2517 = arith.constant 24704 : i32
    %add3A_2518 = vector.broadcast %add3A_2517 : i32 to vector<128x128xi32>
    %add3A_2519 = arith.addi %add3A_2518, %iota3A_2516 : vector<128x128xi32>
    %broadcast_in_dim3A_2520 = vector.shape_cast %get3A_5 : vector<128xi32> to vector<128x1xi32>
    %eq3A_2521 = vector.broadcast %broadcast_in_dim3A_2520 : vector<128x1xi32> to vector<128x128xi32>
    %eq3A_2522 = arith.cmpi eq, %add3A_2519, %eq3A_2521 : vector<128x128xi32>
    %mul3A_2523 = arith.constant 2.879820e+05 : f32
    %mul3A_2524 = vector.broadcast %mul3A_2523 : f32 to vector<128x128xf32>
    %mul3A_2525 = arith.mulf %mul3A_2524, %slice3A_2515 : vector<128x128xf32>
    %select_n3A_2526 = arith.select %eq3A_2522, %mul3A_2525, %slice3A_2515 : vector<128x128xi1>, vector<128x128xf32>
    %add3A_2527 = arith.addf %add3A_2514, %select_n3A_2526 : vector<128x128xf32>
    %slice3A_2528 = vector.extract_strided_slice %get3A_1 {offsets = [0, 24832], sizes = [128, 128], strides = [1, 1]} : vector<128x32000xf32> to vector<128x128xf32>
    %iota3A_2529 = tpu.iota {dimensions = array<i32: 1>} : vector<128x128xi32>
    %add3A_2530 = arith.constant 24832 : i32
    %add3A_2531 = vector.broadcast %add3A_2530 : i32 to vector<128x128xi32>
    %add3A_2532 = arith.addi %add3A_2531, %iota3A_2529 : vector<128x128xi32>
    %broadcast_in_dim3A_2533 = vector.shape_cast %get3A_5 : vector<128xi32> to vector<128x1xi32>
    %eq3A_2534 = vector.broadcast %broadcast_in_dim3A_2533 : vector<128x1xi32> to vector<128x128xi32>
    %eq3A_2535 = arith.cmpi eq, %add3A_2532, %eq3A_2534 : vector<128x128xi32>
    %mul3A_2536 = arith.constant 2.879820e+05 : f32
    %mul3A_2537 = vector.broadcast %mul3A_2536 : f32 to vector<128x128xf32>
    %mul3A_2538 = arith.mulf %mul3A_2537, %slice3A_2528 : vector<128x128xf32>
    %select_n3A_2539 = arith.select %eq3A_2535, %mul3A_2538, %slice3A_2528 : vector<128x128xi1>, vector<128x128xf32>
    %add3A_2540 = arith.addf %add3A_2527, %select_n3A_2539 : vector<128x128xf32>
    %slice3A_2541 = vector.extract_strided_slice %get3A_1 {offsets = [0, 24960], sizes = [128, 128], strides = [1, 1]} : vector<128x32000xf32> to vector<128x128xf32>
    %iota3A_2542 = tpu.iota {dimensions = array<i32: 1>} : vector<128x128xi32>
    %add3A_2543 = arith.constant 24960 : i32
    %add3A_2544 = vector.broadcast %add3A_2543 : i32 to vector<128x128xi32>
    %add3A_2545 = arith.addi %add3A_2544, %iota3A_2542 : vector<128x128xi32>
    %broadcast_in_dim3A_2546 = vector.shape_cast %get3A_5 : vector<128xi32> to vector<128x1xi32>
    %eq3A_2547 = vector.broadcast %broadcast_in_dim3A_2546 : vector<128x1xi32> to vector<128x128xi32>
    %eq3A_2548 = arith.cmpi eq, %add3A_2545, %eq3A_2547 : vector<128x128xi32>
    %mul3A_2549 = arith.constant 2.879820e+05 : f32
    %mul3A_2550 = vector.broadcast %mul3A_2549 : f32 to vector<128x128xf32>
    %mul3A_2551 = arith.mulf %mul3A_2550, %slice3A_2541 : vector<128x128xf32>
    %select_n3A_2552 = arith.select %eq3A_2548, %mul3A_2551, %slice3A_2541 : vector<128x128xi1>, vector<128x128xf32>
    %add3A_2553 = arith.addf %add3A_2540, %select_n3A_2552 : vector<128x128xf32>
    %slice3A_2554 = vector.extract_strided_slice %get3A_1 {offsets = [0, 25088], sizes = [128, 128], strides = [1, 1]} : vector<128x32000xf32> to vector<128x128xf32>
    %iota3A_2555 = tpu.iota {dimensions = array<i32: 1>} : vector<128x128xi32>
    %add3A_2556 = arith.constant 25088 : i32
    %add3A_2557 = vector.broadcast %add3A_2556 : i32 to vector<128x128xi32>
    %add3A_2558 = arith.addi %add3A_2557, %iota3A_2555 : vector<128x128xi32>
    %broadcast_in_dim3A_2559 = vector.shape_cast %get3A_5 : vector<128xi32> to vector<128x1xi32>
    %eq3A_2560 = vector.broadcast %broadcast_in_dim3A_2559 : vector<128x1xi32> to vector<128x128xi32>
    %eq3A_2561 = arith.cmpi eq, %add3A_2558, %eq3A_2560 : vector<128x128xi32>
    %mul3A_2562 = arith.constant 2.879820e+05 : f32
    %mul3A_2563 = vector.broadcast %mul3A_2562 : f32 to vector<128x128xf32>
    %mul3A_2564 = arith.mulf %mul3A_2563, %slice3A_2554 : vector<128x128xf32>
    %select_n3A_2565 = arith.select %eq3A_2561, %mul3A_2564, %slice3A_2554 : vector<128x128xi1>, vector<128x128xf32>
    %add3A_2566 = arith.addf %add3A_2553, %select_n3A_2565 : vector<128x128xf32>
    %slice3A_2567 = vector.extract_strided_slice %get3A_1 {offsets = [0, 25216], sizes = [128, 128], strides = [1, 1]} : vector<128x32000xf32> to vector<128x128xf32>
    %iota3A_2568 = tpu.iota {dimensions = array<i32: 1>} : vector<128x128xi32>
    %add3A_2569 = arith.constant 25216 : i32
    %add3A_2570 = vector.broadcast %add3A_2569 : i32 to vector<128x128xi32>
    %add3A_2571 = arith.addi %add3A_2570, %iota3A_2568 : vector<128x128xi32>
    %broadcast_in_dim3A_2572 = vector.shape_cast %get3A_5 : vector<128xi32> to vector<128x1xi32>
    %eq3A_2573 = vector.broadcast %broadcast_in_dim3A_2572 : vector<128x1xi32> to vector<128x128xi32>
    %eq3A_2574 = arith.cmpi eq, %add3A_2571, %eq3A_2573 : vector<128x128xi32>
    %mul3A_2575 = arith.constant 2.879820e+05 : f32
    %mul3A_2576 = vector.broadcast %mul3A_2575 : f32 to vector<128x128xf32>
    %mul3A_2577 = arith.mulf %mul3A_2576, %slice3A_2567 : vector<128x128xf32>
    %select_n3A_2578 = arith.select %eq3A_2574, %mul3A_2577, %slice3A_2567 : vector<128x128xi1>, vector<128x128xf32>
    %add3A_2579 = arith.addf %add3A_2566, %select_n3A_2578 : vector<128x128xf32>
    %slice3A_2580 = vector.extract_strided_slice %get3A_1 {offsets = [0, 25344], sizes = [128, 128], strides = [1, 1]} : vector<128x32000xf32> to vector<128x128xf32>
    %iota3A_2581 = tpu.iota {dimensions = array<i32: 1>} : vector<128x128xi32>
    %add3A_2582 = arith.constant 25344 : i32
    %add3A_2583 = vector.broadcast %add3A_2582 : i32 to vector<128x128xi32>
    %add3A_2584 = arith.addi %add3A_2583, %iota3A_2581 : vector<128x128xi32>
    %broadcast_in_dim3A_2585 = vector.shape_cast %get3A_5 : vector<128xi32> to vector<128x1xi32>
    %eq3A_2586 = vector.broadcast %broadcast_in_dim3A_2585 : vector<128x1xi32> to vector<128x128xi32>
    %eq3A_2587 = arith.cmpi eq, %add3A_2584, %eq3A_2586 : vector<128x128xi32>
    %mul3A_2588 = arith.constant 2.879820e+05 : f32
    %mul3A_2589 = vector.broadcast %mul3A_2588 : f32 to vector<128x128xf32>
    %mul3A_2590 = arith.mulf %mul3A_2589, %slice3A_2580 : vector<128x128xf32>
    %select_n3A_2591 = arith.select %eq3A_2587, %mul3A_2590, %slice3A_2580 : vector<128x128xi1>, vector<128x128xf32>
    %add3A_2592 = arith.addf %add3A_2579, %select_n3A_2591 : vector<128x128xf32>
    %slice3A_2593 = vector.extract_strided_slice %get3A_1 {offsets = [0, 25472], sizes = [128, 128], strides = [1, 1]} : vector<128x32000xf32> to vector<128x128xf32>
    %iota3A_2594 = tpu.iota {dimensions = array<i32: 1>} : vector<128x128xi32>
    %add3A_2595 = arith.constant 25472 : i32
    %add3A_2596 = vector.broadcast %add3A_2595 : i32 to vector<128x128xi32>
    %add3A_2597 = arith.addi %add3A_2596, %iota3A_2594 : vector<128x128xi32>
    %broadcast_in_dim3A_2598 = vector.shape_cast %get3A_5 : vector<128xi32> to vector<128x1xi32>
    %eq3A_2599 = vector.broadcast %broadcast_in_dim3A_2598 : vector<128x1xi32> to vector<128x128xi32>
    %eq3A_2600 = arith.cmpi eq, %add3A_2597, %eq3A_2599 : vector<128x128xi32>
    %mul3A_2601 = arith.constant 2.879820e+05 : f32
    %mul3A_2602 = vector.broadcast %mul3A_2601 : f32 to vector<128x128xf32>
    %mul3A_2603 = arith.mulf %mul3A_2602, %slice3A_2593 : vector<128x128xf32>
    %select_n3A_2604 = arith.select %eq3A_2600, %mul3A_2603, %slice3A_2593 : vector<128x128xi1>, vector<128x128xf32>
    %add3A_2605 = arith.addf %add3A_2592, %select_n3A_2604 : vector<128x128xf32>
    %slice3A_2606 = vector.extract_strided_slice %get3A_1 {offsets = [0, 25600], sizes = [128, 128], strides = [1, 1]} : vector<128x32000xf32> to vector<128x128xf32>
    %iota3A_2607 = tpu.iota {dimensions = array<i32: 1>} : vector<128x128xi32>
    %add3A_2608 = arith.constant 25600 : i32
    %add3A_2609 = vector.broadcast %add3A_2608 : i32 to vector<128x128xi32>
    %add3A_2610 = arith.addi %add3A_2609, %iota3A_2607 : vector<128x128xi32>
    %broadcast_in_dim3A_2611 = vector.shape_cast %get3A_5 : vector<128xi32> to vector<128x1xi32>
    %eq3A_2612 = vector.broadcast %broadcast_in_dim3A_2611 : vector<128x1xi32> to vector<128x128xi32>
    %eq3A_2613 = arith.cmpi eq, %add3A_2610, %eq3A_2612 : vector<128x128xi32>
    %mul3A_2614 = arith.constant 2.879820e+05 : f32
    %mul3A_2615 = vector.broadcast %mul3A_2614 : f32 to vector<128x128xf32>
    %mul3A_2616 = arith.mulf %mul3A_2615, %slice3A_2606 : vector<128x128xf32>
    %select_n3A_2617 = arith.select %eq3A_2613, %mul3A_2616, %slice3A_2606 : vector<128x128xi1>, vector<128x128xf32>
    %add3A_2618 = arith.addf %add3A_2605, %select_n3A_2617 : vector<128x128xf32>
    %slice3A_2619 = vector.extract_strided_slice %get3A_1 {offsets = [0, 25728], sizes = [128, 128], strides = [1, 1]} : vector<128x32000xf32> to vector<128x128xf32>
    %iota3A_2620 = tpu.iota {dimensions = array<i32: 1>} : vector<128x128xi32>
    %add3A_2621 = arith.constant 25728 : i32
    %add3A_2622 = vector.broadcast %add3A_2621 : i32 to vector<128x128xi32>
    %add3A_2623 = arith.addi %add3A_2622, %iota3A_2620 : vector<128x128xi32>
    %broadcast_in_dim3A_2624 = vector.shape_cast %get3A_5 : vector<128xi32> to vector<128x1xi32>
    %eq3A_2625 = vector.broadcast %broadcast_in_dim3A_2624 : vector<128x1xi32> to vector<128x128xi32>
    %eq3A_2626 = arith.cmpi eq, %add3A_2623, %eq3A_2625 : vector<128x128xi32>
    %mul3A_2627 = arith.constant 2.879820e+05 : f32
    %mul3A_2628 = vector.broadcast %mul3A_2627 : f32 to vector<128x128xf32>
    %mul3A_2629 = arith.mulf %mul3A_2628, %slice3A_2619 : vector<128x128xf32>
    %select_n3A_2630 = arith.select %eq3A_2626, %mul3A_2629, %slice3A_2619 : vector<128x128xi1>, vector<128x128xf32>
    %add3A_2631 = arith.addf %add3A_2618, %select_n3A_2630 : vector<128x128xf32>
    %slice3A_2632 = vector.extract_strided_slice %get3A_1 {offsets = [0, 25856], sizes = [128, 128], strides = [1, 1]} : vector<128x32000xf32> to vector<128x128xf32>
    %iota3A_2633 = tpu.iota {dimensions = array<i32: 1>} : vector<128x128xi32>
    %add3A_2634 = arith.constant 25856 : i32
    %add3A_2635 = vector.broadcast %add3A_2634 : i32 to vector<128x128xi32>
    %add3A_2636 = arith.addi %add3A_2635, %iota3A_2633 : vector<128x128xi32>
    %broadcast_in_dim3A_2637 = vector.shape_cast %get3A_5 : vector<128xi32> to vector<128x1xi32>
    %eq3A_2638 = vector.broadcast %broadcast_in_dim3A_2637 : vector<128x1xi32> to vector<128x128xi32>
    %eq3A_2639 = arith.cmpi eq, %add3A_2636, %eq3A_2638 : vector<128x128xi32>
    %mul3A_2640 = arith.constant 2.879820e+05 : f32
    %mul3A_2641 = vector.broadcast %mul3A_2640 : f32 to vector<128x128xf32>
    %mul3A_2642 = arith.mulf %mul3A_2641, %slice3A_2632 : vector<128x128xf32>
    %select_n3A_2643 = arith.select %eq3A_2639, %mul3A_2642, %slice3A_2632 : vector<128x128xi1>, vector<128x128xf32>
    %add3A_2644 = arith.addf %add3A_2631, %select_n3A_2643 : vector<128x128xf32>
    %slice3A_2645 = vector.extract_strided_slice %get3A_1 {offsets = [0, 25984], sizes = [128, 128], strides = [1, 1]} : vector<128x32000xf32> to vector<128x128xf32>
    %iota3A_2646 = tpu.iota {dimensions = array<i32: 1>} : vector<128x128xi32>
    %add3A_2647 = arith.constant 25984 : i32
    %add3A_2648 = vector.broadcast %add3A_2647 : i32 to vector<128x128xi32>
    %add3A_2649 = arith.addi %add3A_2648, %iota3A_2646 : vector<128x128xi32>
    %broadcast_in_dim3A_2650 = vector.shape_cast %get3A_5 : vector<128xi32> to vector<128x1xi32>
    %eq3A_2651 = vector.broadcast %broadcast_in_dim3A_2650 : vector<128x1xi32> to vector<128x128xi32>
    %eq3A_2652 = arith.cmpi eq, %add3A_2649, %eq3A_2651 : vector<128x128xi32>
    %mul3A_2653 = arith.constant 2.879820e+05 : f32
    %mul3A_2654 = vector.broadcast %mul3A_2653 : f32 to vector<128x128xf32>
    %mul3A_2655 = arith.mulf %mul3A_2654, %slice3A_2645 : vector<128x128xf32>
    %select_n3A_2656 = arith.select %eq3A_2652, %mul3A_2655, %slice3A_2645 : vector<128x128xi1>, vector<128x128xf32>
    %add3A_2657 = arith.addf %add3A_2644, %select_n3A_2656 : vector<128x128xf32>
    %slice3A_2658 = vector.extract_strided_slice %get3A_1 {offsets = [0, 26112], sizes = [128, 128], strides = [1, 1]} : vector<128x32000xf32> to vector<128x128xf32>
    %iota3A_2659 = tpu.iota {dimensions = array<i32: 1>} : vector<128x128xi32>
    %add3A_2660 = arith.constant 26112 : i32
    %add3A_2661 = vector.broadcast %add3A_2660 : i32 to vector<128x128xi32>
    %add3A_2662 = arith.addi %add3A_2661, %iota3A_2659 : vector<128x128xi32>
    %broadcast_in_dim3A_2663 = vector.shape_cast %get3A_5 : vector<128xi32> to vector<128x1xi32>
    %eq3A_2664 = vector.broadcast %broadcast_in_dim3A_2663 : vector<128x1xi32> to vector<128x128xi32>
    %eq3A_2665 = arith.cmpi eq, %add3A_2662, %eq3A_2664 : vector<128x128xi32>
    %mul3A_2666 = arith.constant 2.879820e+05 : f32
    %mul3A_2667 = vector.broadcast %mul3A_2666 : f32 to vector<128x128xf32>
    %mul3A_2668 = arith.mulf %mul3A_2667, %slice3A_2658 : vector<128x128xf32>
    %select_n3A_2669 = arith.select %eq3A_2665, %mul3A_2668, %slice3A_2658 : vector<128x128xi1>, vector<128x128xf32>
    %add3A_2670 = arith.addf %add3A_2657, %select_n3A_2669 : vector<128x128xf32>
    %slice3A_2671 = vector.extract_strided_slice %get3A_1 {offsets = [0, 26240], sizes = [128, 128], strides = [1, 1]} : vector<128x32000xf32> to vector<128x128xf32>
    %iota3A_2672 = tpu.iota {dimensions = array<i32: 1>} : vector<128x128xi32>
    %add3A_2673 = arith.constant 26240 : i32
    %add3A_2674 = vector.broadcast %add3A_2673 : i32 to vector<128x128xi32>
    %add3A_2675 = arith.addi %add3A_2674, %iota3A_2672 : vector<128x128xi32>
    %broadcast_in_dim3A_2676 = vector.shape_cast %get3A_5 : vector<128xi32> to vector<128x1xi32>
    %eq3A_2677 = vector.broadcast %broadcast_in_dim3A_2676 : vector<128x1xi32> to vector<128x128xi32>
    %eq3A_2678 = arith.cmpi eq, %add3A_2675, %eq3A_2677 : vector<128x128xi32>
    %mul3A_2679 = arith.constant 2.879820e+05 : f32
    %mul3A_2680 = vector.broadcast %mul3A_2679 : f32 to vector<128x128xf32>
    %mul3A_2681 = arith.mulf %mul3A_2680, %slice3A_2671 : vector<128x128xf32>
    %select_n3A_2682 = arith.select %eq3A_2678, %mul3A_2681, %slice3A_2671 : vector<128x128xi1>, vector<128x128xf32>
    %add3A_2683 = arith.addf %add3A_2670, %select_n3A_2682 : vector<128x128xf32>
    %slice3A_2684 = vector.extract_strided_slice %get3A_1 {offsets = [0, 26368], sizes = [128, 128], strides = [1, 1]} : vector<128x32000xf32> to vector<128x128xf32>
    %iota3A_2685 = tpu.iota {dimensions = array<i32: 1>} : vector<128x128xi32>
    %add3A_2686 = arith.constant 26368 : i32
    %add3A_2687 = vector.broadcast %add3A_2686 : i32 to vector<128x128xi32>
    %add3A_2688 = arith.addi %add3A_2687, %iota3A_2685 : vector<128x128xi32>
    %broadcast_in_dim3A_2689 = vector.shape_cast %get3A_5 : vector<128xi32> to vector<128x1xi32>
    %eq3A_2690 = vector.broadcast %broadcast_in_dim3A_2689 : vector<128x1xi32> to vector<128x128xi32>
    %eq3A_2691 = arith.cmpi eq, %add3A_2688, %eq3A_2690 : vector<128x128xi32>
    %mul3A_2692 = arith.constant 2.879820e+05 : f32
    %mul3A_2693 = vector.broadcast %mul3A_2692 : f32 to vector<128x128xf32>
    %mul3A_2694 = arith.mulf %mul3A_2693, %slice3A_2684 : vector<128x128xf32>
    %select_n3A_2695 = arith.select %eq3A_2691, %mul3A_2694, %slice3A_2684 : vector<128x128xi1>, vector<128x128xf32>
    %add3A_2696 = arith.addf %add3A_2683, %select_n3A_2695 : vector<128x128xf32>
    %slice3A_2697 = vector.extract_strided_slice %get3A_1 {offsets = [0, 26496], sizes = [128, 128], strides = [1, 1]} : vector<128x32000xf32> to vector<128x128xf32>
    %iota3A_2698 = tpu.iota {dimensions = array<i32: 1>} : vector<128x128xi32>
    %add3A_2699 = arith.constant 26496 : i32
    %add3A_2700 = vector.broadcast %add3A_2699 : i32 to vector<128x128xi32>
    %add3A_2701 = arith.addi %add3A_2700, %iota3A_2698 : vector<128x128xi32>
    %broadcast_in_dim3A_2702 = vector.shape_cast %get3A_5 : vector<128xi32> to vector<128x1xi32>
    %eq3A_2703 = vector.broadcast %broadcast_in_dim3A_2702 : vector<128x1xi32> to vector<128x128xi32>
    %eq3A_2704 = arith.cmpi eq, %add3A_2701, %eq3A_2703 : vector<128x128xi32>
    %mul3A_2705 = arith.constant 2.879820e+05 : f32
    %mul3A_2706 = vector.broadcast %mul3A_2705 : f32 to vector<128x128xf32>
    %mul3A_2707 = arith.mulf %mul3A_2706, %slice3A_2697 : vector<128x128xf32>
    %select_n3A_2708 = arith.select %eq3A_2704, %mul3A_2707, %slice3A_2697 : vector<128x128xi1>, vector<128x128xf32>
    %add3A_2709 = arith.addf %add3A_2696, %select_n3A_2708 : vector<128x128xf32>
    %slice3A_2710 = vector.extract_strided_slice %get3A_1 {offsets = [0, 26624], sizes = [128, 128], strides = [1, 1]} : vector<128x32000xf32> to vector<128x128xf32>
    %iota3A_2711 = tpu.iota {dimensions = array<i32: 1>} : vector<128x128xi32>
    %add3A_2712 = arith.constant 26624 : i32
    %add3A_2713 = vector.broadcast %add3A_2712 : i32 to vector<128x128xi32>
    %add3A_2714 = arith.addi %add3A_2713, %iota3A_2711 : vector<128x128xi32>
    %broadcast_in_dim3A_2715 = vector.shape_cast %get3A_5 : vector<128xi32> to vector<128x1xi32>
    %eq3A_2716 = vector.broadcast %broadcast_in_dim3A_2715 : vector<128x1xi32> to vector<128x128xi32>
    %eq3A_2717 = arith.cmpi eq, %add3A_2714, %eq3A_2716 : vector<128x128xi32>
    %mul3A_2718 = arith.constant 2.879820e+05 : f32
    %mul3A_2719 = vector.broadcast %mul3A_2718 : f32 to vector<128x128xf32>
    %mul3A_2720 = arith.mulf %mul3A_2719, %slice3A_2710 : vector<128x128xf32>
    %select_n3A_2721 = arith.select %eq3A_2717, %mul3A_2720, %slice3A_2710 : vector<128x128xi1>, vector<128x128xf32>
    %add3A_2722 = arith.addf %add3A_2709, %select_n3A_2721 : vector<128x128xf32>
    %slice3A_2723 = vector.extract_strided_slice %get3A_1 {offsets = [0, 26752], sizes = [128, 128], strides = [1, 1]} : vector<128x32000xf32> to vector<128x128xf32>
    %iota3A_2724 = tpu.iota {dimensions = array<i32: 1>} : vector<128x128xi32>
    %add3A_2725 = arith.constant 26752 : i32
    %add3A_2726 = vector.broadcast %add3A_2725 : i32 to vector<128x128xi32>
    %add3A_2727 = arith.addi %add3A_2726, %iota3A_2724 : vector<128x128xi32>
    %broadcast_in_dim3A_2728 = vector.shape_cast %get3A_5 : vector<128xi32> to vector<128x1xi32>
    %eq3A_2729 = vector.broadcast %broadcast_in_dim3A_2728 : vector<128x1xi32> to vector<128x128xi32>
    %eq3A_2730 = arith.cmpi eq, %add3A_2727, %eq3A_2729 : vector<128x128xi32>
    %mul3A_2731 = arith.constant 2.879820e+05 : f32
    %mul3A_2732 = vector.broadcast %mul3A_2731 : f32 to vector<128x128xf32>
    %mul3A_2733 = arith.mulf %mul3A_2732, %slice3A_2723 : vector<128x128xf32>
    %select_n3A_2734 = arith.select %eq3A_2730, %mul3A_2733, %slice3A_2723 : vector<128x128xi1>, vector<128x128xf32>
    %add3A_2735 = arith.addf %add3A_2722, %select_n3A_2734 : vector<128x128xf32>
    %slice3A_2736 = vector.extract_strided_slice %get3A_1 {offsets = [0, 26880], sizes = [128, 128], strides = [1, 1]} : vector<128x32000xf32> to vector<128x128xf32>
    %iota3A_2737 = tpu.iota {dimensions = array<i32: 1>} : vector<128x128xi32>
    %add3A_2738 = arith.constant 26880 : i32
    %add3A_2739 = vector.broadcast %add3A_2738 : i32 to vector<128x128xi32>
    %add3A_2740 = arith.addi %add3A_2739, %iota3A_2737 : vector<128x128xi32>
    %broadcast_in_dim3A_2741 = vector.shape_cast %get3A_5 : vector<128xi32> to vector<128x1xi32>
    %eq3A_2742 = vector.broadcast %broadcast_in_dim3A_2741 : vector<128x1xi32> to vector<128x128xi32>
    %eq3A_2743 = arith.cmpi eq, %add3A_2740, %eq3A_2742 : vector<128x128xi32>
    %mul3A_2744 = arith.constant 2.879820e+05 : f32
    %mul3A_2745 = vector.broadcast %mul3A_2744 : f32 to vector<128x128xf32>
    %mul3A_2746 = arith.mulf %mul3A_2745, %slice3A_2736 : vector<128x128xf32>
    %select_n3A_2747 = arith.select %eq3A_2743, %mul3A_2746, %slice3A_2736 : vector<128x128xi1>, vector<128x128xf32>
    %add3A_2748 = arith.addf %add3A_2735, %select_n3A_2747 : vector<128x128xf32>
    %slice3A_2749 = vector.extract_strided_slice %get3A_1 {offsets = [0, 27008], sizes = [128, 128], strides = [1, 1]} : vector<128x32000xf32> to vector<128x128xf32>
    %iota3A_2750 = tpu.iota {dimensions = array<i32: 1>} : vector<128x128xi32>
    %add3A_2751 = arith.constant 27008 : i32
    %add3A_2752 = vector.broadcast %add3A_2751 : i32 to vector<128x128xi32>
    %add3A_2753 = arith.addi %add3A_2752, %iota3A_2750 : vector<128x128xi32>
    %broadcast_in_dim3A_2754 = vector.shape_cast %get3A_5 : vector<128xi32> to vector<128x1xi32>
    %eq3A_2755 = vector.broadcast %broadcast_in_dim3A_2754 : vector<128x1xi32> to vector<128x128xi32>
    %eq3A_2756 = arith.cmpi eq, %add3A_2753, %eq3A_2755 : vector<128x128xi32>
    %mul3A_2757 = arith.constant 2.879820e+05 : f32
    %mul3A_2758 = vector.broadcast %mul3A_2757 : f32 to vector<128x128xf32>
    %mul3A_2759 = arith.mulf %mul3A_2758, %slice3A_2749 : vector<128x128xf32>
    %select_n3A_2760 = arith.select %eq3A_2756, %mul3A_2759, %slice3A_2749 : vector<128x128xi1>, vector<128x128xf32>
    %add3A_2761 = arith.addf %add3A_2748, %select_n3A_2760 : vector<128x128xf32>
    %slice3A_2762 = vector.extract_strided_slice %get3A_1 {offsets = [0, 27136], sizes = [128, 128], strides = [1, 1]} : vector<128x32000xf32> to vector<128x128xf32>
    %iota3A_2763 = tpu.iota {dimensions = array<i32: 1>} : vector<128x128xi32>
    %add3A_2764 = arith.constant 27136 : i32
    %add3A_2765 = vector.broadcast %add3A_2764 : i32 to vector<128x128xi32>
    %add3A_2766 = arith.addi %add3A_2765, %iota3A_2763 : vector<128x128xi32>
    %broadcast_in_dim3A_2767 = vector.shape_cast %get3A_5 : vector<128xi32> to vector<128x1xi32>
    %eq3A_2768 = vector.broadcast %broadcast_in_dim3A_2767 : vector<128x1xi32> to vector<128x128xi32>
    %eq3A_2769 = arith.cmpi eq, %add3A_2766, %eq3A_2768 : vector<128x128xi32>
    %mul3A_2770 = arith.constant 2.879820e+05 : f32
    %mul3A_2771 = vector.broadcast %mul3A_2770 : f32 to vector<128x128xf32>
    %mul3A_2772 = arith.mulf %mul3A_2771, %slice3A_2762 : vector<128x128xf32>
    %select_n3A_2773 = arith.select %eq3A_2769, %mul3A_2772, %slice3A_2762 : vector<128x128xi1>, vector<128x128xf32>
    %add3A_2774 = arith.addf %add3A_2761, %select_n3A_2773 : vector<128x128xf32>
    %slice3A_2775 = vector.extract_strided_slice %get3A_1 {offsets = [0, 27264], sizes = [128, 128], strides = [1, 1]} : vector<128x32000xf32> to vector<128x128xf32>
    %iota3A_2776 = tpu.iota {dimensions = array<i32: 1>} : vector<128x128xi32>
    %add3A_2777 = arith.constant 27264 : i32
    %add3A_2778 = vector.broadcast %add3A_2777 : i32 to vector<128x128xi32>
    %add3A_2779 = arith.addi %add3A_2778, %iota3A_2776 : vector<128x128xi32>
    %broadcast_in_dim3A_2780 = vector.shape_cast %get3A_5 : vector<128xi32> to vector<128x1xi32>
    %eq3A_2781 = vector.broadcast %broadcast_in_dim3A_2780 : vector<128x1xi32> to vector<128x128xi32>
    %eq3A_2782 = arith.cmpi eq, %add3A_2779, %eq3A_2781 : vector<128x128xi32>
    %mul3A_2783 = arith.constant 2.879820e+05 : f32
    %mul3A_2784 = vector.broadcast %mul3A_2783 : f32 to vector<128x128xf32>
    %mul3A_2785 = arith.mulf %mul3A_2784, %slice3A_2775 : vector<128x128xf32>
    %select_n3A_2786 = arith.select %eq3A_2782, %mul3A_2785, %slice3A_2775 : vector<128x128xi1>, vector<128x128xf32>
    %add3A_2787 = arith.addf %add3A_2774, %select_n3A_2786 : vector<128x128xf32>
    %slice3A_2788 = vector.extract_strided_slice %get3A_1 {offsets = [0, 27392], sizes = [128, 128], strides = [1, 1]} : vector<128x32000xf32> to vector<128x128xf32>
    %iota3A_2789 = tpu.iota {dimensions = array<i32: 1>} : vector<128x128xi32>
    %add3A_2790 = arith.constant 27392 : i32
    %add3A_2791 = vector.broadcast %add3A_2790 : i32 to vector<128x128xi32>
    %add3A_2792 = arith.addi %add3A_2791, %iota3A_2789 : vector<128x128xi32>
    %broadcast_in_dim3A_2793 = vector.shape_cast %get3A_5 : vector<128xi32> to vector<128x1xi32>
    %eq3A_2794 = vector.broadcast %broadcast_in_dim3A_2793 : vector<128x1xi32> to vector<128x128xi32>
    %eq3A_2795 = arith.cmpi eq, %add3A_2792, %eq3A_2794 : vector<128x128xi32>
    %mul3A_2796 = arith.constant 2.879820e+05 : f32
    %mul3A_2797 = vector.broadcast %mul3A_2796 : f32 to vector<128x128xf32>
    %mul3A_2798 = arith.mulf %mul3A_2797, %slice3A_2788 : vector<128x128xf32>
    %select_n3A_2799 = arith.select %eq3A_2795, %mul3A_2798, %slice3A_2788 : vector<128x128xi1>, vector<128x128xf32>
    %add3A_2800 = arith.addf %add3A_2787, %select_n3A_2799 : vector<128x128xf32>
    %slice3A_2801 = vector.extract_strided_slice %get3A_1 {offsets = [0, 27520], sizes = [128, 128], strides = [1, 1]} : vector<128x32000xf32> to vector<128x128xf32>
    %iota3A_2802 = tpu.iota {dimensions = array<i32: 1>} : vector<128x128xi32>
    %add3A_2803 = arith.constant 27520 : i32
    %add3A_2804 = vector.broadcast %add3A_2803 : i32 to vector<128x128xi32>
    %add3A_2805 = arith.addi %add3A_2804, %iota3A_2802 : vector<128x128xi32>
    %broadcast_in_dim3A_2806 = vector.shape_cast %get3A_5 : vector<128xi32> to vector<128x1xi32>
    %eq3A_2807 = vector.broadcast %broadcast_in_dim3A_2806 : vector<128x1xi32> to vector<128x128xi32>
    %eq3A_2808 = arith.cmpi eq, %add3A_2805, %eq3A_2807 : vector<128x128xi32>
    %mul3A_2809 = arith.constant 2.879820e+05 : f32
    %mul3A_2810 = vector.broadcast %mul3A_2809 : f32 to vector<128x128xf32>
    %mul3A_2811 = arith.mulf %mul3A_2810, %slice3A_2801 : vector<128x128xf32>
    %select_n3A_2812 = arith.select %eq3A_2808, %mul3A_2811, %slice3A_2801 : vector<128x128xi1>, vector<128x128xf32>
    %add3A_2813 = arith.addf %add3A_2800, %select_n3A_2812 : vector<128x128xf32>
    %slice3A_2814 = vector.extract_strided_slice %get3A_1 {offsets = [0, 27648], sizes = [128, 128], strides = [1, 1]} : vector<128x32000xf32> to vector<128x128xf32>
    %iota3A_2815 = tpu.iota {dimensions = array<i32: 1>} : vector<128x128xi32>
    %add3A_2816 = arith.constant 27648 : i32
    %add3A_2817 = vector.broadcast %add3A_2816 : i32 to vector<128x128xi32>
    %add3A_2818 = arith.addi %add3A_2817, %iota3A_2815 : vector<128x128xi32>
    %broadcast_in_dim3A_2819 = vector.shape_cast %get3A_5 : vector<128xi32> to vector<128x1xi32>
    %eq3A_2820 = vector.broadcast %broadcast_in_dim3A_2819 : vector<128x1xi32> to vector<128x128xi32>
    %eq3A_2821 = arith.cmpi eq, %add3A_2818, %eq3A_2820 : vector<128x128xi32>
    %mul3A_2822 = arith.constant 2.879820e+05 : f32
    %mul3A_2823 = vector.broadcast %mul3A_2822 : f32 to vector<128x128xf32>
    %mul3A_2824 = arith.mulf %mul3A_2823, %slice3A_2814 : vector<128x128xf32>
    %select_n3A_2825 = arith.select %eq3A_2821, %mul3A_2824, %slice3A_2814 : vector<128x128xi1>, vector<128x128xf32>
    %add3A_2826 = arith.addf %add3A_2813, %select_n3A_2825 : vector<128x128xf32>
    %slice3A_2827 = vector.extract_strided_slice %get3A_1 {offsets = [0, 27776], sizes = [128, 128], strides = [1, 1]} : vector<128x32000xf32> to vector<128x128xf32>
    %iota3A_2828 = tpu.iota {dimensions = array<i32: 1>} : vector<128x128xi32>
    %add3A_2829 = arith.constant 27776 : i32
    %add3A_2830 = vector.broadcast %add3A_2829 : i32 to vector<128x128xi32>
    %add3A_2831 = arith.addi %add3A_2830, %iota3A_2828 : vector<128x128xi32>
    %broadcast_in_dim3A_2832 = vector.shape_cast %get3A_5 : vector<128xi32> to vector<128x1xi32>
    %eq3A_2833 = vector.broadcast %broadcast_in_dim3A_2832 : vector<128x1xi32> to vector<128x128xi32>
    %eq3A_2834 = arith.cmpi eq, %add3A_2831, %eq3A_2833 : vector<128x128xi32>
    %mul3A_2835 = arith.constant 2.879820e+05 : f32
    %mul3A_2836 = vector.broadcast %mul3A_2835 : f32 to vector<128x128xf32>
    %mul3A_2837 = arith.mulf %mul3A_2836, %slice3A_2827 : vector<128x128xf32>
    %select_n3A_2838 = arith.select %eq3A_2834, %mul3A_2837, %slice3A_2827 : vector<128x128xi1>, vector<128x128xf32>
    %add3A_2839 = arith.addf %add3A_2826, %select_n3A_2838 : vector<128x128xf32>
    %slice3A_2840 = vector.extract_strided_slice %get3A_1 {offsets = [0, 27904], sizes = [128, 128], strides = [1, 1]} : vector<128x32000xf32> to vector<128x128xf32>
    %iota3A_2841 = tpu.iota {dimensions = array<i32: 1>} : vector<128x128xi32>
    %add3A_2842 = arith.constant 27904 : i32
    %add3A_2843 = vector.broadcast %add3A_2842 : i32 to vector<128x128xi32>
    %add3A_2844 = arith.addi %add3A_2843, %iota3A_2841 : vector<128x128xi32>
    %broadcast_in_dim3A_2845 = vector.shape_cast %get3A_5 : vector<128xi32> to vector<128x1xi32>
    %eq3A_2846 = vector.broadcast %broadcast_in_dim3A_2845 : vector<128x1xi32> to vector<128x128xi32>
    %eq3A_2847 = arith.cmpi eq, %add3A_2844, %eq3A_2846 : vector<128x128xi32>
    %mul3A_2848 = arith.constant 2.879820e+05 : f32
    %mul3A_2849 = vector.broadcast %mul3A_2848 : f32 to vector<128x128xf32>
    %mul3A_2850 = arith.mulf %mul3A_2849, %slice3A_2840 : vector<128x128xf32>
    %select_n3A_2851 = arith.select %eq3A_2847, %mul3A_2850, %slice3A_2840 : vector<128x128xi1>, vector<128x128xf32>
    %add3A_2852 = arith.addf %add3A_2839, %select_n3A_2851 : vector<128x128xf32>
    %slice3A_2853 = vector.extract_strided_slice %get3A_1 {offsets = [0, 28032], sizes = [128, 128], strides = [1, 1]} : vector<128x32000xf32> to vector<128x128xf32>
    %iota3A_2854 = tpu.iota {dimensions = array<i32: 1>} : vector<128x128xi32>
    %add3A_2855 = arith.constant 28032 : i32
    %add3A_2856 = vector.broadcast %add3A_2855 : i32 to vector<128x128xi32>
    %add3A_2857 = arith.addi %add3A_2856, %iota3A_2854 : vector<128x128xi32>
    %broadcast_in_dim3A_2858 = vector.shape_cast %get3A_5 : vector<128xi32> to vector<128x1xi32>
    %eq3A_2859 = vector.broadcast %broadcast_in_dim3A_2858 : vector<128x1xi32> to vector<128x128xi32>
    %eq3A_2860 = arith.cmpi eq, %add3A_2857, %eq3A_2859 : vector<128x128xi32>
    %mul3A_2861 = arith.constant 2.879820e+05 : f32
    %mul3A_2862 = vector.broadcast %mul3A_2861 : f32 to vector<128x128xf32>
    %mul3A_2863 = arith.mulf %mul3A_2862, %slice3A_2853 : vector<128x128xf32>
    %select_n3A_2864 = arith.select %eq3A_2860, %mul3A_2863, %slice3A_2853 : vector<128x128xi1>, vector<128x128xf32>
    %add3A_2865 = arith.addf %add3A_2852, %select_n3A_2864 : vector<128x128xf32>
    %slice3A_2866 = vector.extract_strided_slice %get3A_1 {offsets = [0, 28160], sizes = [128, 128], strides = [1, 1]} : vector<128x32000xf32> to vector<128x128xf32>
    %iota3A_2867 = tpu.iota {dimensions = array<i32: 1>} : vector<128x128xi32>
    %add3A_2868 = arith.constant 28160 : i32
    %add3A_2869 = vector.broadcast %add3A_2868 : i32 to vector<128x128xi32>
    %add3A_2870 = arith.addi %add3A_2869, %iota3A_2867 : vector<128x128xi32>
    %broadcast_in_dim3A_2871 = vector.shape_cast %get3A_5 : vector<128xi32> to vector<128x1xi32>
    %eq3A_2872 = vector.broadcast %broadcast_in_dim3A_2871 : vector<128x1xi32> to vector<128x128xi32>
    %eq3A_2873 = arith.cmpi eq, %add3A_2870, %eq3A_2872 : vector<128x128xi32>
    %mul3A_2874 = arith.constant 2.879820e+05 : f32
    %mul3A_2875 = vector.broadcast %mul3A_2874 : f32 to vector<128x128xf32>
    %mul3A_2876 = arith.mulf %mul3A_2875, %slice3A_2866 : vector<128x128xf32>
    %select_n3A_2877 = arith.select %eq3A_2873, %mul3A_2876, %slice3A_2866 : vector<128x128xi1>, vector<128x128xf32>
    %add3A_2878 = arith.addf %add3A_2865, %select_n3A_2877 : vector<128x128xf32>
    %slice3A_2879 = vector.extract_strided_slice %get3A_1 {offsets = [0, 28288], sizes = [128, 128], strides = [1, 1]} : vector<128x32000xf32> to vector<128x128xf32>
    %iota3A_2880 = tpu.iota {dimensions = array<i32: 1>} : vector<128x128xi32>
    %add3A_2881 = arith.constant 28288 : i32
    %add3A_2882 = vector.broadcast %add3A_2881 : i32 to vector<128x128xi32>
    %add3A_2883 = arith.addi %add3A_2882, %iota3A_2880 : vector<128x128xi32>
    %broadcast_in_dim3A_2884 = vector.shape_cast %get3A_5 : vector<128xi32> to vector<128x1xi32>
    %eq3A_2885 = vector.broadcast %broadcast_in_dim3A_2884 : vector<128x1xi32> to vector<128x128xi32>
    %eq3A_2886 = arith.cmpi eq, %add3A_2883, %eq3A_2885 : vector<128x128xi32>
    %mul3A_2887 = arith.constant 2.879820e+05 : f32
    %mul3A_2888 = vector.broadcast %mul3A_2887 : f32 to vector<128x128xf32>
    %mul3A_2889 = arith.mulf %mul3A_2888, %slice3A_2879 : vector<128x128xf32>
    %select_n3A_2890 = arith.select %eq3A_2886, %mul3A_2889, %slice3A_2879 : vector<128x128xi1>, vector<128x128xf32>
    %add3A_2891 = arith.addf %add3A_2878, %select_n3A_2890 : vector<128x128xf32>
    %slice3A_2892 = vector.extract_strided_slice %get3A_1 {offsets = [0, 28416], sizes = [128, 128], strides = [1, 1]} : vector<128x32000xf32> to vector<128x128xf32>
    %iota3A_2893 = tpu.iota {dimensions = array<i32: 1>} : vector<128x128xi32>
    %add3A_2894 = arith.constant 28416 : i32
    %add3A_2895 = vector.broadcast %add3A_2894 : i32 to vector<128x128xi32>
    %add3A_2896 = arith.addi %add3A_2895, %iota3A_2893 : vector<128x128xi32>
    %broadcast_in_dim3A_2897 = vector.shape_cast %get3A_5 : vector<128xi32> to vector<128x1xi32>
    %eq3A_2898 = vector.broadcast %broadcast_in_dim3A_2897 : vector<128x1xi32> to vector<128x128xi32>
    %eq3A_2899 = arith.cmpi eq, %add3A_2896, %eq3A_2898 : vector<128x128xi32>
    %mul3A_2900 = arith.constant 2.879820e+05 : f32
    %mul3A_2901 = vector.broadcast %mul3A_2900 : f32 to vector<128x128xf32>
    %mul3A_2902 = arith.mulf %mul3A_2901, %slice3A_2892 : vector<128x128xf32>
    %select_n3A_2903 = arith.select %eq3A_2899, %mul3A_2902, %slice3A_2892 : vector<128x128xi1>, vector<128x128xf32>
    %add3A_2904 = arith.addf %add3A_2891, %select_n3A_2903 : vector<128x128xf32>
    %slice3A_2905 = vector.extract_strided_slice %get3A_1 {offsets = [0, 28544], sizes = [128, 128], strides = [1, 1]} : vector<128x32000xf32> to vector<128x128xf32>
    %iota3A_2906 = tpu.iota {dimensions = array<i32: 1>} : vector<128x128xi32>
    %add3A_2907 = arith.constant 28544 : i32
    %add3A_2908 = vector.broadcast %add3A_2907 : i32 to vector<128x128xi32>
    %add3A_2909 = arith.addi %add3A_2908, %iota3A_2906 : vector<128x128xi32>
    %broadcast_in_dim3A_2910 = vector.shape_cast %get3A_5 : vector<128xi32> to vector<128x1xi32>
    %eq3A_2911 = vector.broadcast %broadcast_in_dim3A_2910 : vector<128x1xi32> to vector<128x128xi32>
    %eq3A_2912 = arith.cmpi eq, %add3A_2909, %eq3A_2911 : vector<128x128xi32>
    %mul3A_2913 = arith.constant 2.879820e+05 : f32
    %mul3A_2914 = vector.broadcast %mul3A_2913 : f32 to vector<128x128xf32>
    %mul3A_2915 = arith.mulf %mul3A_2914, %slice3A_2905 : vector<128x128xf32>
    %select_n3A_2916 = arith.select %eq3A_2912, %mul3A_2915, %slice3A_2905 : vector<128x128xi1>, vector<128x128xf32>
    %add3A_2917 = arith.addf %add3A_2904, %select_n3A_2916 : vector<128x128xf32>
    %slice3A_2918 = vector.extract_strided_slice %get3A_1 {offsets = [0, 28672], sizes = [128, 128], strides = [1, 1]} : vector<128x32000xf32> to vector<128x128xf32>
    %iota3A_2919 = tpu.iota {dimensions = array<i32: 1>} : vector<128x128xi32>
    %add3A_2920 = arith.constant 28672 : i32
    %add3A_2921 = vector.broadcast %add3A_2920 : i32 to vector<128x128xi32>
    %add3A_2922 = arith.addi %add3A_2921, %iota3A_2919 : vector<128x128xi32>
    %broadcast_in_dim3A_2923 = vector.shape_cast %get3A_5 : vector<128xi32> to vector<128x1xi32>
    %eq3A_2924 = vector.broadcast %broadcast_in_dim3A_2923 : vector<128x1xi32> to vector<128x128xi32>
    %eq3A_2925 = arith.cmpi eq, %add3A_2922, %eq3A_2924 : vector<128x128xi32>
    %mul3A_2926 = arith.constant 2.879820e+05 : f32
    %mul3A_2927 = vector.broadcast %mul3A_2926 : f32 to vector<128x128xf32>
    %mul3A_2928 = arith.mulf %mul3A_2927, %slice3A_2918 : vector<128x128xf32>
    %select_n3A_2929 = arith.select %eq3A_2925, %mul3A_2928, %slice3A_2918 : vector<128x128xi1>, vector<128x128xf32>
    %add3A_2930 = arith.addf %add3A_2917, %select_n3A_2929 : vector<128x128xf32>
    %slice3A_2931 = vector.extract_strided_slice %get3A_1 {offsets = [0, 28800], sizes = [128, 128], strides = [1, 1]} : vector<128x32000xf32> to vector<128x128xf32>
    %iota3A_2932 = tpu.iota {dimensions = array<i32: 1>} : vector<128x128xi32>
    %add3A_2933 = arith.constant 28800 : i32
    %add3A_2934 = vector.broadcast %add3A_2933 : i32 to vector<128x128xi32>
    %add3A_2935 = arith.addi %add3A_2934, %iota3A_2932 : vector<128x128xi32>
    %broadcast_in_dim3A_2936 = vector.shape_cast %get3A_5 : vector<128xi32> to vector<128x1xi32>
    %eq3A_2937 = vector.broadcast %broadcast_in_dim3A_2936 : vector<128x1xi32> to vector<128x128xi32>
    %eq3A_2938 = arith.cmpi eq, %add3A_2935, %eq3A_2937 : vector<128x128xi32>
    %mul3A_2939 = arith.constant 2.879820e+05 : f32
    %mul3A_2940 = vector.broadcast %mul3A_2939 : f32 to vector<128x128xf32>
    %mul3A_2941 = arith.mulf %mul3A_2940, %slice3A_2931 : vector<128x128xf32>
    %select_n3A_2942 = arith.select %eq3A_2938, %mul3A_2941, %slice3A_2931 : vector<128x128xi1>, vector<128x128xf32>
    %add3A_2943 = arith.addf %add3A_2930, %select_n3A_2942 : vector<128x128xf32>
    %slice3A_2944 = vector.extract_strided_slice %get3A_1 {offsets = [0, 28928], sizes = [128, 128], strides = [1, 1]} : vector<128x32000xf32> to vector<128x128xf32>
    %iota3A_2945 = tpu.iota {dimensions = array<i32: 1>} : vector<128x128xi32>
    %add3A_2946 = arith.constant 28928 : i32
    %add3A_2947 = vector.broadcast %add3A_2946 : i32 to vector<128x128xi32>
    %add3A_2948 = arith.addi %add3A_2947, %iota3A_2945 : vector<128x128xi32>
    %broadcast_in_dim3A_2949 = vector.shape_cast %get3A_5 : vector<128xi32> to vector<128x1xi32>
    %eq3A_2950 = vector.broadcast %broadcast_in_dim3A_2949 : vector<128x1xi32> to vector<128x128xi32>
    %eq3A_2951 = arith.cmpi eq, %add3A_2948, %eq3A_2950 : vector<128x128xi32>
    %mul3A_2952 = arith.constant 2.879820e+05 : f32
    %mul3A_2953 = vector.broadcast %mul3A_2952 : f32 to vector<128x128xf32>
    %mul3A_2954 = arith.mulf %mul3A_2953, %slice3A_2944 : vector<128x128xf32>
    %select_n3A_2955 = arith.select %eq3A_2951, %mul3A_2954, %slice3A_2944 : vector<128x128xi1>, vector<128x128xf32>
    %add3A_2956 = arith.addf %add3A_2943, %select_n3A_2955 : vector<128x128xf32>
    %slice3A_2957 = vector.extract_strided_slice %get3A_1 {offsets = [0, 29056], sizes = [128, 128], strides = [1, 1]} : vector<128x32000xf32> to vector<128x128xf32>
    %iota3A_2958 = tpu.iota {dimensions = array<i32: 1>} : vector<128x128xi32>
    %add3A_2959 = arith.constant 29056 : i32
    %add3A_2960 = vector.broadcast %add3A_2959 : i32 to vector<128x128xi32>
    %add3A_2961 = arith.addi %add3A_2960, %iota3A_2958 : vector<128x128xi32>
    %broadcast_in_dim3A_2962 = vector.shape_cast %get3A_5 : vector<128xi32> to vector<128x1xi32>
    %eq3A_2963 = vector.broadcast %broadcast_in_dim3A_2962 : vector<128x1xi32> to vector<128x128xi32>
    %eq3A_2964 = arith.cmpi eq, %add3A_2961, %eq3A_2963 : vector<128x128xi32>
    %mul3A_2965 = arith.constant 2.879820e+05 : f32
    %mul3A_2966 = vector.broadcast %mul3A_2965 : f32 to vector<128x128xf32>
    %mul3A_2967 = arith.mulf %mul3A_2966, %slice3A_2957 : vector<128x128xf32>
    %select_n3A_2968 = arith.select %eq3A_2964, %mul3A_2967, %slice3A_2957 : vector<128x128xi1>, vector<128x128xf32>
    %add3A_2969 = arith.addf %add3A_2956, %select_n3A_2968 : vector<128x128xf32>
    %slice3A_2970 = vector.extract_strided_slice %get3A_1 {offsets = [0, 29184], sizes = [128, 128], strides = [1, 1]} : vector<128x32000xf32> to vector<128x128xf32>
    %iota3A_2971 = tpu.iota {dimensions = array<i32: 1>} : vector<128x128xi32>
    %add3A_2972 = arith.constant 29184 : i32
    %add3A_2973 = vector.broadcast %add3A_2972 : i32 to vector<128x128xi32>
    %add3A_2974 = arith.addi %add3A_2973, %iota3A_2971 : vector<128x128xi32>
    %broadcast_in_dim3A_2975 = vector.shape_cast %get3A_5 : vector<128xi32> to vector<128x1xi32>
    %eq3A_2976 = vector.broadcast %broadcast_in_dim3A_2975 : vector<128x1xi32> to vector<128x128xi32>
    %eq3A_2977 = arith.cmpi eq, %add3A_2974, %eq3A_2976 : vector<128x128xi32>
    %mul3A_2978 = arith.constant 2.879820e+05 : f32
    %mul3A_2979 = vector.broadcast %mul3A_2978 : f32 to vector<128x128xf32>
    %mul3A_2980 = arith.mulf %mul3A_2979, %slice3A_2970 : vector<128x128xf32>
    %select_n3A_2981 = arith.select %eq3A_2977, %mul3A_2980, %slice3A_2970 : vector<128x128xi1>, vector<128x128xf32>
    %add3A_2982 = arith.addf %add3A_2969, %select_n3A_2981 : vector<128x128xf32>
    %slice3A_2983 = vector.extract_strided_slice %get3A_1 {offsets = [0, 29312], sizes = [128, 128], strides = [1, 1]} : vector<128x32000xf32> to vector<128x128xf32>
    %iota3A_2984 = tpu.iota {dimensions = array<i32: 1>} : vector<128x128xi32>
    %add3A_2985 = arith.constant 29312 : i32
    %add3A_2986 = vector.broadcast %add3A_2985 : i32 to vector<128x128xi32>
    %add3A_2987 = arith.addi %add3A_2986, %iota3A_2984 : vector<128x128xi32>
    %broadcast_in_dim3A_2988 = vector.shape_cast %get3A_5 : vector<128xi32> to vector<128x1xi32>
    %eq3A_2989 = vector.broadcast %broadcast_in_dim3A_2988 : vector<128x1xi32> to vector<128x128xi32>
    %eq3A_2990 = arith.cmpi eq, %add3A_2987, %eq3A_2989 : vector<128x128xi32>
    %mul3A_2991 = arith.constant 2.879820e+05 : f32
    %mul3A_2992 = vector.broadcast %mul3A_2991 : f32 to vector<128x128xf32>
    %mul3A_2993 = arith.mulf %mul3A_2992, %slice3A_2983 : vector<128x128xf32>
    %select_n3A_2994 = arith.select %eq3A_2990, %mul3A_2993, %slice3A_2983 : vector<128x128xi1>, vector<128x128xf32>
    %add3A_2995 = arith.addf %add3A_2982, %select_n3A_2994 : vector<128x128xf32>
    %slice3A_2996 = vector.extract_strided_slice %get3A_1 {offsets = [0, 29440], sizes = [128, 128], strides = [1, 1]} : vector<128x32000xf32> to vector<128x128xf32>
    %iota3A_2997 = tpu.iota {dimensions = array<i32: 1>} : vector<128x128xi32>
    %add3A_2998 = arith.constant 29440 : i32
    %add3A_2999 = vector.broadcast %add3A_2998 : i32 to vector<128x128xi32>
    %add3A_3000 = arith.addi %add3A_2999, %iota3A_2997 : vector<128x128xi32>
    %broadcast_in_dim3A_3001 = vector.shape_cast %get3A_5 : vector<128xi32> to vector<128x1xi32>
    %eq3A_3002 = vector.broadcast %broadcast_in_dim3A_3001 : vector<128x1xi32> to vector<128x128xi32>
    %eq3A_3003 = arith.cmpi eq, %add3A_3000, %eq3A_3002 : vector<128x128xi32>
    %mul3A_3004 = arith.constant 2.879820e+05 : f32
    %mul3A_3005 = vector.broadcast %mul3A_3004 : f32 to vector<128x128xf32>
    %mul3A_3006 = arith.mulf %mul3A_3005, %slice3A_2996 : vector<128x128xf32>
    %select_n3A_3007 = arith.select %eq3A_3003, %mul3A_3006, %slice3A_2996 : vector<128x128xi1>, vector<128x128xf32>
    %add3A_3008 = arith.addf %add3A_2995, %select_n3A_3007 : vector<128x128xf32>
    %slice3A_3009 = vector.extract_strided_slice %get3A_1 {offsets = [0, 29568], sizes = [128, 128], strides = [1, 1]} : vector<128x32000xf32> to vector<128x128xf32>
    %iota3A_3010 = tpu.iota {dimensions = array<i32: 1>} : vector<128x128xi32>
    %add3A_3011 = arith.constant 29568 : i32
    %add3A_3012 = vector.broadcast %add3A_3011 : i32 to vector<128x128xi32>
    %add3A_3013 = arith.addi %add3A_3012, %iota3A_3010 : vector<128x128xi32>
    %broadcast_in_dim3A_3014 = vector.shape_cast %get3A_5 : vector<128xi32> to vector<128x1xi32>
    %eq3A_3015 = vector.broadcast %broadcast_in_dim3A_3014 : vector<128x1xi32> to vector<128x128xi32>
    %eq3A_3016 = arith.cmpi eq, %add3A_3013, %eq3A_3015 : vector<128x128xi32>
    %mul3A_3017 = arith.constant 2.879820e+05 : f32
    %mul3A_3018 = vector.broadcast %mul3A_3017 : f32 to vector<128x128xf32>
    %mul3A_3019 = arith.mulf %mul3A_3018, %slice3A_3009 : vector<128x128xf32>
    %select_n3A_3020 = arith.select %eq3A_3016, %mul3A_3019, %slice3A_3009 : vector<128x128xi1>, vector<128x128xf32>
    %add3A_3021 = arith.addf %add3A_3008, %select_n3A_3020 : vector<128x128xf32>
    %slice3A_3022 = vector.extract_strided_slice %get3A_1 {offsets = [0, 29696], sizes = [128, 128], strides = [1, 1]} : vector<128x32000xf32> to vector<128x128xf32>
    %iota3A_3023 = tpu.iota {dimensions = array<i32: 1>} : vector<128x128xi32>
    %add3A_3024 = arith.constant 29696 : i32
    %add3A_3025 = vector.broadcast %add3A_3024 : i32 to vector<128x128xi32>
    %add3A_3026 = arith.addi %add3A_3025, %iota3A_3023 : vector<128x128xi32>
    %broadcast_in_dim3A_3027 = vector.shape_cast %get3A_5 : vector<128xi32> to vector<128x1xi32>
    %eq3A_3028 = vector.broadcast %broadcast_in_dim3A_3027 : vector<128x1xi32> to vector<128x128xi32>
    %eq3A_3029 = arith.cmpi eq, %add3A_3026, %eq3A_3028 : vector<128x128xi32>
    %mul3A_3030 = arith.constant 2.879820e+05 : f32
    %mul3A_3031 = vector.broadcast %mul3A_3030 : f32 to vector<128x128xf32>
    %mul3A_3032 = arith.mulf %mul3A_3031, %slice3A_3022 : vector<128x128xf32>
    %select_n3A_3033 = arith.select %eq3A_3029, %mul3A_3032, %slice3A_3022 : vector<128x128xi1>, vector<128x128xf32>
    %add3A_3034 = arith.addf %add3A_3021, %select_n3A_3033 : vector<128x128xf32>
    %slice3A_3035 = vector.extract_strided_slice %get3A_1 {offsets = [0, 29824], sizes = [128, 128], strides = [1, 1]} : vector<128x32000xf32> to vector<128x128xf32>
    %iota3A_3036 = tpu.iota {dimensions = array<i32: 1>} : vector<128x128xi32>
    %add3A_3037 = arith.constant 29824 : i32
    %add3A_3038 = vector.broadcast %add3A_3037 : i32 to vector<128x128xi32>
    %add3A_3039 = arith.addi %add3A_3038, %iota3A_3036 : vector<128x128xi32>
    %broadcast_in_dim3A_3040 = vector.shape_cast %get3A_5 : vector<128xi32> to vector<128x1xi32>
    %eq3A_3041 = vector.broadcast %broadcast_in_dim3A_3040 : vector<128x1xi32> to vector<128x128xi32>
    %eq3A_3042 = arith.cmpi eq, %add3A_3039, %eq3A_3041 : vector<128x128xi32>
    %mul3A_3043 = arith.constant 2.879820e+05 : f32
    %mul3A_3044 = vector.broadcast %mul3A_3043 : f32 to vector<128x128xf32>
    %mul3A_3045 = arith.mulf %mul3A_3044, %slice3A_3035 : vector<128x128xf32>
    %select_n3A_3046 = arith.select %eq3A_3042, %mul3A_3045, %slice3A_3035 : vector<128x128xi1>, vector<128x128xf32>
    %add3A_3047 = arith.addf %add3A_3034, %select_n3A_3046 : vector<128x128xf32>
    %slice3A_3048 = vector.extract_strided_slice %get3A_1 {offsets = [0, 29952], sizes = [128, 128], strides = [1, 1]} : vector<128x32000xf32> to vector<128x128xf32>
    %iota3A_3049 = tpu.iota {dimensions = array<i32: 1>} : vector<128x128xi32>
    %add3A_3050 = arith.constant 29952 : i32
    %add3A_3051 = vector.broadcast %add3A_3050 : i32 to vector<128x128xi32>
    %add3A_3052 = arith.addi %add3A_3051, %iota3A_3049 : vector<128x128xi32>
    %broadcast_in_dim3A_3053 = vector.shape_cast %get3A_5 : vector<128xi32> to vector<128x1xi32>
    %eq3A_3054 = vector.broadcast %broadcast_in_dim3A_3053 : vector<128x1xi32> to vector<128x128xi32>
    %eq3A_3055 = arith.cmpi eq, %add3A_3052, %eq3A_3054 : vector<128x128xi32>
    %mul3A_3056 = arith.constant 2.879820e+05 : f32
    %mul3A_3057 = vector.broadcast %mul3A_3056 : f32 to vector<128x128xf32>
    %mul3A_3058 = arith.mulf %mul3A_3057, %slice3A_3048 : vector<128x128xf32>
    %select_n3A_3059 = arith.select %eq3A_3055, %mul3A_3058, %slice3A_3048 : vector<128x128xi1>, vector<128x128xf32>
    %add3A_3060 = arith.addf %add3A_3047, %select_n3A_3059 : vector<128x128xf32>
    %slice3A_3061 = vector.extract_strided_slice %get3A_1 {offsets = [0, 30080], sizes = [128, 128], strides = [1, 1]} : vector<128x32000xf32> to vector<128x128xf32>
    %iota3A_3062 = tpu.iota {dimensions = array<i32: 1>} : vector<128x128xi32>
    %add3A_3063 = arith.constant 30080 : i32
    %add3A_3064 = vector.broadcast %add3A_3063 : i32 to vector<128x128xi32>
    %add3A_3065 = arith.addi %add3A_3064, %iota3A_3062 : vector<128x128xi32>
    %broadcast_in_dim3A_3066 = vector.shape_cast %get3A_5 : vector<128xi32> to vector<128x1xi32>
    %eq3A_3067 = vector.broadcast %broadcast_in_dim3A_3066 : vector<128x1xi32> to vector<128x128xi32>
    %eq3A_3068 = arith.cmpi eq, %add3A_3065, %eq3A_3067 : vector<128x128xi32>
    %mul3A_3069 = arith.constant 2.879820e+05 : f32
    %mul3A_3070 = vector.broadcast %mul3A_3069 : f32 to vector<128x128xf32>
    %mul3A_3071 = arith.mulf %mul3A_3070, %slice3A_3061 : vector<128x128xf32>
    %select_n3A_3072 = arith.select %eq3A_3068, %mul3A_3071, %slice3A_3061 : vector<128x128xi1>, vector<128x128xf32>
    %add3A_3073 = arith.addf %add3A_3060, %select_n3A_3072 : vector<128x128xf32>
    %slice3A_3074 = vector.extract_strided_slice %get3A_1 {offsets = [0, 30208], sizes = [128, 128], strides = [1, 1]} : vector<128x32000xf32> to vector<128x128xf32>
    %iota3A_3075 = tpu.iota {dimensions = array<i32: 1>} : vector<128x128xi32>
    %add3A_3076 = arith.constant 30208 : i32
    %add3A_3077 = vector.broadcast %add3A_3076 : i32 to vector<128x128xi32>
    %add3A_3078 = arith.addi %add3A_3077, %iota3A_3075 : vector<128x128xi32>
    %broadcast_in_dim3A_3079 = vector.shape_cast %get3A_5 : vector<128xi32> to vector<128x1xi32>
    %eq3A_3080 = vector.broadcast %broadcast_in_dim3A_3079 : vector<128x1xi32> to vector<128x128xi32>
    %eq3A_3081 = arith.cmpi eq, %add3A_3078, %eq3A_3080 : vector<128x128xi32>
    %mul3A_3082 = arith.constant 2.879820e+05 : f32
    %mul3A_3083 = vector.broadcast %mul3A_3082 : f32 to vector<128x128xf32>
    %mul3A_3084 = arith.mulf %mul3A_3083, %slice3A_3074 : vector<128x128xf32>
    %select_n3A_3085 = arith.select %eq3A_3081, %mul3A_3084, %slice3A_3074 : vector<128x128xi1>, vector<128x128xf32>
    %add3A_3086 = arith.addf %add3A_3073, %select_n3A_3085 : vector<128x128xf32>
    %slice3A_3087 = vector.extract_strided_slice %get3A_1 {offsets = [0, 30336], sizes = [128, 128], strides = [1, 1]} : vector<128x32000xf32> to vector<128x128xf32>
    %iota3A_3088 = tpu.iota {dimensions = array<i32: 1>} : vector<128x128xi32>
    %add3A_3089 = arith.constant 30336 : i32
    %add3A_3090 = vector.broadcast %add3A_3089 : i32 to vector<128x128xi32>
    %add3A_3091 = arith.addi %add3A_3090, %iota3A_3088 : vector<128x128xi32>
    %broadcast_in_dim3A_3092 = vector.shape_cast %get3A_5 : vector<128xi32> to vector<128x1xi32>
    %eq3A_3093 = vector.broadcast %broadcast_in_dim3A_3092 : vector<128x1xi32> to vector<128x128xi32>
    %eq3A_3094 = arith.cmpi eq, %add3A_3091, %eq3A_3093 : vector<128x128xi32>
    %mul3A_3095 = arith.constant 2.879820e+05 : f32
    %mul3A_3096 = vector.broadcast %mul3A_3095 : f32 to vector<128x128xf32>
    %mul3A_3097 = arith.mulf %mul3A_3096, %slice3A_3087 : vector<128x128xf32>
    %select_n3A_3098 = arith.select %eq3A_3094, %mul3A_3097, %slice3A_3087 : vector<128x128xi1>, vector<128x128xf32>
    %add3A_3099 = arith.addf %add3A_3086, %select_n3A_3098 : vector<128x128xf32>
    %slice3A_3100 = vector.extract_strided_slice %get3A_1 {offsets = [0, 30464], sizes = [128, 128], strides = [1, 1]} : vector<128x32000xf32> to vector<128x128xf32>
    %iota3A_3101 = tpu.iota {dimensions = array<i32: 1>} : vector<128x128xi32>
    %add3A_3102 = arith.constant 30464 : i32
    %add3A_3103 = vector.broadcast %add3A_3102 : i32 to vector<128x128xi32>
    %add3A_3104 = arith.addi %add3A_3103, %iota3A_3101 : vector<128x128xi32>
    %broadcast_in_dim3A_3105 = vector.shape_cast %get3A_5 : vector<128xi32> to vector<128x1xi32>
    %eq3A_3106 = vector.broadcast %broadcast_in_dim3A_3105 : vector<128x1xi32> to vector<128x128xi32>
    %eq3A_3107 = arith.cmpi eq, %add3A_3104, %eq3A_3106 : vector<128x128xi32>
    %mul3A_3108 = arith.constant 2.879820e+05 : f32
    %mul3A_3109 = vector.broadcast %mul3A_3108 : f32 to vector<128x128xf32>
    %mul3A_3110 = arith.mulf %mul3A_3109, %slice3A_3100 : vector<128x128xf32>
    %select_n3A_3111 = arith.select %eq3A_3107, %mul3A_3110, %slice3A_3100 : vector<128x128xi1>, vector<128x128xf32>
    %add3A_3112 = arith.addf %add3A_3099, %select_n3A_3111 : vector<128x128xf32>
    %slice3A_3113 = vector.extract_strided_slice %get3A_1 {offsets = [0, 30592], sizes = [128, 128], strides = [1, 1]} : vector<128x32000xf32> to vector<128x128xf32>
    %iota3A_3114 = tpu.iota {dimensions = array<i32: 1>} : vector<128x128xi32>
    %add3A_3115 = arith.constant 30592 : i32
    %add3A_3116 = vector.broadcast %add3A_3115 : i32 to vector<128x128xi32>
    %add3A_3117 = arith.addi %add3A_3116, %iota3A_3114 : vector<128x128xi32>
    %broadcast_in_dim3A_3118 = vector.shape_cast %get3A_5 : vector<128xi32> to vector<128x1xi32>
    %eq3A_3119 = vector.broadcast %broadcast_in_dim3A_3118 : vector<128x1xi32> to vector<128x128xi32>
    %eq3A_3120 = arith.cmpi eq, %add3A_3117, %eq3A_3119 : vector<128x128xi32>
    %mul3A_3121 = arith.constant 2.879820e+05 : f32
    %mul3A_3122 = vector.broadcast %mul3A_3121 : f32 to vector<128x128xf32>
    %mul3A_3123 = arith.mulf %mul3A_3122, %slice3A_3113 : vector<128x128xf32>
    %select_n3A_3124 = arith.select %eq3A_3120, %mul3A_3123, %slice3A_3113 : vector<128x128xi1>, vector<128x128xf32>
    %add3A_3125 = arith.addf %add3A_3112, %select_n3A_3124 : vector<128x128xf32>
    %slice3A_3126 = vector.extract_strided_slice %get3A_1 {offsets = [0, 30720], sizes = [128, 128], strides = [1, 1]} : vector<128x32000xf32> to vector<128x128xf32>
    %iota3A_3127 = tpu.iota {dimensions = array<i32: 1>} : vector<128x128xi32>
    %add3A_3128 = arith.constant 30720 : i32
    %add3A_3129 = vector.broadcast %add3A_3128 : i32 to vector<128x128xi32>
    %add3A_3130 = arith.addi %add3A_3129, %iota3A_3127 : vector<128x128xi32>
    %broadcast_in_dim3A_3131 = vector.shape_cast %get3A_5 : vector<128xi32> to vector<128x1xi32>
    %eq3A_3132 = vector.broadcast %broadcast_in_dim3A_3131 : vector<128x1xi32> to vector<128x128xi32>
    %eq3A_3133 = arith.cmpi eq, %add3A_3130, %eq3A_3132 : vector<128x128xi32>
    %mul3A_3134 = arith.constant 2.879820e+05 : f32
    %mul3A_3135 = vector.broadcast %mul3A_3134 : f32 to vector<128x128xf32>
    %mul3A_3136 = arith.mulf %mul3A_3135, %slice3A_3126 : vector<128x128xf32>
    %select_n3A_3137 = arith.select %eq3A_3133, %mul3A_3136, %slice3A_3126 : vector<128x128xi1>, vector<128x128xf32>
    %add3A_3138 = arith.addf %add3A_3125, %select_n3A_3137 : vector<128x128xf32>
    %slice3A_3139 = vector.extract_strided_slice %get3A_1 {offsets = [0, 30848], sizes = [128, 128], strides = [1, 1]} : vector<128x32000xf32> to vector<128x128xf32>
    %iota3A_3140 = tpu.iota {dimensions = array<i32: 1>} : vector<128x128xi32>
    %add3A_3141 = arith.constant 30848 : i32
    %add3A_3142 = vector.broadcast %add3A_3141 : i32 to vector<128x128xi32>
    %add3A_3143 = arith.addi %add3A_3142, %iota3A_3140 : vector<128x128xi32>
    %broadcast_in_dim3A_3144 = vector.shape_cast %get3A_5 : vector<128xi32> to vector<128x1xi32>
    %eq3A_3145 = vector.broadcast %broadcast_in_dim3A_3144 : vector<128x1xi32> to vector<128x128xi32>
    %eq3A_3146 = arith.cmpi eq, %add3A_3143, %eq3A_3145 : vector<128x128xi32>
    %mul3A_3147 = arith.constant 2.879820e+05 : f32
    %mul3A_3148 = vector.broadcast %mul3A_3147 : f32 to vector<128x128xf32>
    %mul3A_3149 = arith.mulf %mul3A_3148, %slice3A_3139 : vector<128x128xf32>
    %select_n3A_3150 = arith.select %eq3A_3146, %mul3A_3149, %slice3A_3139 : vector<128x128xi1>, vector<128x128xf32>
    %add3A_3151 = arith.addf %add3A_3138, %select_n3A_3150 : vector<128x128xf32>
    %slice3A_3152 = vector.extract_strided_slice %get3A_1 {offsets = [0, 30976], sizes = [128, 128], strides = [1, 1]} : vector<128x32000xf32> to vector<128x128xf32>
    %iota3A_3153 = tpu.iota {dimensions = array<i32: 1>} : vector<128x128xi32>
    %add3A_3154 = arith.constant 30976 : i32
    %add3A_3155 = vector.broadcast %add3A_3154 : i32 to vector<128x128xi32>
    %add3A_3156 = arith.addi %add3A_3155, %iota3A_3153 : vector<128x128xi32>
    %broadcast_in_dim3A_3157 = vector.shape_cast %get3A_5 : vector<128xi32> to vector<128x1xi32>
    %eq3A_3158 = vector.broadcast %broadcast_in_dim3A_3157 : vector<128x1xi32> to vector<128x128xi32>
    %eq3A_3159 = arith.cmpi eq, %add3A_3156, %eq3A_3158 : vector<128x128xi32>
    %mul3A_3160 = arith.constant 2.879820e+05 : f32
    %mul3A_3161 = vector.broadcast %mul3A_3160 : f32 to vector<128x128xf32>
    %mul3A_3162 = arith.mulf %mul3A_3161, %slice3A_3152 : vector<128x128xf32>
    %select_n3A_3163 = arith.select %eq3A_3159, %mul3A_3162, %slice3A_3152 : vector<128x128xi1>, vector<128x128xf32>
    %add3A_3164 = arith.addf %add3A_3151, %select_n3A_3163 : vector<128x128xf32>
    %slice3A_3165 = vector.extract_strided_slice %get3A_1 {offsets = [0, 31104], sizes = [128, 128], strides = [1, 1]} : vector<128x32000xf32> to vector<128x128xf32>
    %iota3A_3166 = tpu.iota {dimensions = array<i32: 1>} : vector<128x128xi32>
    %add3A_3167 = arith.constant 31104 : i32
    %add3A_3168 = vector.broadcast %add3A_3167 : i32 to vector<128x128xi32>
    %add3A_3169 = arith.addi %add3A_3168, %iota3A_3166 : vector<128x128xi32>
    %broadcast_in_dim3A_3170 = vector.shape_cast %get3A_5 : vector<128xi32> to vector<128x1xi32>
    %eq3A_3171 = vector.broadcast %broadcast_in_dim3A_3170 : vector<128x1xi32> to vector<128x128xi32>
    %eq3A_3172 = arith.cmpi eq, %add3A_3169, %eq3A_3171 : vector<128x128xi32>
    %mul3A_3173 = arith.constant 2.879820e+05 : f32
    %mul3A_3174 = vector.broadcast %mul3A_3173 : f32 to vector<128x128xf32>
    %mul3A_3175 = arith.mulf %mul3A_3174, %slice3A_3165 : vector<128x128xf32>
    %select_n3A_3176 = arith.select %eq3A_3172, %mul3A_3175, %slice3A_3165 : vector<128x128xi1>, vector<128x128xf32>
    %add3A_3177 = arith.addf %add3A_3164, %select_n3A_3176 : vector<128x128xf32>
    %slice3A_3178 = vector.extract_strided_slice %get3A_1 {offsets = [0, 31232], sizes = [128, 128], strides = [1, 1]} : vector<128x32000xf32> to vector<128x128xf32>
    %iota3A_3179 = tpu.iota {dimensions = array<i32: 1>} : vector<128x128xi32>
    %add3A_3180 = arith.constant 31232 : i32
    %add3A_3181 = vector.broadcast %add3A_3180 : i32 to vector<128x128xi32>
    %add3A_3182 = arith.addi %add3A_3181, %iota3A_3179 : vector<128x128xi32>
    %broadcast_in_dim3A_3183 = vector.shape_cast %get3A_5 : vector<128xi32> to vector<128x1xi32>
    %eq3A_3184 = vector.broadcast %broadcast_in_dim3A_3183 : vector<128x1xi32> to vector<128x128xi32>
    %eq3A_3185 = arith.cmpi eq, %add3A_3182, %eq3A_3184 : vector<128x128xi32>
    %mul3A_3186 = arith.constant 2.879820e+05 : f32
    %mul3A_3187 = vector.broadcast %mul3A_3186 : f32 to vector<128x128xf32>
    %mul3A_3188 = arith.mulf %mul3A_3187, %slice3A_3178 : vector<128x128xf32>
    %select_n3A_3189 = arith.select %eq3A_3185, %mul3A_3188, %slice3A_3178 : vector<128x128xi1>, vector<128x128xf32>
    %add3A_3190 = arith.addf %add3A_3177, %select_n3A_3189 : vector<128x128xf32>
    %slice3A_3191 = vector.extract_strided_slice %get3A_1 {offsets = [0, 31360], sizes = [128, 128], strides = [1, 1]} : vector<128x32000xf32> to vector<128x128xf32>
    %iota3A_3192 = tpu.iota {dimensions = array<i32: 1>} : vector<128x128xi32>
    %add3A_3193 = arith.constant 31360 : i32
    %add3A_3194 = vector.broadcast %add3A_3193 : i32 to vector<128x128xi32>
    %add3A_3195 = arith.addi %add3A_3194, %iota3A_3192 : vector<128x128xi32>
    %broadcast_in_dim3A_3196 = vector.shape_cast %get3A_5 : vector<128xi32> to vector<128x1xi32>
    %eq3A_3197 = vector.broadcast %broadcast_in_dim3A_3196 : vector<128x1xi32> to vector<128x128xi32>
    %eq3A_3198 = arith.cmpi eq, %add3A_3195, %eq3A_3197 : vector<128x128xi32>
    %mul3A_3199 = arith.constant 2.879820e+05 : f32
    %mul3A_3200 = vector.broadcast %mul3A_3199 : f32 to vector<128x128xf32>
    %mul3A_3201 = arith.mulf %mul3A_3200, %slice3A_3191 : vector<128x128xf32>
    %select_n3A_3202 = arith.select %eq3A_3198, %mul3A_3201, %slice3A_3191 : vector<128x128xi1>, vector<128x128xf32>
    %add3A_3203 = arith.addf %add3A_3190, %select_n3A_3202 : vector<128x128xf32>
    %slice3A_3204 = vector.extract_strided_slice %get3A_1 {offsets = [0, 31488], sizes = [128, 128], strides = [1, 1]} : vector<128x32000xf32> to vector<128x128xf32>
    %iota3A_3205 = tpu.iota {dimensions = array<i32: 1>} : vector<128x128xi32>
    %add3A_3206 = arith.constant 31488 : i32
    %add3A_3207 = vector.broadcast %add3A_3206 : i32 to vector<128x128xi32>
    %add3A_3208 = arith.addi %add3A_3207, %iota3A_3205 : vector<128x128xi32>
    %broadcast_in_dim3A_3209 = vector.shape_cast %get3A_5 : vector<128xi32> to vector<128x1xi32>
    %eq3A_3210 = vector.broadcast %broadcast_in_dim3A_3209 : vector<128x1xi32> to vector<128x128xi32>
    %eq3A_3211 = arith.cmpi eq, %add3A_3208, %eq3A_3210 : vector<128x128xi32>
    %mul3A_3212 = arith.constant 2.879820e+05 : f32
    %mul3A_3213 = vector.broadcast %mul3A_3212 : f32 to vector<128x128xf32>
    %mul3A_3214 = arith.mulf %mul3A_3213, %slice3A_3204 : vector<128x128xf32>
    %select_n3A_3215 = arith.select %eq3A_3211, %mul3A_3214, %slice3A_3204 : vector<128x128xi1>, vector<128x128xf32>
    %add3A_3216 = arith.addf %add3A_3203, %select_n3A_3215 : vector<128x128xf32>
    %slice3A_3217 = vector.extract_strided_slice %get3A_1 {offsets = [0, 31616], sizes = [128, 128], strides = [1, 1]} : vector<128x32000xf32> to vector<128x128xf32>
    %iota3A_3218 = tpu.iota {dimensions = array<i32: 1>} : vector<128x128xi32>
    %add3A_3219 = arith.constant 31616 : i32
    %add3A_3220 = vector.broadcast %add3A_3219 : i32 to vector<128x128xi32>
    %add3A_3221 = arith.addi %add3A_3220, %iota3A_3218 : vector<128x128xi32>
    %broadcast_in_dim3A_3222 = vector.shape_cast %get3A_5 : vector<128xi32> to vector<128x1xi32>
    %eq3A_3223 = vector.broadcast %broadcast_in_dim3A_3222 : vector<128x1xi32> to vector<128x128xi32>
    %eq3A_3224 = arith.cmpi eq, %add3A_3221, %eq3A_3223 : vector<128x128xi32>
    %mul3A_3225 = arith.constant 2.879820e+05 : f32
    %mul3A_3226 = vector.broadcast %mul3A_3225 : f32 to vector<128x128xf32>
    %mul3A_3227 = arith.mulf %mul3A_3226, %slice3A_3217 : vector<128x128xf32>
    %select_n3A_3228 = arith.select %eq3A_3224, %mul3A_3227, %slice3A_3217 : vector<128x128xi1>, vector<128x128xf32>
    %add3A_3229 = arith.addf %add3A_3216, %select_n3A_3228 : vector<128x128xf32>
    %slice3A_3230 = vector.extract_strided_slice %get3A_1 {offsets = [0, 31744], sizes = [128, 128], strides = [1, 1]} : vector<128x32000xf32> to vector<128x128xf32>
    %iota3A_3231 = tpu.iota {dimensions = array<i32: 1>} : vector<128x128xi32>
    %add3A_3232 = arith.constant 31744 : i32
    %add3A_3233 = vector.broadcast %add3A_3232 : i32 to vector<128x128xi32>
    %add3A_3234 = arith.addi %add3A_3233, %iota3A_3231 : vector<128x128xi32>
    %broadcast_in_dim3A_3235 = vector.shape_cast %get3A_5 : vector<128xi32> to vector<128x1xi32>
    %eq3A_3236 = vector.broadcast %broadcast_in_dim3A_3235 : vector<128x1xi32> to vector<128x128xi32>
    %eq3A_3237 = arith.cmpi eq, %add3A_3234, %eq3A_3236 : vector<128x128xi32>
    %mul3A_3238 = arith.constant 2.879820e+05 : f32
    %mul3A_3239 = vector.broadcast %mul3A_3238 : f32 to vector<128x128xf32>
    %mul3A_3240 = arith.mulf %mul3A_3239, %slice3A_3230 : vector<128x128xf32>
    %select_n3A_3241 = arith.select %eq3A_3237, %mul3A_3240, %slice3A_3230 : vector<128x128xi1>, vector<128x128xf32>
    %add3A_3242 = arith.addf %add3A_3229, %select_n3A_3241 : vector<128x128xf32>
    %slice3A_3243 = vector.extract_strided_slice %get3A_1 {offsets = [0, 31872], sizes = [128, 128], strides = [1, 1]} : vector<128x32000xf32> to vector<128x128xf32>
    %iota3A_3244 = tpu.iota {dimensions = array<i32: 1>} : vector<128x128xi32>
    %add3A_3245 = arith.constant 31872 : i32
    %add3A_3246 = vector.broadcast %add3A_3245 : i32 to vector<128x128xi32>
    %add3A_3247 = arith.addi %add3A_3246, %iota3A_3244 : vector<128x128xi32>
    %broadcast_in_dim3A_3248 = vector.shape_cast %get3A_5 : vector<128xi32> to vector<128x1xi32>
    %eq3A_3249 = vector.broadcast %broadcast_in_dim3A_3248 : vector<128x1xi32> to vector<128x128xi32>
    %eq3A_3250 = arith.cmpi eq, %add3A_3247, %eq3A_3249 : vector<128x128xi32>
    %mul3A_3251 = arith.constant 2.879820e+05 : f32
    %mul3A_3252 = vector.broadcast %mul3A_3251 : f32 to vector<128x128xf32>
    %mul3A_3253 = arith.mulf %mul3A_3252, %slice3A_3243 : vector<128x128xf32>
    %select_n3A_3254 = arith.select %eq3A_3250, %mul3A_3253, %slice3A_3243 : vector<128x128xi1>, vector<128x128xf32>
    %add3A_3255 = arith.addf %add3A_3242, %select_n3A_3254 : vector<128x128xf32>
    %broadcast_in_dim3A_3256 = arith.constant 1.000000e+00 : f32
    %broadcast_in_dim3A_3257 = vector.broadcast %broadcast_in_dim3A_3256 : f32 to vector<128x1xf32>
    %dot_general3A = arith.constant dense<0.000000e+00> : vector<128x1xf32>
    %dot_general3A_3258 = tpu.matmul %add3A_3255, %broadcast_in_dim3A_3257, %dot_general3A {dimension_numbers = #tpu.dot_dimension_numbers<[1], [0], [0], [1], [0, 0, 1, 1], [], []>, transpose_lhs_hint = false} : vector<128x128xf32>, vector<128x1xf32>, vector<128x1xf32> -> vector<128x1xf32>
    %squeeze3A = vector.shape_cast %dot_general3A_3258 : vector<128x1xf32> to vector<128xf32>
    %ne3A = arith.constant 0 : i32
    %ne3A_3259 = vector.broadcast %ne3A : i32 to vector<128xi32>
    %ne3A_3260 = arith.cmpi ne, %get3A_5, %ne3A_3259 : vector<128xi32>
    %convert_element_type3A = arith.extui %ne3A_3260 : vector<128xi1> to vector<128xi32>
    %convert_element_type3A_3261 = arith.sitofp %convert_element_type3A : vector<128xi32> to vector<128xf32>
    %mul3A_3262 = arith.mulf %convert_element_type3A_3261, %squeeze3A : vector<128xf32>
    %reduce_sum3A = vector.shape_cast %mul3A_3262 : vector<128xf32> to vector<1x128xf32>
    %reduce_sum3A_3263 = arith.constant dense<0.000000e+00> : vector<1xf32>
    %reduce_sum3A_3264 = vector.multi_reduction <add>, %reduce_sum3A, %reduce_sum3A_3263 [1] : vector<1x128xf32> to vector<1xf32>
    %reduce_sum3A_3265 = vector.shape_cast %reduce_sum3A_3264 : vector<1xf32> to vector<1x1xf32>
    %reduce_sum3A_3266 = vector.extract %reduce_sum3A_3265[0, 0] : f32 from vector<1x1xf32>
    %eq3A_3267 = arith.constant 0 : i32
    %eq3A_3268 = arith.cmpi eq, %arg0, %eq3A_3267 : i32
    %convert_element_type3A_3269 = arith.extui %eq3A_3268 : i1 to i32
    %cond3A = arith.constant 0 : i32
    %cond3A_3270 = arith.cmpi ne, %convert_element_type3A_3269, %cond3A : i32
    scf.if %cond3A_3270 {
      %reshape3A = vector.broadcast %reduce_sum3A_3266 : f32 to vector<1x1xf32>
      %swap3A = arith.constant 0 : index
      %swap3A_3275 = arith.constant 0 : index
      %swap3A_3276 = vector.load %arg3[%swap3A, %swap3A_3275] : memref<1x1xf32, #tpu.memory_space<vmem>>, vector<1x1xf32>
      tpu.vector_store %arg3[%swap3A, %swap3A_3275], %reshape3A {strides = array<i32>} : memref<1x1xf32, #tpu.memory_space<vmem>>, vector<1x1xf32>,
    } else {
    }
    %gt3A = arith.constant 0 : i32
    %gt3A_3271 = arith.cmpi sgt, %arg0, %gt3A : i32
    %convert_element_type3A_3272 = arith.extui %gt3A_3271 : i1 to i32
    %cond3A_3273 = arith.constant 0 : i32
    %cond3A_3274 = arith.cmpi ne, %convert_element_type3A_3272, %cond3A_3273 : i32
    scf.if %cond3A_3274 {
      %get3A_3275 = arith.constant 0 : index
      %get3A_3276 = arith.constant 0 : index
      %get3A_3277 = vector.load %arg3[%get3A_3275, %get3A_3276] : memref<1x1xf32, #tpu.memory_space<vmem>>, vector<1x1xf32>
      %reshape3A = vector.broadcast %reduce_sum3A_3266 : f32 to vector<1x1xf32>
      %add3A_3278 = arith.addf %get3A_3277, %reshape3A : vector<1x1xf32>
      %swap3A = arith.constant 0 : index
      %swap3A_3279 = arith.constant 0 : index
      %swap3A_3280 = vector.load %arg3[%swap3A, %swap3A_3279] : memref<1x1xf32, #tpu.memory_space<vmem>>, vector<1x1xf32>
      tpu.vector_store %arg3[%swap3A, %swap3A_3279], %add3A_3278 {strides = array<i32>} : memref<1x1xf32, #tpu.memory_space<vmem>>, vector<1x1xf32>,
    } else {
    }
    return
  }
  func.func @transform_0(%arg0: i32) -> (i32, i32) {
    %c0_i32 = arith.constant 0 : i32
    %c0_i32_0 = arith.constant 0 : i32
    return %arg0, %c0_i32 : i32, i32
  }
  func.func @transform_1(%arg0: i32) -> (i32, i32) {
    %c0_i32 = arith.constant 0 : i32
    %c0_i32_0 = arith.constant 0 : i32
    return %arg0, %c0_i32 : i32, i32
  }
  func.func @transform_2(%arg0: i32) -> (i32, i32) {
    %c0_i32 = arith.constant 0 : i32
    %c0_i32_0 = arith.constant 0 : i32
    %c0_i32_1 = arith.constant 0 : i32
    return %c0_i32, %c0_i32_0 : i32, i32
  }
}

</mosaic_0001>

<sc_bundles>
// kernel: kernel.4.cloned.1.call-start
scs
__scs_entry_jumppad:
0x0: {  	(pc) =	sbr.rel $0x88, $3  }
0x1: {  	(tag) =	ssettag $0x0;
	lr =	simm.s32 $0x1  }
0x2: {  	[smem:$0x3F9F] =	sst lr;
	_ =	strace $0xD0000000  }
0x3: {  	_ = 	snop  }
0x4: {  	_ = 	snop  }
0x5: {  	_ = 	snop  }
0x6: {  	_ = 	snop  }
0x7: {  	_ = 	snop  }
__scs_overlays_trampoline_lowered:
0x8: {  	[smem:$0x3FAE] =	sst s0  }
0x9: {  	[smem:$0x3FAF] =	sst s1  }
0xa: {  	[smem:$0x3FB0] =	sst s2  }
0xb: {  	[smem:$0x3FB1] =	sst s3  }
0xc: {  	[smem:$0x3FB2] =	sst s4  }
0xd: {  	[smem:$0x3FB3] =	sst s5  }
0xe: {  	[smem:$0x3FB4] =	sst s6  }
0xf: {  	[smem:$0x3FB5] =	sst s7  }
0x10: {  	[smem:$0x3FB6] =	sst s8  }
0x11: {  	[smem:$0x3FB7] =	sst s9;
	s0 =	simm.s32 @!p0 $0x0  }
0x12: {  	s1 =	sld [smem:$0x3F9D];
	s0 =	simm.s32 @p0 $0x1  }
0x13: {  	[smem:$0x3FB8] =	sst s0;
	s0 =	simm.s32 @!p1 $0x0  }
0x14: {  	s2 =	sld [smem:$0x3F9C];
	s0 =	simm.s32 @p1 $0x1  }
0x15: {  	[smem:$0x3FB9] =	sst s0;
	s0 =	simm.s32 @!p2 $0x0  }
0x16: {  	s3 =	sld [smem:$0x3FDB];
	s0 =	simm.s32 @p2 $0x1  }
0x17: {  	s4 =	simm.s32 $0x1BF5;
	[smem:$0x3FBB] =	sst s0  }
0x18: {  	s0 =	sld [smem:$0x3F9E];
	_ =	swait.ge [sflag:s4], $0x0  }
0x19: {  	s7 =	sld [smem:$0x3F9F]  }
0x1a: {  	s8 =	sadd.s32 $0xFFFFE003, lr  }
0x1b: {  	s9 =	sadd.s32 $0xFFFFFEF7, lr;
	s5 =	simm.s32 $0xFFFFFFFF;
	p2 =	slt.u32 s8, $0xFFFFF086  }
0x1c: {  	p1 =	slt.u32 s9, $0xF7A;
	s5 =	simm.s32 @!p2 $0x0  }
0x1d: {  	s5 =	simm.s32 @p1 $0x1;
	p0 =	seq.s32 s7, s2  }
0x1e: {  	s7 =	smul.u32 @!p0 $0xF7A, s2;
	p2 =	seq.s32 @!p0 s5, $0x0  }
0x1f: {  	s9 =	smul.u32 $0xF7A, s1;
	s8 =	simm.s32 @!p0 $0x1BF5;
	p2 =	por !p2, p0  }
0x20: {  	[sflag:s8] =	ssyncset.s32 @!p0 $0xFFFFF086;
	s6 =	sadd.s32 @!p0 s3, s7;
	s7 =	simm.s32 @!p0 $0x108  }
0x21: {  	s3 =	sadd.s32 s3, s9;
	s6 =	sadd.s32 @!p0 $0x88, s6;
	s7 =	simm.s32 @p2 $0x1082  }
0x22: {  	[simem:s7], [sflag:s8] =	dma.local @!p0 [hbm:s6], $0xF7A  }
0x23: {  	s9 =	sor.u32 $0xD0000000, s2;
	s6 =	simm.s32 $0x108;
	_ =	swait.ge @!p0 [sflag:s8], $0x0  }
0x24: {  	s3 =	sadd.s32 $0x88, s3;
	s6 =	simm.s32 @!p1 $0x1082;
	[sflag:s4] =	ssyncset.s32 $0xFFFFF086  }
0x25: {  	[simem:s6], [sflag:s4] =	dma.local [hbm:s3], $0xF7A  }
0x26: {  	[smem:$0x3F9F] =	sst s1;
	(tag) =	ssettag s2;
	_ =	strace s9  }
0x27: {  	s1 =	sld [smem:$0x3FAF]  }
0x28: {  	s2 =	sld [smem:$0x3FB0]  }
0x29: {  	s4 =	sld [smem:$0x3FB2]  }
0x2a: {  	p0 =	seq.s32 s5, $0x0;
	s5 =	sld [smem:$0x3FB3]  }
0x2b: {  	s6 =	sld [smem:$0x3FB4]  }
0x2c: {  	s7 =	sld [smem:$0x3FB5]  }
0x2d: {  	s3 =	simm.s32 $0x108;
	s8 =	sld [smem:$0x3FB6]  }
0x2e: {  	s3 =	simm.s32 @!p0 $0x1082;
	s9 =	sld [smem:$0x3FB7]  }
0x2f: {  	lr =	sadd.s32 s0, s3;
	s0 =	sld [smem:$0x3FAE]  }
0x30: {  	s3 =	sld [smem:$0x3FB1]  }
0x31: {  	[smem:$0x3FBA] =	sst s10  }
0x32: {  	s10 =	sld [smem:$0x3FB8];
	_ =	sdelay $0x3  }
0x33: {  	p0 =	seq.s32 s10, $0x1;
	s10 =	sld [smem:$0x3FBA];
	_ =	sdelay $0x3  }
0x34: {  	[smem:$0x3FBA] =	sst s10  }
0x35: {  	s10 =	sld [smem:$0x3FB9];
	_ =	sdelay $0x3  }
0x36: {  	p1 =	seq.s32 s10, $0x1;
	s10 =	sld [smem:$0x3FBA];
	_ =	sdelay $0x3  }
0x37: {  	[smem:$0x3FBA] =	sst s10  }
0x38: {  	s10 =	sld [smem:$0x3FBB]  }
0x39: {  	_ = 	snop;
	(pc) =	sbr.ind lr, $3  }
0x3a: {  	_ = 	snop  }
0x3b: {  	_ = 	snop  }
0x3c: {  	p2 =	seq.s32 s10, $0x1;
	s10 =	sld [smem:$0x3FBA]  }
0x3d: {  	_ =	shalt  }
0x3e: {  	_ =	shalt  }
0x3f: {  	_ =	shalt  }
0x40: {  	_ =	shalt  }
0x41: {  	_ =	shalt  }
0x42: {  	_ =	shalt  }
0x43: {  	_ =	shalt  }
0x44: {  	_ =	shalt  }
0x45: {  	_ =	shalt  }
0x46: {  	_ =	shalt  }
0x47: {  	_ =	shalt  }
0x48: {  	_ =	shalt  }
0x49: {  	_ =	shalt  }
0x4a: {  	_ =	shalt  }
0x4b: {  	_ =	shalt  }
0x4c: {  	_ =	shalt  }
0x4d: {  	_ =	shalt  }
0x4e: {  	_ =	shalt  }
0x4f: {  	_ =	shalt  }
0x50: {  	_ =	shalt  }
0x51: {  	_ =	shalt  }
0x52: {  	_ =	shalt  }
0x53: {  	_ =	shalt  }
0x54: {  	_ =	shalt  }
0x55: {  	_ =	shalt  }
0x56: {  	_ =	shalt  }
0x57: {  	_ =	shalt  }
0x58: {  	_ =	shalt  }
0x59: {  	_ =	shalt  }
0x5a: {  	_ =	shalt  }
0x5b: {  	_ =	shalt  }
0x5c: {  	_ =	shalt  }
0x5d: {  	_ =	shalt  }
0x5e: {  	_ =	shalt  }
0x5f: {  	_ =	shalt  }
0x60: {  	_ =	shalt  }
0x61: {  	_ =	shalt  }
0x62: {  	_ =	shalt  }
0x63: {  	_ =	shalt  }
0x64: {  	_ =	shalt  }
0x65: {  	_ =	shalt  }
0x66: {  	_ =	shalt  }
0x67: {  	_ =	shalt  }
0x68: {  	_ =	shalt  }
0x69: {  	_ =	shalt  }
0x6a: {  	_ =	shalt  }
0x6b: {  	_ =	shalt  }
0x6c: {  	_ =	shalt  }
0x6d: {  	_ =	shalt  }
0x6e: {  	_ =	shalt  }
0x6f: {  	_ =	shalt  }
0x70: {  	_ =	shalt  }
0x71: {  	_ =	shalt  }
0x72: {  	_ =	shalt  }
0x73: {  	_ =	shalt  }
0x74: {  	_ =	shalt  }
0x75: {  	_ =	shalt  }
0x76: {  	_ =	shalt  }
0x77: {  	_ =	shalt  }
0x78: {  	_ =	shalt  }
0x79: {  	_ =	shalt  }
0x7a: {  	_ =	shalt  }
0x7b: {  	_ =	shalt  }
0x7c: {  	_ =	shalt  }
0x7d: {  	_ =	shalt  }
0x7e: {  	_ =	shalt  }
0x7f: {  	_ =	shalt  }
0x80: {  	_ =	shalt  }
0x81: {  	_ =	shalt  }
0x82: {  	_ =	shalt  }
0x83: {  	_ =	shalt  }
0x84: {  	_ =	shalt  }
0x85: {  	_ =	shalt  }
0x86: {  	_ =	shalt  }
0x87: {  	_ =	shalt  }
.Lfunc_end0:
.L_simem_size_0:
called_computation_lowered:
.L_overlay_start_0:
0x88: {  	s2 =	sld [smem:$0x3FD9]  }
0x89: {  	s3 =	sld [smem:$0x3FFE];
	_ =	sdelay $0x1  }
0x8a: {  	s1 =	srdreg.scid  }
0x8b: {  	s0 =	sand.u32 $0x1, s1  }
0x8c: {  	s17 =	sshll.u32 s0, $0xA;
	s2 =	sadd.s32 s3, s2  }
0x8d: {  	s2 =	sadd.s32 s2, s17  }
0x8e: {  	[smem:$0x3FC6] =	sst s2  }
0x8f: {  	_ = 	snop  }
0x90: {  	s2 =	sld [smem:$0x3FC8];
	(tm) =	ssettm $0x1  }
0x91: {  	s18 =	sld [smem:$0x3FFB];
	_ =	sdelay $0x3  }
0x92: {  	_ =	strace s18  }
0x93: {  	s3 =	sld [smem:$0x3FFC];
	_ =	sdelay $0x3  }
0x94: {  	_ =	strace s3  }
0x95: {  	s3 =	sld [smem:$0x3FFD];
	_ =	sdelay $0x3  }
0x96: {  	_ =	strace s3  }
0x97: {  	_ =	strace $0x8FFFFFFF  }
0x98: {  	s19 =	sld [smem:$0x3FDB];
	_ =	sdelay $0x1  }
0x99: {  	s4 =	simm.s32 $_scs_section_size  }
0x9a: {  	s5 =	simm.s32 $_size__tile_overlayer_lowered;
	s6 =	simm.s32 $_tile_overlayer_lowered  }
0x9b: {  	s22 =	simm.s32 $0x1BFF;
	s21 =	sshll.u32 s6, $0x1;
	s3 =	sadd.s32 s4, s19  }
0x9c: {  	s7 =	simm.s32 $0x0;
	s20 =	sshll.u32 s5, $0x1;
	s5 =	sadd.s32 s21, s3  }
0x9d: {  	[timem:s7], [sflag:s22] =	dma.local [hbm:s5], s20  }
0x9e: {  	_ =	swait.ge [sflag:s22], s20  }
0x9f: {  	s4 =	ssub.s32 $0x0, s20;
	[sflag:s22] =	ssyncset.done $0x0  }
0xa0: {  	[sflag:s22] =	ssyncadd.s32 s4;
	_ =	sdelay $0x1  }
0xa1: {  	s23 =	simm.s32 $0x1B8B  }
0xa2: {  	_ =	swait.ge [sflag:s23], $0x1  }
0xa3: {  	[sflag:s23] =	ssyncset.done $0x0  }
0xa4: {  	s25 =	simm.s32 $0x1B8E;
	s24 =	sld [smem:$0x3FFE];
	[sflag:s23] =	ssyncadd.s32 $0xFFFFFFFF  }
0xa5: {  	s26 =	simm.s32 $execute0_lowered;
	[smem:$0x3FD2] =	sst s25  }
0xa6: {  	s5 =	sshll.u32 s26, $0x1;
	_ =	strace $0x80000046;
	[dreg:$0x1] =	wrdreg $0xFFFFFFFF  }
0xa7: {  	s28 =	simm.s32 $_size_execute0_lowered;
	s3 =	sadd.s32 s3, s5;
	[dreg:$0x0] =	wrdreg $0x0  }
0xa8: {  	s5 =	sshll.u32 s28, $0x1;
	[dreg:$0x2] =	wrdreg s3  }
0xa9: {  	[dreg:$0x3] =	wrdreg s5  }
0xaa: {  	[dreg:$0x4] =	wrdreg $0xC0  }
0xab: {  	_ =	task [dreg:s7], $0x5FFFF  }
0xac: {  	[dreg:$0x1] =	wrdreg $0xFFFFFFFF  }
0xad: {  	[dreg:$0x0] =	wrdreg $0x60  }
0xae: {  	[dreg:$0x2] =	wrdreg s2  }
0xaf: {  	[dreg:$0x3] =	wrdreg s24  }
0xb0: {  	[dreg:$0x4] =	wrdreg $0x9  }
0xb1: {  	_ =	task.clear_ibuf [dreg:s7], $0x5FFFF;
	_ =	strace $0x90000046  }
0xb2: {  	s29 =	simm.s32 $0x9;
	_ =	strace $0x80000048  }
0xb3: {  	_ =	swait.ge [sflag:s29], $0x1  }
0xb4: {  	[sflag:s29] =	ssyncadd.s32 $0xFFFFFFFF  }
0xb5: {  	_ =	strace $0x90000048  }
0xb6: {  	_ =	sfence  }
0xb7: {  	s30 =	sld [smem:$0x0];
	_ =	sdelay $0x2  }
0xb8: {  	s31 =	sshll.u32 s1, $0xD;
	s1 =	sshrl.u32 s1, $0x2  }
0xb9: {  	s3 =	sand.u32 $0x4000, s31;
	s1 =	sadd.s32 s1, s30  }
0xba: {  	s0 =	sor.u32 s3, s0;
	s1 =	sshll.u32 s1, $0x11  }
0xbb: {  	s0 =	sor.u32 s1, s0  }
0xbc: {  	s0 =	sadd.s32 $0x8F2B, s0  }
0xbd: {  	[sflag:s0] =	ssyncadd.remote.s32 $0x1  }
0xbe: {  	_ =	sfence.sel $0xFFFF  }
0xbf: {  	[dreg:$0x0] =	wrdreg $0xFFFFFFFF;
	(pc) =	sbr.abs _section_cstart, $3  }
0xc0: {  	[dreg:$0x1] =	wrdreg $0xFFFFFFFF  }
0xc1: {  	_ =	task.clear_ibuf [dreg:s7], $0x2FFFF;
	_ =	strace $0x9FFFFFFF  }
0xc2: {  	(tm) =	ssettm $0x7FFFFFFF  }
0xc3: {  	_ =	shalt  }
tec
execute0_lowered:
.L_overlay_start_1:
0x0: {  	(tag) =	ssettag $0x1  }
0x1: {  	s3 =	rddreg [dreg:$0x0]  }
0x2: {  	s1 =	srdreg.scid;
	s0 =	stileid.u32  }
0x3: {  	s5 =	rddreg [dreg:$0x1];
	s6 =	sand.u32 $0x1, s1;
	s4 =	sshll.u32 s0, $0x1  }
0x4: {  	s2 =	simm.s32 $0x0;
	s1 =	rddreg [dreg:$0x2];
	s7 =	sor.u32 s6, s4  }
0x5: {  	[smem:$0x7FF] =	sst s2;
	s4 =	sshll.u32 s7, $0x3  }
0x6: {  	_ =	strace $0x80000047;
	s4 =	sadd.s32 s3, s4;
	s3 =	simm.s32 $0x1  }
0x7: {  	[tilespmem:s2], [sflag:$0x1] =	stream.linear.gather [hbm4b:s4+s2], $0x40, $0x38;
	[tilespmem:$0x100] =	vst v63  }
0x8: {  	_ =	swait.ge [sflag:s3], $0x40  }
0x9: {  	[sflag:s3] =	ssyncset.done $0x0  }
0xa: {  	[sflag:s3] =	ssyncadd.s32 $0xFFFFFFC0  }
0xb: {  	v1 =	vld [tilespmem:$0x0]  }
0xc: {  	v2 =	vld [tilespmem:$0x10];
	_ =	sdelay $0x1  }
0xd: {  	v3 =	vld [tilespmem:$0x20];
	_ =	sdelay $0x1  }
0xe: {  	v4 =	vld [tilespmem:$0x30]  }
0xf: {  	v0 =	vimm.f32 $1.000000000e+00;
	vm0 =	veq.s32 v1, $0x0;
	vm1 =	veq.s32 v2, $0x0  }
0x10: {  	s6 =	ssub.s32 $0x2, s6;
	v1 =	vsel vm0, $0x0, v0;
	v2 =	vsel vm1, $0x0, v0  }
0x11: {  	s8 =	sshrl.u32 s6, $0x1;
	vm14 =	veq.s32 v3, $0x0;
	v1 =	vadd.f32 v2, v1  }
0x12: {  	s6 =	ssub.s32 s6, s8;
	v2 =	vsel vm14, $0x0, v0  }
0x13: {  	s31 =	smax.u32 s6, $0x1;
	vm15 =	veq.s32 v4, $0x0;
	v1 =	vadd.f32 v2, v1  }
0x14: {  	p0 =	sne.s32 s31, $0x1;
	v2 =	vsel vm15, $0x0, v0  }
.Ltmp0:
0x15: {  	v1 =	vadd.f32 v2, v1;
	(pc) =	sbr.rel @!p0 .LBB2_2-.Ltmp0, $4  }
0x16: {  	s7 =	sshll.u32 s7, $0x4  }
0x17: {  	s5 =	sadd.s32 s5, s7;
	s6 =	simm.s32 $0x80;
	[tilespmem:$0x80] =	vst v1  }
0x18: {  	[hbm4b:s5+s2] =	stream.linear.scatter [tilespmem:s6], [sflag:$0x1], $0x80, $0x38;
	[tilespmem:$0x100] =	vst v63  }
0x19: {  	s7 =	sadd.s32 $0xFFFFFFFF, s31;
	_ =	swait.ge [sflag:s3], $0x80  }
.LBB2_1:
0x1a: {  	p0 =	sne.s32 s7, $0x1;
	s7 =	sadd.s32 $0xFFFFFFFF, s7;
	[sflag:s3] =	ssyncset.done $0x0  }
0x1b: {  	[sflag:s3] =	ssyncadd.s32 $0xFFFFFF80  }
0x1c: {  	[tilespmem:s2], [sflag:$0x1] =	stream.linear.gather [hbm4b:s4+s2], $0x40, $0x38;
	[tilespmem:$0x100] =	vst v63  }
0x1d: {  	_ =	swait.ge [sflag:s3], $0x40  }
0x1e: {  	[sflag:s3] =	ssyncset.done $0x0  }
0x1f: {  	[sflag:s3] =	ssyncadd.s32 $0xFFFFFFC0  }
0x20: {  	v1 =	vld [tilespmem:$0x0]  }
0x21: {  	v2 =	vld [tilespmem:$0x10]  }
0x22: {  	v3 =	vld [tilespmem:$0x20]  }
0x23: {  	v4 =	vld [tilespmem:$0x30];
	_ =	sdelay $0x1  }
0x24: {  	vm0 =	veq.s32 v1, $0x0  }
0x25: {  	v1 =	vsel vm0, $0x0, v0;
	vm0 =	veq.s32 v2, $0x0  }
0x26: {  	v2 =	vsel vm0, $0x0, v0;
	vm0 =	veq.s32 v3, $0x0  }
0x27: {  	v1 =	vadd.f32 v2, v1;
	v2 =	vsel vm0, $0x0, v0;
	vm0 =	veq.s32 v4, $0x0;
	_ =	sdelay $0x1  }
0x28: {  	v1 =	vadd.f32 v2, v1;
	v2 =	vsel vm0, $0x0, v0;
	_ =	sdelay $0x1  }
.Ltmp1:
0x29: {  	v1 =	vadd.f32 v2, v1;
	(pc) =	sbr.rel @p0 .LBB2_1-.Ltmp1, $4  }
0x2a: {  	_ = 	snop  }
0x2b: {  	[tilespmem:$0x80] =	vst v1  }
0x2c: {  	[hbm4b:s5+s2] =	stream.linear.scatter [tilespmem:s6], [sflag:$0x1], $0x80, $0x38;
	[tilespmem:$0x100] =	vst v63  }
0x2d: {  	_ =	swait.ge [sflag:s3], $0x80  }
.LBB2_2:
0x2e: {  	[sflag:s3] =	ssyncset.done $0x0  }
0x2f: {  	[sflag:s3] =	ssyncadd.s32 $0xFFFFFF80  }
0x30: {  	_ =	sfence.sel $0x180000  }
0x31: {  	[bflag:$0x0] =	sbarrier.arrive $0xFFFF  }
0x32: {  	p0 =	sne.s32 s0, $0x0;
	_ =	strace $0x90000047  }
0x33: {  	s0 =	sadd.s32 @!p0 $0x100000, s1;
	[bflag:$0x2] =	sbarrier.arrive $0xFFFF  }
0x34: {  	[sflag:s0] =	ssyncadd.tile.s32 @!p0 $0x1;
	_ =	shalt  }
.Lfunc_end2:
_tile_overlayer_lowered:
.L_overlay_start_2:
0x35: {  	(tag) =	ssettag $0x2  }
0x36: {  	s0 =	rddreg [dreg:$0x0];
	s2 =	stileid.u32  }
0x37: {  	s1 =	rddreg [dreg:$0x1];
	p0 =	sne.s32 s2, $0x0  }
0x38: {  	s3 =	rddreg [dreg:$0x2];
	[bflag:$0x3] =	sbarrier.arrive $0xFFFF;
	s2 =	simm.s32 @!p0 $0x1C01  }
0x39: {  	[timem:s3], [sflag:s2] =	dma.local @!p0 [hbm:s0], s1  }
0x3a: {  	s0 =	simm.s32 @!p0 $0x1  }
0x3b: {  	_ =	swait.ge @!p0 [sflag:s0], s1  }
0x3c: {  	s1 =	ssub.s32 @!p0 $0x0, s1;
	[sflag:s0] =	ssyncset.done @!p0 $0x0  }
0x3d: {  	[sflag:s0] =	ssyncadd.s32 @!p0 s1  }
0x3e: {  	[bflag:$0x3] =	sbarrier.arrive $0xFFFF  }
0x3f: {  	_ =	shalt  }

</sc_bundles>
